<compile_context>
chip_gen: v7x
topology: tpu7x:2x2x1
jax: 0.10.2.dev20260603
libtpu: 0.0.44.dev20260713+nightly
codegen_flags: <defaults>
</compile_context>

<pallas_src>
import functools

import jax
import jax.numpy as jnp
from jax import lax
from jax.experimental import pallas as pl
from jax.experimental.pallas import tpu as pltpu
from jax.experimental.pallas import tpu_sc as plsc

N_CLASSES = 1000000
EMBED_SIZE = 64
BATCH = 16384

_NC = 2
_NS = 16
_NW = _NC * _NS
_B_PER_W = BATCH // _NW
_NSLOTS = 14


def _make_kernel():
    mesh = plsc.VectorSubcoreMesh(core_axis_name="c", subcore_axis_name="s")

    @functools.partial(
        pl.kernel,
        mesh=mesh,
        out_type=jax.ShapeDtypeStruct((EMBED_SIZE, BATCH), jnp.float32),
        compiler_params=pltpu.CompilerParams(needs_layout_passes=False),
        scratch_types=[
            pltpu.VMEM((_B_PER_W + 16,), jnp.int32),
            pltpu.VMEM((_NSLOTS, EMBED_SIZE, 128), jnp.float32),
            pltpu.VMEM((EMBED_SIZE, 128), jnp.float32),
        ]
        + [pltpu.SemaphoreType.DMA] * _NSLOTS,
    )
    def embed(labels_hbm, table_t_hbm, out_t_hbm, idx_v, blk_v, colq_v, *sems):
        wid = lax.axis_index("s") * _NC + lax.axis_index("c")
        base = wid * _B_PER_W
        pltpu.sync_copy(labels_hbm.at[pl.ds(base, _B_PER_W)], idx_v.at[pl.ds(0, _B_PER_W)])

        iota16 = lax.iota(jnp.int32, 16)

        def fire(p, slot):
            v = idx_v[pl.ds(p, 16)]
            grp = v[0] >> 7
            start = pl.multiple_of(grp * 128, 128)
            pltpu.async_copy(
                table_t_hbm.at[:, pl.ds(start, 128)],
                blk_v.at[slot],
                sems[slot],
            )

        def drain(slot):
            pltpu.make_async_copy(
                table_t_hbm.at[:, pl.ds(0, 128)],
                blk_v.at[slot],
                sems[slot],
            ).wait()

        def extract(p, slot):
            v = idx_v[pl.ds(p, 16)]
            colv = jnp.full((16,), v[0] & 127, jnp.int32)
            ocols = jnp.full((16,), p & 127, jnp.int32)
            for e0 in range(0, EMBED_SIZE, 16):
                rows = jnp.full((16,), e0, jnp.int32) + iota16
                vals = plsc.load_gather(blk_v.at[slot], [rows, colv])
                plsc.store_scatter(colq_v, [rows, ocols], vals)

        for b in range(_NSLOTS):
            fire(b, b)

        def body(t, _):
            for b in range(_NSLOTS):
                p = t * _NSLOTS + b

                @pl.when(p < _B_PER_W)
                def _():
                    drain(b)
                    extract(p, b)

                    @pl.when(p + _NSLOTS < _B_PER_W)
                    def _():
                        fire(p + _NSLOTS, b)

                    @pl.when((p & 127) == 127)
                    def _():
                        q = p >> 7
                        off = pl.multiple_of(base + q * 128, 128)
                        pltpu.sync_copy(colq_v, out_t_hbm.at[:, pl.ds(off, 128)])

            return ()

        lax.fori_loop(0, (_B_PER_W + _NSLOTS - 1) // _NSLOTS, body, ())

    return embed


_embed = jax.jit(_make_kernel())


def kernel(labels, table):
    out_t = _embed(labels, table.T)
    return out_t.T

# --- scband reference (transcript-rebuilt; emitter-appended) ---
"""Pipeline reference for scband-label-embedding-20083267076439 (READ-ONLY COPY).

The authoritative reference and input builder live on the scoring server;
editing this copy changes nothing except your own understanding.
"""

import jax, jax.numpy as jnp
import numpy as np

N_CLASSES = 1000000
EMBED_SIZE = 64
BATCH = 16384


def setup_inputs(seed: int = 0) -> dict:
    key = jax.random.key(seed)
    k_idx, k_tab = jax.random.split(key)
    labels = jax.random.randint(k_idx, (BATCH,), 0, N_CLASSES, dtype=jnp.int64 if jax.config.jax_enable_x64 else jnp.int32)
    # embedding table (learned parameter), init like nn.Embedding: N(0, 1)
    table = jax.random.normal(k_tab, (N_CLASSES, EMBED_SIZE), dtype=jnp.float32)
    return {"labels": labels, "table": table}


def reference(labels, table):
    # nn.Embedding forward: row gather from the table
    return jnp.take(table, labels, axis=0)

if __name__ == "__main__":
    import jax
    _d = setup_inputs()
    print(jax.jit(kernel)(*tuple(_d.values())))

</pallas_src>

<mosaic_0001>
#map = affine_map<(d0, d1) -> (0)>
#map1 = affine_map<(d0, d1) -> (0, 0)>
module attributes {stable_mosaic.version = 14 : i64} {
  func.func @embed(%arg0: i32, %arg1: i32, %arg2: memref<16384xi32, #tpu.memory_space<hbm>>, %arg3: memref<64x1000000xf32, #tpu.memory_space<hbm>>, %arg4: memref<64x16384xf32, #tpu.memory_space<hbm>>, %arg5: memref<528xi32, #tpu.memory_space<vmem>>, %arg6: memref<14x64x128xf32, #tpu.memory_space<vmem>>, %arg7: memref<64x128xf32, #tpu.memory_space<vmem>>, %arg8: memref<!tpu.dma_semaphore, #tpu.memory_space<semaphore_mem>>, %arg9: memref<!tpu.dma_semaphore, #tpu.memory_space<semaphore_mem>>, %arg10: memref<!tpu.dma_semaphore, #tpu.memory_space<semaphore_mem>>, %arg11: memref<!tpu.dma_semaphore, #tpu.memory_space<semaphore_mem>>, %arg12: memref<!tpu.dma_semaphore, #tpu.memory_space<semaphore_mem>>, %arg13: memref<!tpu.dma_semaphore, #tpu.memory_space<semaphore_mem>>, %arg14: memref<!tpu.dma_semaphore, #tpu.memory_space<semaphore_mem>>, %arg15: memref<!tpu.dma_semaphore, #tpu.memory_space<semaphore_mem>>, %arg16: memref<!tpu.dma_semaphore, #tpu.memory_space<semaphore_mem>>, %arg17: memref<!tpu.dma_semaphore, #tpu.memory_space<semaphore_mem>>, %arg18: memref<!tpu.dma_semaphore, #tpu.memory_space<semaphore_mem>>, %arg19: memref<!tpu.dma_semaphore, #tpu.memory_space<semaphore_mem>>, %arg20: memref<!tpu.dma_semaphore, #tpu.memory_space<semaphore_mem>>, %arg21: memref<!tpu.dma_semaphore, #tpu.memory_space<semaphore_mem>>) attributes {dimension_semantics = [#tpu.dimension_semantics<core_parallel>, #tpu.dimension_semantics<subcore_parallel>], iteration_bounds = array<i64: 2, 16>, scalar_prefetch = 0 : i64, scratch_operands = 17 : i64, tpu.core_type = #tpu.core_type<sc_vector_subcore>, window_params = [{transform_indices = #map}, {transform_indices = #map1}, {transform_indices = #map1}]} {
    %mul3A = arith.constant 2 : i32
    %mul3A_0 = arith.muli %arg1, %mul3A : i32
    %add3A = arith.addi %mul3A_0, %arg0 : i32
    %mul3A_1 = arith.constant 512 : i32
    %mul3A_2 = arith.muli %add3A, %mul3A_1 : i32
    "tpu.region"() ({
      %run_scoped3A = tpu.sem_alloc : memref<!tpu.dma_semaphore, #tpu.memory_space<semaphore_mem>>
      %dma_start3A_309 = arith.constant 0 : i32
      %dma_start3A_310 = tpu.memref_slice %arg5[%dma_start3A_309] : memref<528xi32, #tpu.memory_space<vmem>> -> memref<512xi32, #tpu.memory_space<vmem>>
      %dma_start3A_311 = tpu.memref_slice %arg2[%mul3A_2] : memref<16384xi32, #tpu.memory_space<hbm>> -> memref<512xi32, #tpu.memory_space<hbm>>
      %dma_start3A_312 = arith.constant 0 : i32
      %dma_start3A_313 = tpu.memref_slice %arg5[%dma_start3A_312] : memref<528xi32, #tpu.memory_space<vmem>> -> memref<512xi32, #tpu.memory_space<vmem>>
      %dma_start3A_314 = tpu.memref_slice %arg2[%mul3A_2] : memref<16384xi32, #tpu.memory_space<hbm>> -> memref<512xi32, #tpu.memory_space<hbm>>
      tpu.enqueue_dma source(%dma_start3A_314 : memref<512xi32, #tpu.memory_space<hbm>>) target(%dma_start3A_313 : memref<512xi32, #tpu.memory_space<vmem>>) target_semaphore(%run_scoped3A : memref<!tpu.dma_semaphore, #tpu.memory_space<semaphore_mem>>)
      %dma_wait3A = arith.constant 0 : i32
      %dma_wait3A_315 = tpu.memref_slice %arg5[%dma_wait3A] : memref<528xi32, #tpu.memory_space<vmem>> -> memref<512xi32, #tpu.memory_space<vmem>>
      %dma_wait3A_316 = tpu.memref_slice %arg2[%mul3A_2] : memref<16384xi32, #tpu.memory_space<hbm>> -> memref<512xi32, #tpu.memory_space<hbm>>
      %dma_wait3A_317 = arith.constant 0 : i32
      %dma_wait3A_318 = tpu.memref_slice %arg5[%dma_wait3A_317] : memref<528xi32, #tpu.memory_space<vmem>> -> memref<512xi32, #tpu.memory_space<vmem>>
      %dma_wait3A_319 = tpu.memref_slice %arg2[%mul3A_2] : memref<16384xi32, #tpu.memory_space<hbm>> -> memref<512xi32, #tpu.memory_space<hbm>>
      tpu.wait_dma2 semaphore(%run_scoped3A : memref<!tpu.dma_semaphore, #tpu.memory_space<semaphore_mem>>) src(%dma_wait3A_319 : memref<512xi32, #tpu.memory_space<hbm>>) dst(%dma_wait3A_318 : memref<512xi32, #tpu.memory_space<vmem>>)
      tpu.yield
    }) : () -> ()
    %iota3A = tpu.iota {dimensions = array<i32: 0>} : vector<16xi32>
    %get3A = arith.constant 0 : index
    %get3A_3 = tpu.vector_load %arg5[%get3A] {strides = array<i32>} : memref<528xi32, #tpu.memory_space<vmem>>, vector<16xi32>,
    %slice3A = vector.extract_strided_slice %get3A_3 {offsets = [0], sizes = [1], strides = [1]} : vector<16xi32> to vector<1xi32>
    %squeeze3A = vector.extract %slice3A[0] : i32 from vector<1xi32>
    %shift_right_arithmetic3A = arith.constant 7 : i32
    %shift_right_arithmetic3A_4 = arith.shrsi %squeeze3A, %shift_right_arithmetic3A : i32
    %mul3A_5 = arith.constant 128 : i32
    %mul3A_6 = arith.muli %shift_right_arithmetic3A_4, %mul3A_5 : i32
    %multiple_of3A = tpu.assume_multiple %mul3A_6, 128 : i32
    %dma_start3A = arith.constant 0 : i32
    %dma_start3A_7 = arith.constant 0 : i32
    %dma_start3A_8 = arith.constant 0 : i32
    %dma_start3A_9 = tpu.memref_slice %arg6[%dma_start3A, %dma_start3A_7, %dma_start3A_8] : memref<14x64x128xf32, #tpu.memory_space<vmem>> -> memref<1x64x128xf32, #tpu.memory_space<vmem>>
    %dma_start3A_10 = tpu.memref_squeeze %dma_start3A_9 : memref<1x64x128xf32, #tpu.memory_space<vmem>> -> memref<64x128xf32, #tpu.memory_space<vmem>>
    %dma_start3A_11 = arith.constant 0 : i32
    %dma_start3A_12 = tpu.memref_slice %arg3[%dma_start3A_11, %multiple_of3A] : memref<64x1000000xf32, #tpu.memory_space<hbm>> -> memref<64x128xf32, #tpu.memory_space<hbm>>
    %dma_start3A_13 = arith.constant 0 : i32
    %dma_start3A_14 = arith.constant 0 : i32
    %dma_start3A_15 = tpu.memref_slice %arg6[%dma_start3A, %dma_start3A_13, %dma_start3A_14] : memref<14x64x128xf32, #tpu.memory_space<vmem>> -> memref<1x64x128xf32, #tpu.memory_space<vmem>>
    %dma_start3A_16 = tpu.memref_squeeze %dma_start3A_15 : memref<1x64x128xf32, #tpu.memory_space<vmem>> -> memref<64x128xf32, #tpu.memory_space<vmem>>
    %dma_start3A_17 = arith.constant 0 : i32
    %dma_start3A_18 = tpu.memref_slice %arg3[%dma_start3A_17, %multiple_of3A] : memref<64x1000000xf32, #tpu.memory_space<hbm>> -> memref<64x128xf32, #tpu.memory_space<hbm>>
    tpu.enqueue_dma source(%dma_start3A_18 : memref<64x128xf32, #tpu.memory_space<hbm>>) target(%dma_start3A_16 : memref<64x128xf32, #tpu.memory_space<vmem>>) target_semaphore(%arg8 : memref<!tpu.dma_semaphore, #tpu.memory_space<semaphore_mem>>)
    %get3A_19 = arith.constant 1 : index
    %get3A_20 = tpu.vector_load %arg5[%get3A_19] {strides = array<i32>} : memref<528xi32, #tpu.memory_space<vmem>>, vector<16xi32>,
    %slice3A_21 = vector.extract_strided_slice %get3A_20 {offsets = [0], sizes = [1], strides = [1]} : vector<16xi32> to vector<1xi32>
    %squeeze3A_22 = vector.extract %slice3A_21[0] : i32 from vector<1xi32>
    %shift_right_arithmetic3A_23 = arith.constant 7 : i32
    %shift_right_arithmetic3A_24 = arith.shrsi %squeeze3A_22, %shift_right_arithmetic3A_23 : i32
    %mul3A_25 = arith.constant 128 : i32
    %mul3A_26 = arith.muli %shift_right_arithmetic3A_24, %mul3A_25 : i32
    %multiple_of3A_27 = tpu.assume_multiple %mul3A_26, 128 : i32
    %dma_start3A_28 = arith.constant 1 : i32
    %dma_start3A_29 = arith.constant 0 : i32
    %dma_start3A_30 = arith.constant 0 : i32
    %dma_start3A_31 = tpu.memref_slice %arg6[%dma_start3A_28, %dma_start3A_29, %dma_start3A_30] : memref<14x64x128xf32, #tpu.memory_space<vmem>> -> memref<1x64x128xf32, #tpu.memory_space<vmem>>
    %dma_start3A_32 = tpu.memref_squeeze %dma_start3A_31 : memref<1x64x128xf32, #tpu.memory_space<vmem>> -> memref<64x128xf32, #tpu.memory_space<vmem>>
    %dma_start3A_33 = arith.constant 0 : i32
    %dma_start3A_34 = tpu.memref_slice %arg3[%dma_start3A_33, %multiple_of3A_27] : memref<64x1000000xf32, #tpu.memory_space<hbm>> -> memref<64x128xf32, #tpu.memory_space<hbm>>
    %dma_start3A_35 = arith.constant 0 : i32
    %dma_start3A_36 = arith.constant 0 : i32
    %dma_start3A_37 = tpu.memref_slice %arg6[%dma_start3A_28, %dma_start3A_35, %dma_start3A_36] : memref<14x64x128xf32, #tpu.memory_space<vmem>> -> memref<1x64x128xf32, #tpu.memory_space<vmem>>
    %dma_start3A_38 = tpu.memref_squeeze %dma_start3A_37 : memref<1x64x128xf32, #tpu.memory_space<vmem>> -> memref<64x128xf32, #tpu.memory_space<vmem>>
    %dma_start3A_39 = arith.constant 0 : i32
    %dma_start3A_40 = tpu.memref_slice %arg3[%dma_start3A_39, %multiple_of3A_27] : memref<64x1000000xf32, #tpu.memory_space<hbm>> -> memref<64x128xf32, #tpu.memory_space<hbm>>
    tpu.enqueue_dma source(%dma_start3A_40 : memref<64x128xf32, #tpu.memory_space<hbm>>) target(%dma_start3A_38 : memref<64x128xf32, #tpu.memory_space<vmem>>) target_semaphore(%arg9 : memref<!tpu.dma_semaphore, #tpu.memory_space<semaphore_mem>>)
    %get3A_41 = arith.constant 2 : index
    %get3A_42 = tpu.vector_load %arg5[%get3A_41] {strides = array<i32>} : memref<528xi32, #tpu.memory_space<vmem>>, vector<16xi32>,
    %slice3A_43 = vector.extract_strided_slice %get3A_42 {offsets = [0], sizes = [1], strides = [1]} : vector<16xi32> to vector<1xi32>
    %squeeze3A_44 = vector.extract %slice3A_43[0] : i32 from vector<1xi32>
    %shift_right_arithmetic3A_45 = arith.constant 7 : i32
    %shift_right_arithmetic3A_46 = arith.shrsi %squeeze3A_44, %shift_right_arithmetic3A_45 : i32
    %mul3A_47 = arith.constant 128 : i32
    %mul3A_48 = arith.muli %shift_right_arithmetic3A_46, %mul3A_47 : i32
    %multiple_of3A_49 = tpu.assume_multiple %mul3A_48, 128 : i32
    %dma_start3A_50 = arith.constant 2 : i32
    %dma_start3A_51 = arith.constant 0 : i32
    %dma_start3A_52 = arith.constant 0 : i32
    %dma_start3A_53 = tpu.memref_slice %arg6[%dma_start3A_50, %dma_start3A_51, %dma_start3A_52] : memref<14x64x128xf32, #tpu.memory_space<vmem>> -> memref<1x64x128xf32, #tpu.memory_space<vmem>>
    %dma_start3A_54 = tpu.memref_squeeze %dma_start3A_53 : memref<1x64x128xf32, #tpu.memory_space<vmem>> -> memref<64x128xf32, #tpu.memory_space<vmem>>
    %dma_start3A_55 = arith.constant 0 : i32
    %dma_start3A_56 = tpu.memref_slice %arg3[%dma_start3A_55, %multiple_of3A_49] : memref<64x1000000xf32, #tpu.memory_space<hbm>> -> memref<64x128xf32, #tpu.memory_space<hbm>>
    %dma_start3A_57 = arith.constant 0 : i32
    %dma_start3A_58 = arith.constant 0 : i32
    %dma_start3A_59 = tpu.memref_slice %arg6[%dma_start3A_50, %dma_start3A_57, %dma_start3A_58] : memref<14x64x128xf32, #tpu.memory_space<vmem>> -> memref<1x64x128xf32, #tpu.memory_space<vmem>>
    %dma_start3A_60 = tpu.memref_squeeze %dma_start3A_59 : memref<1x64x128xf32, #tpu.memory_space<vmem>> -> memref<64x128xf32, #tpu.memory_space<vmem>>
    %dma_start3A_61 = arith.constant 0 : i32
    %dma_start3A_62 = tpu.memref_slice %arg3[%dma_start3A_61, %multiple_of3A_49] : memref<64x1000000xf32, #tpu.memory_space<hbm>> -> memref<64x128xf32, #tpu.memory_space<hbm>>
    tpu.enqueue_dma source(%dma_start3A_62 : memref<64x128xf32, #tpu.memory_space<hbm>>) target(%dma_start3A_60 : memref<64x128xf32, #tpu.memory_space<vmem>>) target_semaphore(%arg10 : memref<!tpu.dma_semaphore, #tpu.memory_space<semaphore_mem>>)
    %get3A_63 = arith.constant 3 : index
    %get3A_64 = tpu.vector_load %arg5[%get3A_63] {strides = array<i32>} : memref<528xi32, #tpu.memory_space<vmem>>, vector<16xi32>,
    %slice3A_65 = vector.extract_strided_slice %get3A_64 {offsets = [0], sizes = [1], strides = [1]} : vector<16xi32> to vector<1xi32>
    %squeeze3A_66 = vector.extract %slice3A_65[0] : i32 from vector<1xi32>
    %shift_right_arithmetic3A_67 = arith.constant 7 : i32
    %shift_right_arithmetic3A_68 = arith.shrsi %squeeze3A_66, %shift_right_arithmetic3A_67 : i32
    %mul3A_69 = arith.constant 128 : i32
    %mul3A_70 = arith.muli %shift_right_arithmetic3A_68, %mul3A_69 : i32
    %multiple_of3A_71 = tpu.assume_multiple %mul3A_70, 128 : i32
    %dma_start3A_72 = arith.constant 3 : i32
    %dma_start3A_73 = arith.constant 0 : i32
    %dma_start3A_74 = arith.constant 0 : i32
    %dma_start3A_75 = tpu.memref_slice %arg6[%dma_start3A_72, %dma_start3A_73, %dma_start3A_74] : memref<14x64x128xf32, #tpu.memory_space<vmem>> -> memref<1x64x128xf32, #tpu.memory_space<vmem>>
    %dma_start3A_76 = tpu.memref_squeeze %dma_start3A_75 : memref<1x64x128xf32, #tpu.memory_space<vmem>> -> memref<64x128xf32, #tpu.memory_space<vmem>>
    %dma_start3A_77 = arith.constant 0 : i32
    %dma_start3A_78 = tpu.memref_slice %arg3[%dma_start3A_77, %multiple_of3A_71] : memref<64x1000000xf32, #tpu.memory_space<hbm>> -> memref<64x128xf32, #tpu.memory_space<hbm>>
    %dma_start3A_79 = arith.constant 0 : i32
    %dma_start3A_80 = arith.constant 0 : i32
    %dma_start3A_81 = tpu.memref_slice %arg6[%dma_start3A_72, %dma_start3A_79, %dma_start3A_80] : memref<14x64x128xf32, #tpu.memory_space<vmem>> -> memref<1x64x128xf32, #tpu.memory_space<vmem>>
    %dma_start3A_82 = tpu.memref_squeeze %dma_start3A_81 : memref<1x64x128xf32, #tpu.memory_space<vmem>> -> memref<64x128xf32, #tpu.memory_space<vmem>>
    %dma_start3A_83 = arith.constant 0 : i32
    %dma_start3A_84 = tpu.memref_slice %arg3[%dma_start3A_83, %multiple_of3A_71] : memref<64x1000000xf32, #tpu.memory_space<hbm>> -> memref<64x128xf32, #tpu.memory_space<hbm>>
    tpu.enqueue_dma source(%dma_start3A_84 : memref<64x128xf32, #tpu.memory_space<hbm>>) target(%dma_start3A_82 : memref<64x128xf32, #tpu.memory_space<vmem>>) target_semaphore(%arg11 : memref<!tpu.dma_semaphore, #tpu.memory_space<semaphore_mem>>)
    %get3A_85 = arith.constant 4 : index
    %get3A_86 = tpu.vector_load %arg5[%get3A_85] {strides = array<i32>} : memref<528xi32, #tpu.memory_space<vmem>>, vector<16xi32>,
    %slice3A_87 = vector.extract_strided_slice %get3A_86 {offsets = [0], sizes = [1], strides = [1]} : vector<16xi32> to vector<1xi32>
    %squeeze3A_88 = vector.extract %slice3A_87[0] : i32 from vector<1xi32>
    %shift_right_arithmetic3A_89 = arith.constant 7 : i32
    %shift_right_arithmetic3A_90 = arith.shrsi %squeeze3A_88, %shift_right_arithmetic3A_89 : i32
    %mul3A_91 = arith.constant 128 : i32
    %mul3A_92 = arith.muli %shift_right_arithmetic3A_90, %mul3A_91 : i32
    %multiple_of3A_93 = tpu.assume_multiple %mul3A_92, 128 : i32
    %dma_start3A_94 = arith.constant 4 : i32
    %dma_start3A_95 = arith.constant 0 : i32
    %dma_start3A_96 = arith.constant 0 : i32
    %dma_start3A_97 = tpu.memref_slice %arg6[%dma_start3A_94, %dma_start3A_95, %dma_start3A_96] : memref<14x64x128xf32, #tpu.memory_space<vmem>> -> memref<1x64x128xf32, #tpu.memory_space<vmem>>
    %dma_start3A_98 = tpu.memref_squeeze %dma_start3A_97 : memref<1x64x128xf32, #tpu.memory_space<vmem>> -> memref<64x128xf32, #tpu.memory_space<vmem>>
    %dma_start3A_99 = arith.constant 0 : i32
    %dma_start3A_100 = tpu.memref_slice %arg3[%dma_start3A_99, %multiple_of3A_93] : memref<64x1000000xf32, #tpu.memory_space<hbm>> -> memref<64x128xf32, #tpu.memory_space<hbm>>
    %dma_start3A_101 = arith.constant 0 : i32
    %dma_start3A_102 = arith.constant 0 : i32
    %dma_start3A_103 = tpu.memref_slice %arg6[%dma_start3A_94, %dma_start3A_101, %dma_start3A_102] : memref<14x64x128xf32, #tpu.memory_space<vmem>> -> memref<1x64x128xf32, #tpu.memory_space<vmem>>
    %dma_start3A_104 = tpu.memref_squeeze %dma_start3A_103 : memref<1x64x128xf32, #tpu.memory_space<vmem>> -> memref<64x128xf32, #tpu.memory_space<vmem>>
    %dma_start3A_105 = arith.constant 0 : i32
    %dma_start3A_106 = tpu.memref_slice %arg3[%dma_start3A_105, %multiple_of3A_93] : memref<64x1000000xf32, #tpu.memory_space<hbm>> -> memref<64x128xf32, #tpu.memory_space<hbm>>
    tpu.enqueue_dma source(%dma_start3A_106 : memref<64x128xf32, #tpu.memory_space<hbm>>) target(%dma_start3A_104 : memref<64x128xf32, #tpu.memory_space<vmem>>) target_semaphore(%arg12 : memref<!tpu.dma_semaphore, #tpu.memory_space<semaphore_mem>>)
    %get3A_107 = arith.constant 5 : index
    %get3A_108 = tpu.vector_load %arg5[%get3A_107] {strides = array<i32>} : memref<528xi32, #tpu.memory_space<vmem>>, vector<16xi32>,
    %slice3A_109 = vector.extract_strided_slice %get3A_108 {offsets = [0], sizes = [1], strides = [1]} : vector<16xi32> to vector<1xi32>
    %squeeze3A_110 = vector.extract %slice3A_109[0] : i32 from vector<1xi32>
    %shift_right_arithmetic3A_111 = arith.constant 7 : i32
    %shift_right_arithmetic3A_112 = arith.shrsi %squeeze3A_110, %shift_right_arithmetic3A_111 : i32
    %mul3A_113 = arith.constant 128 : i32
    %mul3A_114 = arith.muli %shift_right_arithmetic3A_112, %mul3A_113 : i32
    %multiple_of3A_115 = tpu.assume_multiple %mul3A_114, 128 : i32
    %dma_start3A_116 = arith.constant 5 : i32
    %dma_start3A_117 = arith.constant 0 : i32
    %dma_start3A_118 = arith.constant 0 : i32
    %dma_start3A_119 = tpu.memref_slice %arg6[%dma_start3A_116, %dma_start3A_117, %dma_start3A_118] : memref<14x64x128xf32, #tpu.memory_space<vmem>> -> memref<1x64x128xf32, #tpu.memory_space<vmem>>
    %dma_start3A_120 = tpu.memref_squeeze %dma_start3A_119 : memref<1x64x128xf32, #tpu.memory_space<vmem>> -> memref<64x128xf32, #tpu.memory_space<vmem>>
    %dma_start3A_121 = arith.constant 0 : i32
    %dma_start3A_122 = tpu.memref_slice %arg3[%dma_start3A_121, %multiple_of3A_115] : memref<64x1000000xf32, #tpu.memory_space<hbm>> -> memref<64x128xf32, #tpu.memory_space<hbm>>
    %dma_start3A_123 = arith.constant 0 : i32
    %dma_start3A_124 = arith.constant 0 : i32
    %dma_start3A_125 = tpu.memref_slice %arg6[%dma_start3A_116, %dma_start3A_123, %dma_start3A_124] : memref<14x64x128xf32, #tpu.memory_space<vmem>> -> memref<1x64x128xf32, #tpu.memory_space<vmem>>
    %dma_start3A_126 = tpu.memref_squeeze %dma_start3A_125 : memref<1x64x128xf32, #tpu.memory_space<vmem>> -> memref<64x128xf32, #tpu.memory_space<vmem>>
    %dma_start3A_127 = arith.constant 0 : i32
    %dma_start3A_128 = tpu.memref_slice %arg3[%dma_start3A_127, %multiple_of3A_115] : memref<64x1000000xf32, #tpu.memory_space<hbm>> -> memref<64x128xf32, #tpu.memory_space<hbm>>
    tpu.enqueue_dma source(%dma_start3A_128 : memref<64x128xf32, #tpu.memory_space<hbm>>) target(%dma_start3A_126 : memref<64x128xf32, #tpu.memory_space<vmem>>) target_semaphore(%arg13 : memref<!tpu.dma_semaphore, #tpu.memory_space<semaphore_mem>>)
    %get3A_129 = arith.constant 6 : index
    %get3A_130 = tpu.vector_load %arg5[%get3A_129] {strides = array<i32>} : memref<528xi32, #tpu.memory_space<vmem>>, vector<16xi32>,
    %slice3A_131 = vector.extract_strided_slice %get3A_130 {offsets = [0], sizes = [1], strides = [1]} : vector<16xi32> to vector<1xi32>
    %squeeze3A_132 = vector.extract %slice3A_131[0] : i32 from vector<1xi32>
    %shift_right_arithmetic3A_133 = arith.constant 7 : i32
    %shift_right_arithmetic3A_134 = arith.shrsi %squeeze3A_132, %shift_right_arithmetic3A_133 : i32
    %mul3A_135 = arith.constant 128 : i32
    %mul3A_136 = arith.muli %shift_right_arithmetic3A_134, %mul3A_135 : i32
    %multiple_of3A_137 = tpu.assume_multiple %mul3A_136, 128 : i32
    %dma_start3A_138 = arith.constant 6 : i32
    %dma_start3A_139 = arith.constant 0 : i32
    %dma_start3A_140 = arith.constant 0 : i32
    %dma_start3A_141 = tpu.memref_slice %arg6[%dma_start3A_138, %dma_start3A_139, %dma_start3A_140] : memref<14x64x128xf32, #tpu.memory_space<vmem>> -> memref<1x64x128xf32, #tpu.memory_space<vmem>>
    %dma_start3A_142 = tpu.memref_squeeze %dma_start3A_141 : memref<1x64x128xf32, #tpu.memory_space<vmem>> -> memref<64x128xf32, #tpu.memory_space<vmem>>
    %dma_start3A_143 = arith.constant 0 : i32
    %dma_start3A_144 = tpu.memref_slice %arg3[%dma_start3A_143, %multiple_of3A_137] : memref<64x1000000xf32, #tpu.memory_space<hbm>> -> memref<64x128xf32, #tpu.memory_space<hbm>>
    %dma_start3A_145 = arith.constant 0 : i32
    %dma_start3A_146 = arith.constant 0 : i32
    %dma_start3A_147 = tpu.memref_slice %arg6[%dma_start3A_138, %dma_start3A_145, %dma_start3A_146] : memref<14x64x128xf32, #tpu.memory_space<vmem>> -> memref<1x64x128xf32, #tpu.memory_space<vmem>>
    %dma_start3A_148 = tpu.memref_squeeze %dma_start3A_147 : memref<1x64x128xf32, #tpu.memory_space<vmem>> -> memref<64x128xf32, #tpu.memory_space<vmem>>
    %dma_start3A_149 = arith.constant 0 : i32
    %dma_start3A_150 = tpu.memref_slice %arg3[%dma_start3A_149, %multiple_of3A_137] : memref<64x1000000xf32, #tpu.memory_space<hbm>> -> memref<64x128xf32, #tpu.memory_space<hbm>>
    tpu.enqueue_dma source(%dma_start3A_150 : memref<64x128xf32, #tpu.memory_space<hbm>>) target(%dma_start3A_148 : memref<64x128xf32, #tpu.memory_space<vmem>>) target_semaphore(%arg14 : memref<!tpu.dma_semaphore, #tpu.memory_space<semaphore_mem>>)
    %get3A_151 = arith.constant 7 : index
    %get3A_152 = tpu.vector_load %arg5[%get3A_151] {strides = array<i32>} : memref<528xi32, #tpu.memory_space<vmem>>, vector<16xi32>,
    %slice3A_153 = vector.extract_strided_slice %get3A_152 {offsets = [0], sizes = [1], strides = [1]} : vector<16xi32> to vector<1xi32>
    %squeeze3A_154 = vector.extract %slice3A_153[0] : i32 from vector<1xi32>
    %shift_right_arithmetic3A_155 = arith.constant 7 : i32
    %shift_right_arithmetic3A_156 = arith.shrsi %squeeze3A_154, %shift_right_arithmetic3A_155 : i32
    %mul3A_157 = arith.constant 128 : i32
    %mul3A_158 = arith.muli %shift_right_arithmetic3A_156, %mul3A_157 : i32
    %multiple_of3A_159 = tpu.assume_multiple %mul3A_158, 128 : i32
    %dma_start3A_160 = arith.constant 7 : i32
    %dma_start3A_161 = arith.constant 0 : i32
    %dma_start3A_162 = arith.constant 0 : i32
    %dma_start3A_163 = tpu.memref_slice %arg6[%dma_start3A_160, %dma_start3A_161, %dma_start3A_162] : memref<14x64x128xf32, #tpu.memory_space<vmem>> -> memref<1x64x128xf32, #tpu.memory_space<vmem>>
    %dma_start3A_164 = tpu.memref_squeeze %dma_start3A_163 : memref<1x64x128xf32, #tpu.memory_space<vmem>> -> memref<64x128xf32, #tpu.memory_space<vmem>>
    %dma_start3A_165 = arith.constant 0 : i32
    %dma_start3A_166 = tpu.memref_slice %arg3[%dma_start3A_165, %multiple_of3A_159] : memref<64x1000000xf32, #tpu.memory_space<hbm>> -> memref<64x128xf32, #tpu.memory_space<hbm>>
    %dma_start3A_167 = arith.constant 0 : i32
    %dma_start3A_168 = arith.constant 0 : i32
    %dma_start3A_169 = tpu.memref_slice %arg6[%dma_start3A_160, %dma_start3A_167, %dma_start3A_168] : memref<14x64x128xf32, #tpu.memory_space<vmem>> -> memref<1x64x128xf32, #tpu.memory_space<vmem>>
    %dma_start3A_170 = tpu.memref_squeeze %dma_start3A_169 : memref<1x64x128xf32, #tpu.memory_space<vmem>> -> memref<64x128xf32, #tpu.memory_space<vmem>>
    %dma_start3A_171 = arith.constant 0 : i32
    %dma_start3A_172 = tpu.memref_slice %arg3[%dma_start3A_171, %multiple_of3A_159] : memref<64x1000000xf32, #tpu.memory_space<hbm>> -> memref<64x128xf32, #tpu.memory_space<hbm>>
    tpu.enqueue_dma source(%dma_start3A_172 : memref<64x128xf32, #tpu.memory_space<hbm>>) target(%dma_start3A_170 : memref<64x128xf32, #tpu.memory_space<vmem>>) target_semaphore(%arg15 : memref<!tpu.dma_semaphore, #tpu.memory_space<semaphore_mem>>)
    %get3A_173 = arith.constant 8 : index
    %get3A_174 = tpu.vector_load %arg5[%get3A_173] {strides = array<i32>} : memref<528xi32, #tpu.memory_space<vmem>>, vector<16xi32>,
    %slice3A_175 = vector.extract_strided_slice %get3A_174 {offsets = [0], sizes = [1], strides = [1]} : vector<16xi32> to vector<1xi32>
    %squeeze3A_176 = vector.extract %slice3A_175[0] : i32 from vector<1xi32>
    %shift_right_arithmetic3A_177 = arith.constant 7 : i32
    %shift_right_arithmetic3A_178 = arith.shrsi %squeeze3A_176, %shift_right_arithmetic3A_177 : i32
    %mul3A_179 = arith.constant 128 : i32
    %mul3A_180 = arith.muli %shift_right_arithmetic3A_178, %mul3A_179 : i32
    %multiple_of3A_181 = tpu.assume_multiple %mul3A_180, 128 : i32
    %dma_start3A_182 = arith.constant 8 : i32
    %dma_start3A_183 = arith.constant 0 : i32
    %dma_start3A_184 = arith.constant 0 : i32
    %dma_start3A_185 = tpu.memref_slice %arg6[%dma_start3A_182, %dma_start3A_183, %dma_start3A_184] : memref<14x64x128xf32, #tpu.memory_space<vmem>> -> memref<1x64x128xf32, #tpu.memory_space<vmem>>
    %dma_start3A_186 = tpu.memref_squeeze %dma_start3A_185 : memref<1x64x128xf32, #tpu.memory_space<vmem>> -> memref<64x128xf32, #tpu.memory_space<vmem>>
    %dma_start3A_187 = arith.constant 0 : i32
    %dma_start3A_188 = tpu.memref_slice %arg3[%dma_start3A_187, %multiple_of3A_181] : memref<64x1000000xf32, #tpu.memory_space<hbm>> -> memref<64x128xf32, #tpu.memory_space<hbm>>
    %dma_start3A_189 = arith.constant 0 : i32
    %dma_start3A_190 = arith.constant 0 : i32
    %dma_start3A_191 = tpu.memref_slice %arg6[%dma_start3A_182, %dma_start3A_189, %dma_start3A_190] : memref<14x64x128xf32, #tpu.memory_space<vmem>> -> memref<1x64x128xf32, #tpu.memory_space<vmem>>
    %dma_start3A_192 = tpu.memref_squeeze %dma_start3A_191 : memref<1x64x128xf32, #tpu.memory_space<vmem>> -> memref<64x128xf32, #tpu.memory_space<vmem>>
    %dma_start3A_193 = arith.constant 0 : i32
    %dma_start3A_194 = tpu.memref_slice %arg3[%dma_start3A_193, %multiple_of3A_181] : memref<64x1000000xf32, #tpu.memory_space<hbm>> -> memref<64x128xf32, #tpu.memory_space<hbm>>
    tpu.enqueue_dma source(%dma_start3A_194 : memref<64x128xf32, #tpu.memory_space<hbm>>) target(%dma_start3A_192 : memref<64x128xf32, #tpu.memory_space<vmem>>) target_semaphore(%arg16 : memref<!tpu.dma_semaphore, #tpu.memory_space<semaphore_mem>>)
    %get3A_195 = arith.constant 9 : index
    %get3A_196 = tpu.vector_load %arg5[%get3A_195] {strides = array<i32>} : memref<528xi32, #tpu.memory_space<vmem>>, vector<16xi32>,
    %slice3A_197 = vector.extract_strided_slice %get3A_196 {offsets = [0], sizes = [1], strides = [1]} : vector<16xi32> to vector<1xi32>
    %squeeze3A_198 = vector.extract %slice3A_197[0] : i32 from vector<1xi32>
    %shift_right_arithmetic3A_199 = arith.constant 7 : i32
    %shift_right_arithmetic3A_200 = arith.shrsi %squeeze3A_198, %shift_right_arithmetic3A_199 : i32
    %mul3A_201 = arith.constant 128 : i32
    %mul3A_202 = arith.muli %shift_right_arithmetic3A_200, %mul3A_201 : i32
    %multiple_of3A_203 = tpu.assume_multiple %mul3A_202, 128 : i32
    %dma_start3A_204 = arith.constant 9 : i32
    %dma_start3A_205 = arith.constant 0 : i32
    %dma_start3A_206 = arith.constant 0 : i32
    %dma_start3A_207 = tpu.memref_slice %arg6[%dma_start3A_204, %dma_start3A_205, %dma_start3A_206] : memref<14x64x128xf32, #tpu.memory_space<vmem>> -> memref<1x64x128xf32, #tpu.memory_space<vmem>>
    %dma_start3A_208 = tpu.memref_squeeze %dma_start3A_207 : memref<1x64x128xf32, #tpu.memory_space<vmem>> -> memref<64x128xf32, #tpu.memory_space<vmem>>
    %dma_start3A_209 = arith.constant 0 : i32
    %dma_start3A_210 = tpu.memref_slice %arg3[%dma_start3A_209, %multiple_of3A_203] : memref<64x1000000xf32, #tpu.memory_space<hbm>> -> memref<64x128xf32, #tpu.memory_space<hbm>>
    %dma_start3A_211 = arith.constant 0 : i32
    %dma_start3A_212 = arith.constant 0 : i32
    %dma_start3A_213 = tpu.memref_slice %arg6[%dma_start3A_204, %dma_start3A_211, %dma_start3A_212] : memref<14x64x128xf32, #tpu.memory_space<vmem>> -> memref<1x64x128xf32, #tpu.memory_space<vmem>>
    %dma_start3A_214 = tpu.memref_squeeze %dma_start3A_213 : memref<1x64x128xf32, #tpu.memory_space<vmem>> -> memref<64x128xf32, #tpu.memory_space<vmem>>
    %dma_start3A_215 = arith.constant 0 : i32
    %dma_start3A_216 = tpu.memref_slice %arg3[%dma_start3A_215, %multiple_of3A_203] : memref<64x1000000xf32, #tpu.memory_space<hbm>> -> memref<64x128xf32, #tpu.memory_space<hbm>>
    tpu.enqueue_dma source(%dma_start3A_216 : memref<64x128xf32, #tpu.memory_space<hbm>>) target(%dma_start3A_214 : memref<64x128xf32, #tpu.memory_space<vmem>>) target_semaphore(%arg17 : memref<!tpu.dma_semaphore, #tpu.memory_space<semaphore_mem>>)
    %get3A_217 = arith.constant 10 : index
    %get3A_218 = tpu.vector_load %arg5[%get3A_217] {strides = array<i32>} : memref<528xi32, #tpu.memory_space<vmem>>, vector<16xi32>,
    %slice3A_219 = vector.extract_strided_slice %get3A_218 {offsets = [0], sizes = [1], strides = [1]} : vector<16xi32> to vector<1xi32>
    %squeeze3A_220 = vector.extract %slice3A_219[0] : i32 from vector<1xi32>
    %shift_right_arithmetic3A_221 = arith.constant 7 : i32
    %shift_right_arithmetic3A_222 = arith.shrsi %squeeze3A_220, %shift_right_arithmetic3A_221 : i32
    %mul3A_223 = arith.constant 128 : i32
    %mul3A_224 = arith.muli %shift_right_arithmetic3A_222, %mul3A_223 : i32
    %multiple_of3A_225 = tpu.assume_multiple %mul3A_224, 128 : i32
    %dma_start3A_226 = arith.constant 10 : i32
    %dma_start3A_227 = arith.constant 0 : i32
    %dma_start3A_228 = arith.constant 0 : i32
    %dma_start3A_229 = tpu.memref_slice %arg6[%dma_start3A_226, %dma_start3A_227, %dma_start3A_228] : memref<14x64x128xf32, #tpu.memory_space<vmem>> -> memref<1x64x128xf32, #tpu.memory_space<vmem>>
    %dma_start3A_230 = tpu.memref_squeeze %dma_start3A_229 : memref<1x64x128xf32, #tpu.memory_space<vmem>> -> memref<64x128xf32, #tpu.memory_space<vmem>>
    %dma_start3A_231 = arith.constant 0 : i32
    %dma_start3A_232 = tpu.memref_slice %arg3[%dma_start3A_231, %multiple_of3A_225] : memref<64x1000000xf32, #tpu.memory_space<hbm>> -> memref<64x128xf32, #tpu.memory_space<hbm>>
    %dma_start3A_233 = arith.constant 0 : i32
    %dma_start3A_234 = arith.constant 0 : i32
    %dma_start3A_235 = tpu.memref_slice %arg6[%dma_start3A_226, %dma_start3A_233, %dma_start3A_234] : memref<14x64x128xf32, #tpu.memory_space<vmem>> -> memref<1x64x128xf32, #tpu.memory_space<vmem>>
    %dma_start3A_236 = tpu.memref_squeeze %dma_start3A_235 : memref<1x64x128xf32, #tpu.memory_space<vmem>> -> memref<64x128xf32, #tpu.memory_space<vmem>>
    %dma_start3A_237 = arith.constant 0 : i32
    %dma_start3A_238 = tpu.memref_slice %arg3[%dma_start3A_237, %multiple_of3A_225] : memref<64x1000000xf32, #tpu.memory_space<hbm>> -> memref<64x128xf32, #tpu.memory_space<hbm>>
    tpu.enqueue_dma source(%dma_start3A_238 : memref<64x128xf32, #tpu.memory_space<hbm>>) target(%dma_start3A_236 : memref<64x128xf32, #tpu.memory_space<vmem>>) target_semaphore(%arg18 : memref<!tpu.dma_semaphore, #tpu.memory_space<semaphore_mem>>)
    %get3A_239 = arith.constant 11 : index
    %get3A_240 = tpu.vector_load %arg5[%get3A_239] {strides = array<i32>} : memref<528xi32, #tpu.memory_space<vmem>>, vector<16xi32>,
    %slice3A_241 = vector.extract_strided_slice %get3A_240 {offsets = [0], sizes = [1], strides = [1]} : vector<16xi32> to vector<1xi32>
    %squeeze3A_242 = vector.extract %slice3A_241[0] : i32 from vector<1xi32>
    %shift_right_arithmetic3A_243 = arith.constant 7 : i32
    %shift_right_arithmetic3A_244 = arith.shrsi %squeeze3A_242, %shift_right_arithmetic3A_243 : i32
    %mul3A_245 = arith.constant 128 : i32
    %mul3A_246 = arith.muli %shift_right_arithmetic3A_244, %mul3A_245 : i32
    %multiple_of3A_247 = tpu.assume_multiple %mul3A_246, 128 : i32
    %dma_start3A_248 = arith.constant 11 : i32
    %dma_start3A_249 = arith.constant 0 : i32
    %dma_start3A_250 = arith.constant 0 : i32
    %dma_start3A_251 = tpu.memref_slice %arg6[%dma_start3A_248, %dma_start3A_249, %dma_start3A_250] : memref<14x64x128xf32, #tpu.memory_space<vmem>> -> memref<1x64x128xf32, #tpu.memory_space<vmem>>
    %dma_start3A_252 = tpu.memref_squeeze %dma_start3A_251 : memref<1x64x128xf32, #tpu.memory_space<vmem>> -> memref<64x128xf32, #tpu.memory_space<vmem>>
    %dma_start3A_253 = arith.constant 0 : i32
    %dma_start3A_254 = tpu.memref_slice %arg3[%dma_start3A_253, %multiple_of3A_247] : memref<64x1000000xf32, #tpu.memory_space<hbm>> -> memref<64x128xf32, #tpu.memory_space<hbm>>
    %dma_start3A_255 = arith.constant 0 : i32
    %dma_start3A_256 = arith.constant 0 : i32
    %dma_start3A_257 = tpu.memref_slice %arg6[%dma_start3A_248, %dma_start3A_255, %dma_start3A_256] : memref<14x64x128xf32, #tpu.memory_space<vmem>> -> memref<1x64x128xf32, #tpu.memory_space<vmem>>
    %dma_start3A_258 = tpu.memref_squeeze %dma_start3A_257 : memref<1x64x128xf32, #tpu.memory_space<vmem>> -> memref<64x128xf32, #tpu.memory_space<vmem>>
    %dma_start3A_259 = arith.constant 0 : i32
    %dma_start3A_260 = tpu.memref_slice %arg3[%dma_start3A_259, %multiple_of3A_247] : memref<64x1000000xf32, #tpu.memory_space<hbm>> -> memref<64x128xf32, #tpu.memory_space<hbm>>
    tpu.enqueue_dma source(%dma_start3A_260 : memref<64x128xf32, #tpu.memory_space<hbm>>) target(%dma_start3A_258 : memref<64x128xf32, #tpu.memory_space<vmem>>) target_semaphore(%arg19 : memref<!tpu.dma_semaphore, #tpu.memory_space<semaphore_mem>>)
    %get3A_261 = arith.constant 12 : index
    %get3A_262 = tpu.vector_load %arg5[%get3A_261] {strides = array<i32>} : memref<528xi32, #tpu.memory_space<vmem>>, vector<16xi32>,
    %slice3A_263 = vector.extract_strided_slice %get3A_262 {offsets = [0], sizes = [1], strides = [1]} : vector<16xi32> to vector<1xi32>
    %squeeze3A_264 = vector.extract %slice3A_263[0] : i32 from vector<1xi32>
    %shift_right_arithmetic3A_265 = arith.constant 7 : i32
    %shift_right_arithmetic3A_266 = arith.shrsi %squeeze3A_264, %shift_right_arithmetic3A_265 : i32
    %mul3A_267 = arith.constant 128 : i32
    %mul3A_268 = arith.muli %shift_right_arithmetic3A_266, %mul3A_267 : i32
    %multiple_of3A_269 = tpu.assume_multiple %mul3A_268, 128 : i32
    %dma_start3A_270 = arith.constant 12 : i32
    %dma_start3A_271 = arith.constant 0 : i32
    %dma_start3A_272 = arith.constant 0 : i32
    %dma_start3A_273 = tpu.memref_slice %arg6[%dma_start3A_270, %dma_start3A_271, %dma_start3A_272] : memref<14x64x128xf32, #tpu.memory_space<vmem>> -> memref<1x64x128xf32, #tpu.memory_space<vmem>>
    %dma_start3A_274 = tpu.memref_squeeze %dma_start3A_273 : memref<1x64x128xf32, #tpu.memory_space<vmem>> -> memref<64x128xf32, #tpu.memory_space<vmem>>
    %dma_start3A_275 = arith.constant 0 : i32
    %dma_start3A_276 = tpu.memref_slice %arg3[%dma_start3A_275, %multiple_of3A_269] : memref<64x1000000xf32, #tpu.memory_space<hbm>> -> memref<64x128xf32, #tpu.memory_space<hbm>>
    %dma_start3A_277 = arith.constant 0 : i32
    %dma_start3A_278 = arith.constant 0 : i32
    %dma_start3A_279 = tpu.memref_slice %arg6[%dma_start3A_270, %dma_start3A_277, %dma_start3A_278] : memref<14x64x128xf32, #tpu.memory_space<vmem>> -> memref<1x64x128xf32, #tpu.memory_space<vmem>>
    %dma_start3A_280 = tpu.memref_squeeze %dma_start3A_279 : memref<1x64x128xf32, #tpu.memory_space<vmem>> -> memref<64x128xf32, #tpu.memory_space<vmem>>
    %dma_start3A_281 = arith.constant 0 : i32
    %dma_start3A_282 = tpu.memref_slice %arg3[%dma_start3A_281, %multiple_of3A_269] : memref<64x1000000xf32, #tpu.memory_space<hbm>> -> memref<64x128xf32, #tpu.memory_space<hbm>>
    tpu.enqueue_dma source(%dma_start3A_282 : memref<64x128xf32, #tpu.memory_space<hbm>>) target(%dma_start3A_280 : memref<64x128xf32, #tpu.memory_space<vmem>>) target_semaphore(%arg20 : memref<!tpu.dma_semaphore, #tpu.memory_space<semaphore_mem>>)
    %get3A_283 = arith.constant 13 : index
    %get3A_284 = tpu.vector_load %arg5[%get3A_283] {strides = array<i32>} : memref<528xi32, #tpu.memory_space<vmem>>, vector<16xi32>,
    %slice3A_285 = vector.extract_strided_slice %get3A_284 {offsets = [0], sizes = [1], strides = [1]} : vector<16xi32> to vector<1xi32>
    %squeeze3A_286 = vector.extract %slice3A_285[0] : i32 from vector<1xi32>
    %shift_right_arithmetic3A_287 = arith.constant 7 : i32
    %shift_right_arithmetic3A_288 = arith.shrsi %squeeze3A_286, %shift_right_arithmetic3A_287 : i32
    %mul3A_289 = arith.constant 128 : i32
    %mul3A_290 = arith.muli %shift_right_arithmetic3A_288, %mul3A_289 : i32
    %multiple_of3A_291 = tpu.assume_multiple %mul3A_290, 128 : i32
    %dma_start3A_292 = arith.constant 13 : i32
    %dma_start3A_293 = arith.constant 0 : i32
    %dma_start3A_294 = arith.constant 0 : i32
    %dma_start3A_295 = tpu.memref_slice %arg6[%dma_start3A_292, %dma_start3A_293, %dma_start3A_294] : memref<14x64x128xf32, #tpu.memory_space<vmem>> -> memref<1x64x128xf32, #tpu.memory_space<vmem>>
    %dma_start3A_296 = tpu.memref_squeeze %dma_start3A_295 : memref<1x64x128xf32, #tpu.memory_space<vmem>> -> memref<64x128xf32, #tpu.memory_space<vmem>>
    %dma_start3A_297 = arith.constant 0 : i32
    %dma_start3A_298 = tpu.memref_slice %arg3[%dma_start3A_297, %multiple_of3A_291] : memref<64x1000000xf32, #tpu.memory_space<hbm>> -> memref<64x128xf32, #tpu.memory_space<hbm>>
    %dma_start3A_299 = arith.constant 0 : i32
    %dma_start3A_300 = arith.constant 0 : i32
    %dma_start3A_301 = tpu.memref_slice %arg6[%dma_start3A_292, %dma_start3A_299, %dma_start3A_300] : memref<14x64x128xf32, #tpu.memory_space<vmem>> -> memref<1x64x128xf32, #tpu.memory_space<vmem>>
    %dma_start3A_302 = tpu.memref_squeeze %dma_start3A_301 : memref<1x64x128xf32, #tpu.memory_space<vmem>> -> memref<64x128xf32, #tpu.memory_space<vmem>>
    %dma_start3A_303 = arith.constant 0 : i32
    %dma_start3A_304 = tpu.memref_slice %arg3[%dma_start3A_303, %multiple_of3A_291] : memref<64x1000000xf32, #tpu.memory_space<hbm>> -> memref<64x128xf32, #tpu.memory_space<hbm>>
    tpu.enqueue_dma source(%dma_start3A_304 : memref<64x128xf32, #tpu.memory_space<hbm>>) target(%dma_start3A_302 : memref<64x128xf32, #tpu.memory_space<vmem>>) target_semaphore(%arg21 : memref<!tpu.dma_semaphore, #tpu.memory_space<semaphore_mem>>)
    %scan3A = arith.constant 0 : i32
    %scan3A_305 = arith.constant 37 : i32
    %scan3A_306 = arith.addi %scan3A, %scan3A_305 : i32
    %scan3A_307 = arith.constant 1 : i32
    scf.for %scan3A_309 = %scan3A to %scan3A_306 step %scan3A_307  : i32 {
      %mul3A_310 = arith.constant 14 : i32
      %mul3A_311 = arith.muli %scan3A_309, %mul3A_310 : i32
      %add3A_312 = arith.constant 0 : i32
      %add3A_313 = arith.addi %mul3A_311, %add3A_312 : i32
      %lt3A = arith.constant 512 : i32
      %lt3A_314 = arith.cmpi slt, %add3A_313, %lt3A : i32
      %convert_element_type3A = arith.extui %lt3A_314 : i1 to i32
      %cond3A = arith.constant 0 : i32
      %cond3A_315 = arith.cmpi ne, %convert_element_type3A, %cond3A : i32
      scf.if %cond3A_315 {
        %dma_wait3A = arith.constant 0 : i32
        %dma_wait3A_433 = arith.constant 0 : i32
        %dma_wait3A_434 = arith.constant 0 : i32
        %dma_wait3A_435 = tpu.memref_slice %arg6[%dma_wait3A, %dma_wait3A_433, %dma_wait3A_434] : memref<14x64x128xf32, #tpu.memory_space<vmem>> -> memref<1x64x128xf32, #tpu.memory_space<vmem>>
        %dma_wait3A_436 = tpu.memref_squeeze %dma_wait3A_435 : memref<1x64x128xf32, #tpu.memory_space<vmem>> -> memref<64x128xf32, #tpu.memory_space<vmem>>
        %dma_wait3A_437 = arith.constant 0 : i32
        %dma_wait3A_438 = arith.constant 0 : i32
        %dma_wait3A_439 = tpu.memref_slice %arg3[%dma_wait3A_437, %dma_wait3A_438] : memref<64x1000000xf32, #tpu.memory_space<hbm>> -> memref<64x128xf32, #tpu.memory_space<hbm>>
        %dma_wait3A_440 = arith.constant 0 : i32
        %dma_wait3A_441 = arith.constant 0 : i32
        %dma_wait3A_442 = tpu.memref_slice %arg6[%dma_wait3A, %dma_wait3A_440, %dma_wait3A_441] : memref<14x64x128xf32, #tpu.memory_space<vmem>> -> memref<1x64x128xf32, #tpu.memory_space<vmem>>
        %dma_wait3A_443 = tpu.memref_squeeze %dma_wait3A_442 : memref<1x64x128xf32, #tpu.memory_space<vmem>> -> memref<64x128xf32, #tpu.memory_space<vmem>>
        %dma_wait3A_444 = arith.constant 0 : i32
        %dma_wait3A_445 = arith.constant 0 : i32
        %dma_wait3A_446 = tpu.memref_slice %arg3[%dma_wait3A_444, %dma_wait3A_445] : memref<64x1000000xf32, #tpu.memory_space<hbm>> -> memref<64x128xf32, #tpu.memory_space<hbm>>
        tpu.wait_dma2 semaphore(%arg8 : memref<!tpu.dma_semaphore, #tpu.memory_space<semaphore_mem>>) src(%dma_wait3A_446 : memref<64x128xf32, #tpu.memory_space<hbm>>) dst(%dma_wait3A_443 : memref<64x128xf32, #tpu.memory_space<vmem>>)
        %get3A_447 = arith.index_cast %add3A_313 : i32 to index
        %get3A_448 = tpu.vector_load %arg5[%get3A_447] {strides = array<i32>} : memref<528xi32, #tpu.memory_space<vmem>>, vector<16xi32>,
        %slice3A_449 = vector.extract_strided_slice %get3A_448 {offsets = [0], sizes = [1], strides = [1]} : vector<16xi32> to vector<1xi32>
        %squeeze3A_450 = vector.extract %slice3A_449[0] : i32 from vector<1xi32>
        %and3A = arith.constant 127 : i32
        %and3A_451 = arith.andi %squeeze3A_450, %and3A : i32
        %broadcast_in_dim3A = vector.broadcast %and3A_451 : i32 to vector<16xi32>
        %and3A_452 = arith.constant 127 : i32
        %and3A_453 = arith.andi %add3A_313, %and3A_452 : i32
        %broadcast_in_dim3A_454 = vector.broadcast %and3A_453 : i32 to vector<16xi32>
        %broadcast_in_dim3A_455 = arith.constant 0 : i32
        %broadcast_in_dim3A_456 = vector.broadcast %broadcast_in_dim3A_455 : i32 to vector<16xi32>
        %add3A_457 = arith.addi %broadcast_in_dim3A_456, %iota3A : vector<16xi32>
        %gather3A = arith.constant 0 : i32
        %gather3A_458 = arith.constant 0 : i32
        %gather3A_459 = arith.constant 0 : i32
        %gather3A_460 = tpu.memref_slice %arg6[%gather3A, %gather3A_458, %gather3A_459] : memref<14x64x128xf32, #tpu.memory_space<vmem>> -> memref<1x64x128xf32, #tpu.memory_space<vmem>>
        %gather3A_461 = tpu.memref_squeeze %gather3A_460 : memref<1x64x128xf32, #tpu.memory_space<vmem>> -> memref<64x128xf32, #tpu.memory_space<vmem>>
        %gather3A_462 = tpu.vector_load_idx %gather3A_461[%add3A_457, %broadcast_in_dim3A] : memref<64x128xf32, #tpu.memory_space<vmem>>[vector<16xi32>, vector<16xi32>], vector<16xf32>,
        tpu.vector_store_idx %arg7[%add3A_457, %broadcast_in_dim3A_454], %gather3A_462 : memref<64x128xf32, #tpu.memory_space<vmem>>[vector<16xi32>, vector<16xi32>], vector<16xf32>,
        %broadcast_in_dim3A_463 = arith.constant 16 : i32
        %broadcast_in_dim3A_464 = vector.broadcast %broadcast_in_dim3A_463 : i32 to vector<16xi32>
        %add3A_465 = arith.addi %broadcast_in_dim3A_464, %iota3A : vector<16xi32>
        %gather3A_466 = arith.constant 0 : i32
        %gather3A_467 = arith.constant 0 : i32
        %gather3A_468 = arith.constant 0 : i32
        %gather3A_469 = tpu.memref_slice %arg6[%gather3A_466, %gather3A_467, %gather3A_468] : memref<14x64x128xf32, #tpu.memory_space<vmem>> -> memref<1x64x128xf32, #tpu.memory_space<vmem>>
        %gather3A_470 = tpu.memref_squeeze %gather3A_469 : memref<1x64x128xf32, #tpu.memory_space<vmem>> -> memref<64x128xf32, #tpu.memory_space<vmem>>
        %gather3A_471 = tpu.vector_load_idx %gather3A_470[%add3A_465, %broadcast_in_dim3A] : memref<64x128xf32, #tpu.memory_space<vmem>>[vector<16xi32>, vector<16xi32>], vector<16xf32>,
        tpu.vector_store_idx %arg7[%add3A_465, %broadcast_in_dim3A_454], %gather3A_471 : memref<64x128xf32, #tpu.memory_space<vmem>>[vector<16xi32>, vector<16xi32>], vector<16xf32>,
        %broadcast_in_dim3A_472 = arith.constant 32 : i32
        %broadcast_in_dim3A_473 = vector.broadcast %broadcast_in_dim3A_472 : i32 to vector<16xi32>
        %add3A_474 = arith.addi %broadcast_in_dim3A_473, %iota3A : vector<16xi32>
        %gather3A_475 = arith.constant 0 : i32
        %gather3A_476 = arith.constant 0 : i32
        %gather3A_477 = arith.constant 0 : i32
        %gather3A_478 = tpu.memref_slice %arg6[%gather3A_475, %gather3A_476, %gather3A_477] : memref<14x64x128xf32, #tpu.memory_space<vmem>> -> memref<1x64x128xf32, #tpu.memory_space<vmem>>
        %gather3A_479 = tpu.memref_squeeze %gather3A_478 : memref<1x64x128xf32, #tpu.memory_space<vmem>> -> memref<64x128xf32, #tpu.memory_space<vmem>>
        %gather3A_480 = tpu.vector_load_idx %gather3A_479[%add3A_474, %broadcast_in_dim3A] : memref<64x128xf32, #tpu.memory_space<vmem>>[vector<16xi32>, vector<16xi32>], vector<16xf32>,
        tpu.vector_store_idx %arg7[%add3A_474, %broadcast_in_dim3A_454], %gather3A_480 : memref<64x128xf32, #tpu.memory_space<vmem>>[vector<16xi32>, vector<16xi32>], vector<16xf32>,
        %broadcast_in_dim3A_481 = arith.constant 48 : i32
        %broadcast_in_dim3A_482 = vector.broadcast %broadcast_in_dim3A_481 : i32 to vector<16xi32>
        %add3A_483 = arith.addi %broadcast_in_dim3A_482, %iota3A : vector<16xi32>
        %gather3A_484 = arith.constant 0 : i32
        %gather3A_485 = arith.constant 0 : i32
        %gather3A_486 = arith.constant 0 : i32
        %gather3A_487 = tpu.memref_slice %arg6[%gather3A_484, %gather3A_485, %gather3A_486] : memref<14x64x128xf32, #tpu.memory_space<vmem>> -> memref<1x64x128xf32, #tpu.memory_space<vmem>>
        %gather3A_488 = tpu.memref_squeeze %gather3A_487 : memref<1x64x128xf32, #tpu.memory_space<vmem>> -> memref<64x128xf32, #tpu.memory_space<vmem>>
        %gather3A_489 = tpu.vector_load_idx %gather3A_488[%add3A_483, %broadcast_in_dim3A] : memref<64x128xf32, #tpu.memory_space<vmem>>[vector<16xi32>, vector<16xi32>], vector<16xf32>,
        tpu.vector_store_idx %arg7[%add3A_483, %broadcast_in_dim3A_454], %gather3A_489 : memref<64x128xf32, #tpu.memory_space<vmem>>[vector<16xi32>, vector<16xi32>], vector<16xf32>,
        %add3A_490 = arith.constant 14 : i32
        %add3A_491 = arith.addi %add3A_313, %add3A_490 : i32
        %lt3A_492 = arith.constant 512 : i32
        %lt3A_493 = arith.cmpi slt, %add3A_491, %lt3A_492 : i32
        %convert_element_type3A_494 = arith.extui %lt3A_493 : i1 to i32
        %cond3A_495 = arith.constant 0 : i32
        %cond3A_496 = arith.cmpi ne, %convert_element_type3A_494, %cond3A_495 : i32
        scf.if %cond3A_496 {
          %add3A_503 = arith.constant 14 : i32
          %add3A_504 = arith.addi %add3A_313, %add3A_503 : i32
          %get3A_505 = arith.index_cast %add3A_504 : i32 to index
          %get3A_506 = tpu.vector_load %arg5[%get3A_505] {strides = array<i32>} : memref<528xi32, #tpu.memory_space<vmem>>, vector<16xi32>,
          %slice3A_507 = vector.extract_strided_slice %get3A_506 {offsets = [0], sizes = [1], strides = [1]} : vector<16xi32> to vector<1xi32>
          %squeeze3A_508 = vector.extract %slice3A_507[0] : i32 from vector<1xi32>
          %shift_right_arithmetic3A_509 = arith.constant 7 : i32
          %shift_right_arithmetic3A_510 = arith.shrsi %squeeze3A_508, %shift_right_arithmetic3A_509 : i32
          %mul3A_511 = arith.constant 128 : i32
          %mul3A_512 = arith.muli %shift_right_arithmetic3A_510, %mul3A_511 : i32
          %multiple_of3A_513 = tpu.assume_multiple %mul3A_512, 128 : i32
          %dma_start3A_514 = arith.constant 0 : i32
          %dma_start3A_515 = arith.constant 0 : i32
          %dma_start3A_516 = arith.constant 0 : i32
          %dma_start3A_517 = tpu.memref_slice %arg6[%dma_start3A_514, %dma_start3A_515, %dma_start3A_516] : memref<14x64x128xf32, #tpu.memory_space<vmem>> -> memref<1x64x128xf32, #tpu.memory_space<vmem>>
          %dma_start3A_518 = tpu.memref_squeeze %dma_start3A_517 : memref<1x64x128xf32, #tpu.memory_space<vmem>> -> memref<64x128xf32, #tpu.memory_space<vmem>>
          %dma_start3A_519 = arith.constant 0 : i32
          %dma_start3A_520 = tpu.memref_slice %arg3[%dma_start3A_519, %multiple_of3A_513] : memref<64x1000000xf32, #tpu.memory_space<hbm>> -> memref<64x128xf32, #tpu.memory_space<hbm>>
          %dma_start3A_521 = arith.constant 0 : i32
          %dma_start3A_522 = arith.constant 0 : i32
          %dma_start3A_523 = tpu.memref_slice %arg6[%dma_start3A_514, %dma_start3A_521, %dma_start3A_522] : memref<14x64x128xf32, #tpu.memory_space<vmem>> -> memref<1x64x128xf32, #tpu.memory_space<vmem>>
          %dma_start3A_524 = tpu.memref_squeeze %dma_start3A_523 : memref<1x64x128xf32, #tpu.memory_space<vmem>> -> memref<64x128xf32, #tpu.memory_space<vmem>>
          %dma_start3A_525 = arith.constant 0 : i32
          %dma_start3A_526 = tpu.memref_slice %arg3[%dma_start3A_525, %multiple_of3A_513] : memref<64x1000000xf32, #tpu.memory_space<hbm>> -> memref<64x128xf32, #tpu.memory_space<hbm>>
          tpu.enqueue_dma source(%dma_start3A_526 : memref<64x128xf32, #tpu.memory_space<hbm>>) target(%dma_start3A_524 : memref<64x128xf32, #tpu.memory_space<vmem>>) target_semaphore(%arg8 : memref<!tpu.dma_semaphore, #tpu.memory_space<semaphore_mem>>)
        } else {
        }
        %and3A_497 = arith.constant 127 : i32
        %and3A_498 = arith.andi %add3A_313, %and3A_497 : i32
        %eq3A = arith.constant 127 : i32
        %eq3A_499 = arith.cmpi eq, %and3A_498, %eq3A : i32
        %convert_element_type3A_500 = arith.extui %eq3A_499 : i1 to i32
        %cond3A_501 = arith.constant 0 : i32
        %cond3A_502 = arith.cmpi ne, %convert_element_type3A_500, %cond3A_501 : i32
        scf.if %cond3A_502 {
          %shift_right_arithmetic3A_503 = arith.constant 7 : i32
          %shift_right_arithmetic3A_504 = arith.shrsi %add3A_313, %shift_right_arithmetic3A_503 : i32
          %mul3A_505 = arith.constant 128 : i32
          %mul3A_506 = arith.muli %shift_right_arithmetic3A_504, %mul3A_505 : i32
          %add3A_507 = arith.addi %mul3A_2, %mul3A_506 : i32
          %multiple_of3A_508 = tpu.assume_multiple %add3A_507, 128 : i32
          "tpu.region"() ({
            %run_scoped3A = tpu.sem_alloc : memref<!tpu.dma_semaphore, #tpu.memory_space<semaphore_mem>>
            %dma_start3A_509 = arith.constant 0 : i32
            %dma_start3A_510 = tpu.memref_slice %arg4[%dma_start3A_509, %multiple_of3A_508] : memref<64x16384xf32, #tpu.memory_space<hbm>> -> memref<64x128xf32, #tpu.memory_space<hbm>>
            %dma_start3A_511 = arith.constant 0 : i32
            %dma_start3A_512 = tpu.memref_slice %arg4[%dma_start3A_511, %multiple_of3A_508] : memref<64x16384xf32, #tpu.memory_space<hbm>> -> memref<64x128xf32, #tpu.memory_space<hbm>>
            tpu.enqueue_dma source(%arg7 : memref<64x128xf32, #tpu.memory_space<vmem>>) target(%dma_start3A_512 : memref<64x128xf32, #tpu.memory_space<hbm>>) target_semaphore(%run_scoped3A : memref<!tpu.dma_semaphore, #tpu.memory_space<semaphore_mem>>)
            %dma_wait3A_513 = arith.constant 0 : i32
            %dma_wait3A_514 = tpu.memref_slice %arg4[%dma_wait3A_513, %multiple_of3A_508] : memref<64x16384xf32, #tpu.memory_space<hbm>> -> memref<64x128xf32, #tpu.memory_space<hbm>>
            %dma_wait3A_515 = arith.constant 0 : i32
            %dma_wait3A_516 = tpu.memref_slice %arg4[%dma_wait3A_515, %multiple_of3A_508] : memref<64x16384xf32, #tpu.memory_space<hbm>> -> memref<64x128xf32, #tpu.memory_space<hbm>>
            tpu.wait_dma2 semaphore(%run_scoped3A : memref<!tpu.dma_semaphore, #tpu.memory_space<semaphore_mem>>) src(%arg7 : memref<64x128xf32, #tpu.memory_space<vmem>>) dst(%dma_wait3A_516 : memref<64x128xf32, #tpu.memory_space<hbm>>)
            tpu.yield
          }) : () -> ()
        } else {
        }
      } else {
      }
      %mul3A_316 = arith.constant 14 : i32
      %mul3A_317 = arith.muli %scan3A_309, %mul3A_316 : i32
      %add3A_318 = arith.constant 1 : i32
      %add3A_319 = arith.addi %mul3A_317, %add3A_318 : i32
      %lt3A_320 = arith.constant 512 : i32
      %lt3A_321 = arith.cmpi slt, %add3A_319, %lt3A_320 : i32
      %convert_element_type3A_322 = arith.extui %lt3A_321 : i1 to i32
      %cond3A_323 = arith.constant 0 : i32
      %cond3A_324 = arith.cmpi ne, %convert_element_type3A_322, %cond3A_323 : i32
      scf.if %cond3A_324 {
        %dma_wait3A = arith.constant 1 : i32
        %dma_wait3A_433 = arith.constant 0 : i32
        %dma_wait3A_434 = arith.constant 0 : i32
        %dma_wait3A_435 = tpu.memref_slice %arg6[%dma_wait3A, %dma_wait3A_433, %dma_wait3A_434] : memref<14x64x128xf32, #tpu.memory_space<vmem>> -> memref<1x64x128xf32, #tpu.memory_space<vmem>>
        %dma_wait3A_436 = tpu.memref_squeeze %dma_wait3A_435 : memref<1x64x128xf32, #tpu.memory_space<vmem>> -> memref<64x128xf32, #tpu.memory_space<vmem>>
        %dma_wait3A_437 = arith.constant 0 : i32
        %dma_wait3A_438 = arith.constant 0 : i32
        %dma_wait3A_439 = tpu.memref_slice %arg3[%dma_wait3A_437, %dma_wait3A_438] : memref<64x1000000xf32, #tpu.memory_space<hbm>> -> memref<64x128xf32, #tpu.memory_space<hbm>>
        %dma_wait3A_440 = arith.constant 0 : i32
        %dma_wait3A_441 = arith.constant 0 : i32
        %dma_wait3A_442 = tpu.memref_slice %arg6[%dma_wait3A, %dma_wait3A_440, %dma_wait3A_441] : memref<14x64x128xf32, #tpu.memory_space<vmem>> -> memref<1x64x128xf32, #tpu.memory_space<vmem>>
        %dma_wait3A_443 = tpu.memref_squeeze %dma_wait3A_442 : memref<1x64x128xf32, #tpu.memory_space<vmem>> -> memref<64x128xf32, #tpu.memory_space<vmem>>
        %dma_wait3A_444 = arith.constant 0 : i32
        %dma_wait3A_445 = arith.constant 0 : i32
        %dma_wait3A_446 = tpu.memref_slice %arg3[%dma_wait3A_444, %dma_wait3A_445] : memref<64x1000000xf32, #tpu.memory_space<hbm>> -> memref<64x128xf32, #tpu.memory_space<hbm>>
        tpu.wait_dma2 semaphore(%arg9 : memref<!tpu.dma_semaphore, #tpu.memory_space<semaphore_mem>>) src(%dma_wait3A_446 : memref<64x128xf32, #tpu.memory_space<hbm>>) dst(%dma_wait3A_443 : memref<64x128xf32, #tpu.memory_space<vmem>>)
        %get3A_447 = arith.index_cast %add3A_319 : i32 to index
        %get3A_448 = tpu.vector_load %arg5[%get3A_447] {strides = array<i32>} : memref<528xi32, #tpu.memory_space<vmem>>, vector<16xi32>,
        %slice3A_449 = vector.extract_strided_slice %get3A_448 {offsets = [0], sizes = [1], strides = [1]} : vector<16xi32> to vector<1xi32>
        %squeeze3A_450 = vector.extract %slice3A_449[0] : i32 from vector<1xi32>
        %and3A = arith.constant 127 : i32
        %and3A_451 = arith.andi %squeeze3A_450, %and3A : i32
        %broadcast_in_dim3A = vector.broadcast %and3A_451 : i32 to vector<16xi32>
        %and3A_452 = arith.constant 127 : i32
        %and3A_453 = arith.andi %add3A_319, %and3A_452 : i32
        %broadcast_in_dim3A_454 = vector.broadcast %and3A_453 : i32 to vector<16xi32>
        %broadcast_in_dim3A_455 = arith.constant 0 : i32
        %broadcast_in_dim3A_456 = vector.broadcast %broadcast_in_dim3A_455 : i32 to vector<16xi32>
        %add3A_457 = arith.addi %broadcast_in_dim3A_456, %iota3A : vector<16xi32>
        %gather3A = arith.constant 1 : i32
        %gather3A_458 = arith.constant 0 : i32
        %gather3A_459 = arith.constant 0 : i32
        %gather3A_460 = tpu.memref_slice %arg6[%gather3A, %gather3A_458, %gather3A_459] : memref<14x64x128xf32, #tpu.memory_space<vmem>> -> memref<1x64x128xf32, #tpu.memory_space<vmem>>
        %gather3A_461 = tpu.memref_squeeze %gather3A_460 : memref<1x64x128xf32, #tpu.memory_space<vmem>> -> memref<64x128xf32, #tpu.memory_space<vmem>>
        %gather3A_462 = tpu.vector_load_idx %gather3A_461[%add3A_457, %broadcast_in_dim3A] : memref<64x128xf32, #tpu.memory_space<vmem>>[vector<16xi32>, vector<16xi32>], vector<16xf32>,
        tpu.vector_store_idx %arg7[%add3A_457, %broadcast_in_dim3A_454], %gather3A_462 : memref<64x128xf32, #tpu.memory_space<vmem>>[vector<16xi32>, vector<16xi32>], vector<16xf32>,
        %broadcast_in_dim3A_463 = arith.constant 16 : i32
        %broadcast_in_dim3A_464 = vector.broadcast %broadcast_in_dim3A_463 : i32 to vector<16xi32>
        %add3A_465 = arith.addi %broadcast_in_dim3A_464, %iota3A : vector<16xi32>
        %gather3A_466 = arith.constant 1 : i32
        %gather3A_467 = arith.constant 0 : i32
        %gather3A_468 = arith.constant 0 : i32
        %gather3A_469 = tpu.memref_slice %arg6[%gather3A_466, %gather3A_467, %gather3A_468] : memref<14x64x128xf32, #tpu.memory_space<vmem>> -> memref<1x64x128xf32, #tpu.memory_space<vmem>>
        %gather3A_470 = tpu.memref_squeeze %gather3A_469 : memref<1x64x128xf32, #tpu.memory_space<vmem>> -> memref<64x128xf32, #tpu.memory_space<vmem>>
        %gather3A_471 = tpu.vector_load_idx %gather3A_470[%add3A_465, %broadcast_in_dim3A] : memref<64x128xf32, #tpu.memory_space<vmem>>[vector<16xi32>, vector<16xi32>], vector<16xf32>,
        tpu.vector_store_idx %arg7[%add3A_465, %broadcast_in_dim3A_454], %gather3A_471 : memref<64x128xf32, #tpu.memory_space<vmem>>[vector<16xi32>, vector<16xi32>], vector<16xf32>,
        %broadcast_in_dim3A_472 = arith.constant 32 : i32
        %broadcast_in_dim3A_473 = vector.broadcast %broadcast_in_dim3A_472 : i32 to vector<16xi32>
        %add3A_474 = arith.addi %broadcast_in_dim3A_473, %iota3A : vector<16xi32>
        %gather3A_475 = arith.constant 1 : i32
        %gather3A_476 = arith.constant 0 : i32
        %gather3A_477 = arith.constant 0 : i32
        %gather3A_478 = tpu.memref_slice %arg6[%gather3A_475, %gather3A_476, %gather3A_477] : memref<14x64x128xf32, #tpu.memory_space<vmem>> -> memref<1x64x128xf32, #tpu.memory_space<vmem>>
        %gather3A_479 = tpu.memref_squeeze %gather3A_478 : memref<1x64x128xf32, #tpu.memory_space<vmem>> -> memref<64x128xf32, #tpu.memory_space<vmem>>
        %gather3A_480 = tpu.vector_load_idx %gather3A_479[%add3A_474, %broadcast_in_dim3A] : memref<64x128xf32, #tpu.memory_space<vmem>>[vector<16xi32>, vector<16xi32>], vector<16xf32>,
        tpu.vector_store_idx %arg7[%add3A_474, %broadcast_in_dim3A_454], %gather3A_480 : memref<64x128xf32, #tpu.memory_space<vmem>>[vector<16xi32>, vector<16xi32>], vector<16xf32>,
        %broadcast_in_dim3A_481 = arith.constant 48 : i32
        %broadcast_in_dim3A_482 = vector.broadcast %broadcast_in_dim3A_481 : i32 to vector<16xi32>
        %add3A_483 = arith.addi %broadcast_in_dim3A_482, %iota3A : vector<16xi32>
        %gather3A_484 = arith.constant 1 : i32
        %gather3A_485 = arith.constant 0 : i32
        %gather3A_486 = arith.constant 0 : i32
        %gather3A_487 = tpu.memref_slice %arg6[%gather3A_484, %gather3A_485, %gather3A_486] : memref<14x64x128xf32, #tpu.memory_space<vmem>> -> memref<1x64x128xf32, #tpu.memory_space<vmem>>
        %gather3A_488 = tpu.memref_squeeze %gather3A_487 : memref<1x64x128xf32, #tpu.memory_space<vmem>> -> memref<64x128xf32, #tpu.memory_space<vmem>>
        %gather3A_489 = tpu.vector_load_idx %gather3A_488[%add3A_483, %broadcast_in_dim3A] : memref<64x128xf32, #tpu.memory_space<vmem>>[vector<16xi32>, vector<16xi32>], vector<16xf32>,
        tpu.vector_store_idx %arg7[%add3A_483, %broadcast_in_dim3A_454], %gather3A_489 : memref<64x128xf32, #tpu.memory_space<vmem>>[vector<16xi32>, vector<16xi32>], vector<16xf32>,
        %add3A_490 = arith.constant 14 : i32
        %add3A_491 = arith.addi %add3A_319, %add3A_490 : i32
        %lt3A_492 = arith.constant 512 : i32
        %lt3A_493 = arith.cmpi slt, %add3A_491, %lt3A_492 : i32
        %convert_element_type3A_494 = arith.extui %lt3A_493 : i1 to i32
        %cond3A_495 = arith.constant 0 : i32
        %cond3A_496 = arith.cmpi ne, %convert_element_type3A_494, %cond3A_495 : i32
        scf.if %cond3A_496 {
          %add3A_503 = arith.constant 14 : i32
          %add3A_504 = arith.addi %add3A_319, %add3A_503 : i32
          %get3A_505 = arith.index_cast %add3A_504 : i32 to index
          %get3A_506 = tpu.vector_load %arg5[%get3A_505] {strides = array<i32>} : memref<528xi32, #tpu.memory_space<vmem>>, vector<16xi32>,
          %slice3A_507 = vector.extract_strided_slice %get3A_506 {offsets = [0], sizes = [1], strides = [1]} : vector<16xi32> to vector<1xi32>
          %squeeze3A_508 = vector.extract %slice3A_507[0] : i32 from vector<1xi32>
          %shift_right_arithmetic3A_509 = arith.constant 7 : i32
          %shift_right_arithmetic3A_510 = arith.shrsi %squeeze3A_508, %shift_right_arithmetic3A_509 : i32
          %mul3A_511 = arith.constant 128 : i32
          %mul3A_512 = arith.muli %shift_right_arithmetic3A_510, %mul3A_511 : i32
          %multiple_of3A_513 = tpu.assume_multiple %mul3A_512, 128 : i32
          %dma_start3A_514 = arith.constant 1 : i32
          %dma_start3A_515 = arith.constant 0 : i32
          %dma_start3A_516 = arith.constant 0 : i32
          %dma_start3A_517 = tpu.memref_slice %arg6[%dma_start3A_514, %dma_start3A_515, %dma_start3A_516] : memref<14x64x128xf32, #tpu.memory_space<vmem>> -> memref<1x64x128xf32, #tpu.memory_space<vmem>>
          %dma_start3A_518 = tpu.memref_squeeze %dma_start3A_517 : memref<1x64x128xf32, #tpu.memory_space<vmem>> -> memref<64x128xf32, #tpu.memory_space<vmem>>
          %dma_start3A_519 = arith.constant 0 : i32
          %dma_start3A_520 = tpu.memref_slice %arg3[%dma_start3A_519, %multiple_of3A_513] : memref<64x1000000xf32, #tpu.memory_space<hbm>> -> memref<64x128xf32, #tpu.memory_space<hbm>>
          %dma_start3A_521 = arith.constant 0 : i32
          %dma_start3A_522 = arith.constant 0 : i32
          %dma_start3A_523 = tpu.memref_slice %arg6[%dma_start3A_514, %dma_start3A_521, %dma_start3A_522] : memref<14x64x128xf32, #tpu.memory_space<vmem>> -> memref<1x64x128xf32, #tpu.memory_space<vmem>>
          %dma_start3A_524 = tpu.memref_squeeze %dma_start3A_523 : memref<1x64x128xf32, #tpu.memory_space<vmem>> -> memref<64x128xf32, #tpu.memory_space<vmem>>
          %dma_start3A_525 = arith.constant 0 : i32
          %dma_start3A_526 = tpu.memref_slice %arg3[%dma_start3A_525, %multiple_of3A_513] : memref<64x1000000xf32, #tpu.memory_space<hbm>> -> memref<64x128xf32, #tpu.memory_space<hbm>>
          tpu.enqueue_dma source(%dma_start3A_526 : memref<64x128xf32, #tpu.memory_space<hbm>>) target(%dma_start3A_524 : memref<64x128xf32, #tpu.memory_space<vmem>>) target_semaphore(%arg9 : memref<!tpu.dma_semaphore, #tpu.memory_space<semaphore_mem>>)
        } else {
        }
        %and3A_497 = arith.constant 127 : i32
        %and3A_498 = arith.andi %add3A_319, %and3A_497 : i32
        %eq3A = arith.constant 127 : i32
        %eq3A_499 = arith.cmpi eq, %and3A_498, %eq3A : i32
        %convert_element_type3A_500 = arith.extui %eq3A_499 : i1 to i32
        %cond3A_501 = arith.constant 0 : i32
        %cond3A_502 = arith.cmpi ne, %convert_element_type3A_500, %cond3A_501 : i32
        scf.if %cond3A_502 {
          %shift_right_arithmetic3A_503 = arith.constant 7 : i32
          %shift_right_arithmetic3A_504 = arith.shrsi %add3A_319, %shift_right_arithmetic3A_503 : i32
          %mul3A_505 = arith.constant 128 : i32
          %mul3A_506 = arith.muli %shift_right_arithmetic3A_504, %mul3A_505 : i32
          %add3A_507 = arith.addi %mul3A_2, %mul3A_506 : i32
          %multiple_of3A_508 = tpu.assume_multiple %add3A_507, 128 : i32
          "tpu.region"() ({
            %run_scoped3A = tpu.sem_alloc : memref<!tpu.dma_semaphore, #tpu.memory_space<semaphore_mem>>
            %dma_start3A_509 = arith.constant 0 : i32
            %dma_start3A_510 = tpu.memref_slice %arg4[%dma_start3A_509, %multiple_of3A_508] : memref<64x16384xf32, #tpu.memory_space<hbm>> -> memref<64x128xf32, #tpu.memory_space<hbm>>
            %dma_start3A_511 = arith.constant 0 : i32
            %dma_start3A_512 = tpu.memref_slice %arg4[%dma_start3A_511, %multiple_of3A_508] : memref<64x16384xf32, #tpu.memory_space<hbm>> -> memref<64x128xf32, #tpu.memory_space<hbm>>
            tpu.enqueue_dma source(%arg7 : memref<64x128xf32, #tpu.memory_space<vmem>>) target(%dma_start3A_512 : memref<64x128xf32, #tpu.memory_space<hbm>>) target_semaphore(%run_scoped3A : memref<!tpu.dma_semaphore, #tpu.memory_space<semaphore_mem>>)
            %dma_wait3A_513 = arith.constant 0 : i32
            %dma_wait3A_514 = tpu.memref_slice %arg4[%dma_wait3A_513, %multiple_of3A_508] : memref<64x16384xf32, #tpu.memory_space<hbm>> -> memref<64x128xf32, #tpu.memory_space<hbm>>
            %dma_wait3A_515 = arith.constant 0 : i32
            %dma_wait3A_516 = tpu.memref_slice %arg4[%dma_wait3A_515, %multiple_of3A_508] : memref<64x16384xf32, #tpu.memory_space<hbm>> -> memref<64x128xf32, #tpu.memory_space<hbm>>
            tpu.wait_dma2 semaphore(%run_scoped3A : memref<!tpu.dma_semaphore, #tpu.memory_space<semaphore_mem>>) src(%arg7 : memref<64x128xf32, #tpu.memory_space<vmem>>) dst(%dma_wait3A_516 : memref<64x128xf32, #tpu.memory_space<hbm>>)
            tpu.yield
          }) : () -> ()
        } else {
        }
      } else {
      }
      %mul3A_325 = arith.constant 14 : i32
      %mul3A_326 = arith.muli %scan3A_309, %mul3A_325 : i32
      %add3A_327 = arith.constant 2 : i32
      %add3A_328 = arith.addi %mul3A_326, %add3A_327 : i32
      %lt3A_329 = arith.constant 512 : i32
      %lt3A_330 = arith.cmpi slt, %add3A_328, %lt3A_329 : i32
      %convert_element_type3A_331 = arith.extui %lt3A_330 : i1 to i32
      %cond3A_332 = arith.constant 0 : i32
      %cond3A_333 = arith.cmpi ne, %convert_element_type3A_331, %cond3A_332 : i32
      scf.if %cond3A_333 {
        %dma_wait3A = arith.constant 2 : i32
        %dma_wait3A_433 = arith.constant 0 : i32
        %dma_wait3A_434 = arith.constant 0 : i32
        %dma_wait3A_435 = tpu.memref_slice %arg6[%dma_wait3A, %dma_wait3A_433, %dma_wait3A_434] : memref<14x64x128xf32, #tpu.memory_space<vmem>> -> memref<1x64x128xf32, #tpu.memory_space<vmem>>
        %dma_wait3A_436 = tpu.memref_squeeze %dma_wait3A_435 : memref<1x64x128xf32, #tpu.memory_space<vmem>> -> memref<64x128xf32, #tpu.memory_space<vmem>>
        %dma_wait3A_437 = arith.constant 0 : i32
        %dma_wait3A_438 = arith.constant 0 : i32
        %dma_wait3A_439 = tpu.memref_slice %arg3[%dma_wait3A_437, %dma_wait3A_438] : memref<64x1000000xf32, #tpu.memory_space<hbm>> -> memref<64x128xf32, #tpu.memory_space<hbm>>
        %dma_wait3A_440 = arith.constant 0 : i32
        %dma_wait3A_441 = arith.constant 0 : i32
        %dma_wait3A_442 = tpu.memref_slice %arg6[%dma_wait3A, %dma_wait3A_440, %dma_wait3A_441] : memref<14x64x128xf32, #tpu.memory_space<vmem>> -> memref<1x64x128xf32, #tpu.memory_space<vmem>>
        %dma_wait3A_443 = tpu.memref_squeeze %dma_wait3A_442 : memref<1x64x128xf32, #tpu.memory_space<vmem>> -> memref<64x128xf32, #tpu.memory_space<vmem>>
        %dma_wait3A_444 = arith.constant 0 : i32
        %dma_wait3A_445 = arith.constant 0 : i32
        %dma_wait3A_446 = tpu.memref_slice %arg3[%dma_wait3A_444, %dma_wait3A_445] : memref<64x1000000xf32, #tpu.memory_space<hbm>> -> memref<64x128xf32, #tpu.memory_space<hbm>>
        tpu.wait_dma2 semaphore(%arg10 : memref<!tpu.dma_semaphore, #tpu.memory_space<semaphore_mem>>) src(%dma_wait3A_446 : memref<64x128xf32, #tpu.memory_space<hbm>>) dst(%dma_wait3A_443 : memref<64x128xf32, #tpu.memory_space<vmem>>)
        %get3A_447 = arith.index_cast %add3A_328 : i32 to index
        %get3A_448 = tpu.vector_load %arg5[%get3A_447] {strides = array<i32>} : memref<528xi32, #tpu.memory_space<vmem>>, vector<16xi32>,
        %slice3A_449 = vector.extract_strided_slice %get3A_448 {offsets = [0], sizes = [1], strides = [1]} : vector<16xi32> to vector<1xi32>
        %squeeze3A_450 = vector.extract %slice3A_449[0] : i32 from vector<1xi32>
        %and3A = arith.constant 127 : i32
        %and3A_451 = arith.andi %squeeze3A_450, %and3A : i32
        %broadcast_in_dim3A = vector.broadcast %and3A_451 : i32 to vector<16xi32>
        %and3A_452 = arith.constant 127 : i32
        %and3A_453 = arith.andi %add3A_328, %and3A_452 : i32
        %broadcast_in_dim3A_454 = vector.broadcast %and3A_453 : i32 to vector<16xi32>
        %broadcast_in_dim3A_455 = arith.constant 0 : i32
        %broadcast_in_dim3A_456 = vector.broadcast %broadcast_in_dim3A_455 : i32 to vector<16xi32>
        %add3A_457 = arith.addi %broadcast_in_dim3A_456, %iota3A : vector<16xi32>
        %gather3A = arith.constant 2 : i32
        %gather3A_458 = arith.constant 0 : i32
        %gather3A_459 = arith.constant 0 : i32
        %gather3A_460 = tpu.memref_slice %arg6[%gather3A, %gather3A_458, %gather3A_459] : memref<14x64x128xf32, #tpu.memory_space<vmem>> -> memref<1x64x128xf32, #tpu.memory_space<vmem>>
        %gather3A_461 = tpu.memref_squeeze %gather3A_460 : memref<1x64x128xf32, #tpu.memory_space<vmem>> -> memref<64x128xf32, #tpu.memory_space<vmem>>
        %gather3A_462 = tpu.vector_load_idx %gather3A_461[%add3A_457, %broadcast_in_dim3A] : memref<64x128xf32, #tpu.memory_space<vmem>>[vector<16xi32>, vector<16xi32>], vector<16xf32>,
        tpu.vector_store_idx %arg7[%add3A_457, %broadcast_in_dim3A_454], %gather3A_462 : memref<64x128xf32, #tpu.memory_space<vmem>>[vector<16xi32>, vector<16xi32>], vector<16xf32>,
        %broadcast_in_dim3A_463 = arith.constant 16 : i32
        %broadcast_in_dim3A_464 = vector.broadcast %broadcast_in_dim3A_463 : i32 to vector<16xi32>
        %add3A_465 = arith.addi %broadcast_in_dim3A_464, %iota3A : vector<16xi32>
        %gather3A_466 = arith.constant 2 : i32
        %gather3A_467 = arith.constant 0 : i32
        %gather3A_468 = arith.constant 0 : i32
        %gather3A_469 = tpu.memref_slice %arg6[%gather3A_466, %gather3A_467, %gather3A_468] : memref<14x64x128xf32, #tpu.memory_space<vmem>> -> memref<1x64x128xf32, #tpu.memory_space<vmem>>
        %gather3A_470 = tpu.memref_squeeze %gather3A_469 : memref<1x64x128xf32, #tpu.memory_space<vmem>> -> memref<64x128xf32, #tpu.memory_space<vmem>>
        %gather3A_471 = tpu.vector_load_idx %gather3A_470[%add3A_465, %broadcast_in_dim3A] : memref<64x128xf32, #tpu.memory_space<vmem>>[vector<16xi32>, vector<16xi32>], vector<16xf32>,
        tpu.vector_store_idx %arg7[%add3A_465, %broadcast_in_dim3A_454], %gather3A_471 : memref<64x128xf32, #tpu.memory_space<vmem>>[vector<16xi32>, vector<16xi32>], vector<16xf32>,
        %broadcast_in_dim3A_472 = arith.constant 32 : i32
        %broadcast_in_dim3A_473 = vector.broadcast %broadcast_in_dim3A_472 : i32 to vector<16xi32>
        %add3A_474 = arith.addi %broadcast_in_dim3A_473, %iota3A : vector<16xi32>
        %gather3A_475 = arith.constant 2 : i32
        %gather3A_476 = arith.constant 0 : i32
        %gather3A_477 = arith.constant 0 : i32
        %gather3A_478 = tpu.memref_slice %arg6[%gather3A_475, %gather3A_476, %gather3A_477] : memref<14x64x128xf32, #tpu.memory_space<vmem>> -> memref<1x64x128xf32, #tpu.memory_space<vmem>>
        %gather3A_479 = tpu.memref_squeeze %gather3A_478 : memref<1x64x128xf32, #tpu.memory_space<vmem>> -> memref<64x128xf32, #tpu.memory_space<vmem>>
        %gather3A_480 = tpu.vector_load_idx %gather3A_479[%add3A_474, %broadcast_in_dim3A] : memref<64x128xf32, #tpu.memory_space<vmem>>[vector<16xi32>, vector<16xi32>], vector<16xf32>,
        tpu.vector_store_idx %arg7[%add3A_474, %broadcast_in_dim3A_454], %gather3A_480 : memref<64x128xf32, #tpu.memory_space<vmem>>[vector<16xi32>, vector<16xi32>], vector<16xf32>,
        %broadcast_in_dim3A_481 = arith.constant 48 : i32
        %broadcast_in_dim3A_482 = vector.broadcast %broadcast_in_dim3A_481 : i32 to vector<16xi32>
        %add3A_483 = arith.addi %broadcast_in_dim3A_482, %iota3A : vector<16xi32>
        %gather3A_484 = arith.constant 2 : i32
        %gather3A_485 = arith.constant 0 : i32
        %gather3A_486 = arith.constant 0 : i32
        %gather3A_487 = tpu.memref_slice %arg6[%gather3A_484, %gather3A_485, %gather3A_486] : memref<14x64x128xf32, #tpu.memory_space<vmem>> -> memref<1x64x128xf32, #tpu.memory_space<vmem>>
        %gather3A_488 = tpu.memref_squeeze %gather3A_487 : memref<1x64x128xf32, #tpu.memory_space<vmem>> -> memref<64x128xf32, #tpu.memory_space<vmem>>
        %gather3A_489 = tpu.vector_load_idx %gather3A_488[%add3A_483, %broadcast_in_dim3A] : memref<64x128xf32, #tpu.memory_space<vmem>>[vector<16xi32>, vector<16xi32>], vector<16xf32>,
        tpu.vector_store_idx %arg7[%add3A_483, %broadcast_in_dim3A_454], %gather3A_489 : memref<64x128xf32, #tpu.memory_space<vmem>>[vector<16xi32>, vector<16xi32>], vector<16xf32>,
        %add3A_490 = arith.constant 14 : i32
        %add3A_491 = arith.addi %add3A_328, %add3A_490 : i32
        %lt3A_492 = arith.constant 512 : i32
        %lt3A_493 = arith.cmpi slt, %add3A_491, %lt3A_492 : i32
        %convert_element_type3A_494 = arith.extui %lt3A_493 : i1 to i32
        %cond3A_495 = arith.constant 0 : i32
        %cond3A_496 = arith.cmpi ne, %convert_element_type3A_494, %cond3A_495 : i32
        scf.if %cond3A_496 {
          %add3A_503 = arith.constant 14 : i32
          %add3A_504 = arith.addi %add3A_328, %add3A_503 : i32
          %get3A_505 = arith.index_cast %add3A_504 : i32 to index
          %get3A_506 = tpu.vector_load %arg5[%get3A_505] {strides = array<i32>} : memref<528xi32, #tpu.memory_space<vmem>>, vector<16xi32>,
          %slice3A_507 = vector.extract_strided_slice %get3A_506 {offsets = [0], sizes = [1], strides = [1]} : vector<16xi32> to vector<1xi32>
          %squeeze3A_508 = vector.extract %slice3A_507[0] : i32 from vector<1xi32>
          %shift_right_arithmetic3A_509 = arith.constant 7 : i32
          %shift_right_arithmetic3A_510 = arith.shrsi %squeeze3A_508, %shift_right_arithmetic3A_509 : i32
          %mul3A_511 = arith.constant 128 : i32
          %mul3A_512 = arith.muli %shift_right_arithmetic3A_510, %mul3A_511 : i32
          %multiple_of3A_513 = tpu.assume_multiple %mul3A_512, 128 : i32
          %dma_start3A_514 = arith.constant 2 : i32
          %dma_start3A_515 = arith.constant 0 : i32
          %dma_start3A_516 = arith.constant 0 : i32
          %dma_start3A_517 = tpu.memref_slice %arg6[%dma_start3A_514, %dma_start3A_515, %dma_start3A_516] : memref<14x64x128xf32, #tpu.memory_space<vmem>> -> memref<1x64x128xf32, #tpu.memory_space<vmem>>
          %dma_start3A_518 = tpu.memref_squeeze %dma_start3A_517 : memref<1x64x128xf32, #tpu.memory_space<vmem>> -> memref<64x128xf32, #tpu.memory_space<vmem>>
          %dma_start3A_519 = arith.constant 0 : i32
          %dma_start3A_520 = tpu.memref_slice %arg3[%dma_start3A_519, %multiple_of3A_513] : memref<64x1000000xf32, #tpu.memory_space<hbm>> -> memref<64x128xf32, #tpu.memory_space<hbm>>
          %dma_start3A_521 = arith.constant 0 : i32
          %dma_start3A_522 = arith.constant 0 : i32
          %dma_start3A_523 = tpu.memref_slice %arg6[%dma_start3A_514, %dma_start3A_521, %dma_start3A_522] : memref<14x64x128xf32, #tpu.memory_space<vmem>> -> memref<1x64x128xf32, #tpu.memory_space<vmem>>
          %dma_start3A_524 = tpu.memref_squeeze %dma_start3A_523 : memref<1x64x128xf32, #tpu.memory_space<vmem>> -> memref<64x128xf32, #tpu.memory_space<vmem>>
          %dma_start3A_525 = arith.constant 0 : i32
          %dma_start3A_526 = tpu.memref_slice %arg3[%dma_start3A_525, %multiple_of3A_513] : memref<64x1000000xf32, #tpu.memory_space<hbm>> -> memref<64x128xf32, #tpu.memory_space<hbm>>
          tpu.enqueue_dma source(%dma_start3A_526 : memref<64x128xf32, #tpu.memory_space<hbm>>) target(%dma_start3A_524 : memref<64x128xf32, #tpu.memory_space<vmem>>) target_semaphore(%arg10 : memref<!tpu.dma_semaphore, #tpu.memory_space<semaphore_mem>>)
        } else {
        }
        %and3A_497 = arith.constant 127 : i32
        %and3A_498 = arith.andi %add3A_328, %and3A_497 : i32
        %eq3A = arith.constant 127 : i32
        %eq3A_499 = arith.cmpi eq, %and3A_498, %eq3A : i32
        %convert_element_type3A_500 = arith.extui %eq3A_499 : i1 to i32
        %cond3A_501 = arith.constant 0 : i32
        %cond3A_502 = arith.cmpi ne, %convert_element_type3A_500, %cond3A_501 : i32
        scf.if %cond3A_502 {
          %shift_right_arithmetic3A_503 = arith.constant 7 : i32
          %shift_right_arithmetic3A_504 = arith.shrsi %add3A_328, %shift_right_arithmetic3A_503 : i32
          %mul3A_505 = arith.constant 128 : i32
          %mul3A_506 = arith.muli %shift_right_arithmetic3A_504, %mul3A_505 : i32
          %add3A_507 = arith.addi %mul3A_2, %mul3A_506 : i32
          %multiple_of3A_508 = tpu.assume_multiple %add3A_507, 128 : i32
          "tpu.region"() ({
            %run_scoped3A = tpu.sem_alloc : memref<!tpu.dma_semaphore, #tpu.memory_space<semaphore_mem>>
            %dma_start3A_509 = arith.constant 0 : i32
            %dma_start3A_510 = tpu.memref_slice %arg4[%dma_start3A_509, %multiple_of3A_508] : memref<64x16384xf32, #tpu.memory_space<hbm>> -> memref<64x128xf32, #tpu.memory_space<hbm>>
            %dma_start3A_511 = arith.constant 0 : i32
            %dma_start3A_512 = tpu.memref_slice %arg4[%dma_start3A_511, %multiple_of3A_508] : memref<64x16384xf32, #tpu.memory_space<hbm>> -> memref<64x128xf32, #tpu.memory_space<hbm>>
            tpu.enqueue_dma source(%arg7 : memref<64x128xf32, #tpu.memory_space<vmem>>) target(%dma_start3A_512 : memref<64x128xf32, #tpu.memory_space<hbm>>) target_semaphore(%run_scoped3A : memref<!tpu.dma_semaphore, #tpu.memory_space<semaphore_mem>>)
            %dma_wait3A_513 = arith.constant 0 : i32
            %dma_wait3A_514 = tpu.memref_slice %arg4[%dma_wait3A_513, %multiple_of3A_508] : memref<64x16384xf32, #tpu.memory_space<hbm>> -> memref<64x128xf32, #tpu.memory_space<hbm>>
            %dma_wait3A_515 = arith.constant 0 : i32
            %dma_wait3A_516 = tpu.memref_slice %arg4[%dma_wait3A_515, %multiple_of3A_508] : memref<64x16384xf32, #tpu.memory_space<hbm>> -> memref<64x128xf32, #tpu.memory_space<hbm>>
            tpu.wait_dma2 semaphore(%run_scoped3A : memref<!tpu.dma_semaphore, #tpu.memory_space<semaphore_mem>>) src(%arg7 : memref<64x128xf32, #tpu.memory_space<vmem>>) dst(%dma_wait3A_516 : memref<64x128xf32, #tpu.memory_space<hbm>>)
            tpu.yield
          }) : () -> ()
        } else {
        }
      } else {
      }
      %mul3A_334 = arith.constant 14 : i32
      %mul3A_335 = arith.muli %scan3A_309, %mul3A_334 : i32
      %add3A_336 = arith.constant 3 : i32
      %add3A_337 = arith.addi %mul3A_335, %add3A_336 : i32
      %lt3A_338 = arith.constant 512 : i32
      %lt3A_339 = arith.cmpi slt, %add3A_337, %lt3A_338 : i32
      %convert_element_type3A_340 = arith.extui %lt3A_339 : i1 to i32
      %cond3A_341 = arith.constant 0 : i32
      %cond3A_342 = arith.cmpi ne, %convert_element_type3A_340, %cond3A_341 : i32
      scf.if %cond3A_342 {
        %dma_wait3A = arith.constant 3 : i32
        %dma_wait3A_433 = arith.constant 0 : i32
        %dma_wait3A_434 = arith.constant 0 : i32
        %dma_wait3A_435 = tpu.memref_slice %arg6[%dma_wait3A, %dma_wait3A_433, %dma_wait3A_434] : memref<14x64x128xf32, #tpu.memory_space<vmem>> -> memref<1x64x128xf32, #tpu.memory_space<vmem>>
        %dma_wait3A_436 = tpu.memref_squeeze %dma_wait3A_435 : memref<1x64x128xf32, #tpu.memory_space<vmem>> -> memref<64x128xf32, #tpu.memory_space<vmem>>
        %dma_wait3A_437 = arith.constant 0 : i32
        %dma_wait3A_438 = arith.constant 0 : i32
        %dma_wait3A_439 = tpu.memref_slice %arg3[%dma_wait3A_437, %dma_wait3A_438] : memref<64x1000000xf32, #tpu.memory_space<hbm>> -> memref<64x128xf32, #tpu.memory_space<hbm>>
        %dma_wait3A_440 = arith.constant 0 : i32
        %dma_wait3A_441 = arith.constant 0 : i32
        %dma_wait3A_442 = tpu.memref_slice %arg6[%dma_wait3A, %dma_wait3A_440, %dma_wait3A_441] : memref<14x64x128xf32, #tpu.memory_space<vmem>> -> memref<1x64x128xf32, #tpu.memory_space<vmem>>
        %dma_wait3A_443 = tpu.memref_squeeze %dma_wait3A_442 : memref<1x64x128xf32, #tpu.memory_space<vmem>> -> memref<64x128xf32, #tpu.memory_space<vmem>>
        %dma_wait3A_444 = arith.constant 0 : i32
        %dma_wait3A_445 = arith.constant 0 : i32
        %dma_wait3A_446 = tpu.memref_slice %arg3[%dma_wait3A_444, %dma_wait3A_445] : memref<64x1000000xf32, #tpu.memory_space<hbm>> -> memref<64x128xf32, #tpu.memory_space<hbm>>
        tpu.wait_dma2 semaphore(%arg11 : memref<!tpu.dma_semaphore, #tpu.memory_space<semaphore_mem>>) src(%dma_wait3A_446 : memref<64x128xf32, #tpu.memory_space<hbm>>) dst(%dma_wait3A_443 : memref<64x128xf32, #tpu.memory_space<vmem>>)
        %get3A_447 = arith.index_cast %add3A_337 : i32 to index
        %get3A_448 = tpu.vector_load %arg5[%get3A_447] {strides = array<i32>} : memref<528xi32, #tpu.memory_space<vmem>>, vector<16xi32>,
        %slice3A_449 = vector.extract_strided_slice %get3A_448 {offsets = [0], sizes = [1], strides = [1]} : vector<16xi32> to vector<1xi32>
        %squeeze3A_450 = vector.extract %slice3A_449[0] : i32 from vector<1xi32>
        %and3A = arith.constant 127 : i32
        %and3A_451 = arith.andi %squeeze3A_450, %and3A : i32
        %broadcast_in_dim3A = vector.broadcast %and3A_451 : i32 to vector<16xi32>
        %and3A_452 = arith.constant 127 : i32
        %and3A_453 = arith.andi %add3A_337, %and3A_452 : i32
        %broadcast_in_dim3A_454 = vector.broadcast %and3A_453 : i32 to vector<16xi32>
        %broadcast_in_dim3A_455 = arith.constant 0 : i32
        %broadcast_in_dim3A_456 = vector.broadcast %broadcast_in_dim3A_455 : i32 to vector<16xi32>
        %add3A_457 = arith.addi %broadcast_in_dim3A_456, %iota3A : vector<16xi32>
        %gather3A = arith.constant 3 : i32
        %gather3A_458 = arith.constant 0 : i32
        %gather3A_459 = arith.constant 0 : i32
        %gather3A_460 = tpu.memref_slice %arg6[%gather3A, %gather3A_458, %gather3A_459] : memref<14x64x128xf32, #tpu.memory_space<vmem>> -> memref<1x64x128xf32, #tpu.memory_space<vmem>>
        %gather3A_461 = tpu.memref_squeeze %gather3A_460 : memref<1x64x128xf32, #tpu.memory_space<vmem>> -> memref<64x128xf32, #tpu.memory_space<vmem>>
        %gather3A_462 = tpu.vector_load_idx %gather3A_461[%add3A_457, %broadcast_in_dim3A] : memref<64x128xf32, #tpu.memory_space<vmem>>[vector<16xi32>, vector<16xi32>], vector<16xf32>,
        tpu.vector_store_idx %arg7[%add3A_457, %broadcast_in_dim3A_454], %gather3A_462 : memref<64x128xf32, #tpu.memory_space<vmem>>[vector<16xi32>, vector<16xi32>], vector<16xf32>,
        %broadcast_in_dim3A_463 = arith.constant 16 : i32
        %broadcast_in_dim3A_464 = vector.broadcast %broadcast_in_dim3A_463 : i32 to vector<16xi32>
        %add3A_465 = arith.addi %broadcast_in_dim3A_464, %iota3A : vector<16xi32>
        %gather3A_466 = arith.constant 3 : i32
        %gather3A_467 = arith.constant 0 : i32
        %gather3A_468 = arith.constant 0 : i32
        %gather3A_469 = tpu.memref_slice %arg6[%gather3A_466, %gather3A_467, %gather3A_468] : memref<14x64x128xf32, #tpu.memory_space<vmem>> -> memref<1x64x128xf32, #tpu.memory_space<vmem>>
        %gather3A_470 = tpu.memref_squeeze %gather3A_469 : memref<1x64x128xf32, #tpu.memory_space<vmem>> -> memref<64x128xf32, #tpu.memory_space<vmem>>
        %gather3A_471 = tpu.vector_load_idx %gather3A_470[%add3A_465, %broadcast_in_dim3A] : memref<64x128xf32, #tpu.memory_space<vmem>>[vector<16xi32>, vector<16xi32>], vector<16xf32>,
        tpu.vector_store_idx %arg7[%add3A_465, %broadcast_in_dim3A_454], %gather3A_471 : memref<64x128xf32, #tpu.memory_space<vmem>>[vector<16xi32>, vector<16xi32>], vector<16xf32>,
        %broadcast_in_dim3A_472 = arith.constant 32 : i32
        %broadcast_in_dim3A_473 = vector.broadcast %broadcast_in_dim3A_472 : i32 to vector<16xi32>
        %add3A_474 = arith.addi %broadcast_in_dim3A_473, %iota3A : vector<16xi32>
        %gather3A_475 = arith.constant 3 : i32
        %gather3A_476 = arith.constant 0 : i32
        %gather3A_477 = arith.constant 0 : i32
        %gather3A_478 = tpu.memref_slice %arg6[%gather3A_475, %gather3A_476, %gather3A_477] : memref<14x64x128xf32, #tpu.memory_space<vmem>> -> memref<1x64x128xf32, #tpu.memory_space<vmem>>
        %gather3A_479 = tpu.memref_squeeze %gather3A_478 : memref<1x64x128xf32, #tpu.memory_space<vmem>> -> memref<64x128xf32, #tpu.memory_space<vmem>>
        %gather3A_480 = tpu.vector_load_idx %gather3A_479[%add3A_474, %broadcast_in_dim3A] : memref<64x128xf32, #tpu.memory_space<vmem>>[vector<16xi32>, vector<16xi32>], vector<16xf32>,
        tpu.vector_store_idx %arg7[%add3A_474, %broadcast_in_dim3A_454], %gather3A_480 : memref<64x128xf32, #tpu.memory_space<vmem>>[vector<16xi32>, vector<16xi32>], vector<16xf32>,
        %broadcast_in_dim3A_481 = arith.constant 48 : i32
        %broadcast_in_dim3A_482 = vector.broadcast %broadcast_in_dim3A_481 : i32 to vector<16xi32>
        %add3A_483 = arith.addi %broadcast_in_dim3A_482, %iota3A : vector<16xi32>
        %gather3A_484 = arith.constant 3 : i32
        %gather3A_485 = arith.constant 0 : i32
        %gather3A_486 = arith.constant 0 : i32
        %gather3A_487 = tpu.memref_slice %arg6[%gather3A_484, %gather3A_485, %gather3A_486] : memref<14x64x128xf32, #tpu.memory_space<vmem>> -> memref<1x64x128xf32, #tpu.memory_space<vmem>>
        %gather3A_488 = tpu.memref_squeeze %gather3A_487 : memref<1x64x128xf32, #tpu.memory_space<vmem>> -> memref<64x128xf32, #tpu.memory_space<vmem>>
        %gather3A_489 = tpu.vector_load_idx %gather3A_488[%add3A_483, %broadcast_in_dim3A] : memref<64x128xf32, #tpu.memory_space<vmem>>[vector<16xi32>, vector<16xi32>], vector<16xf32>,
        tpu.vector_store_idx %arg7[%add3A_483, %broadcast_in_dim3A_454], %gather3A_489 : memref<64x128xf32, #tpu.memory_space<vmem>>[vector<16xi32>, vector<16xi32>], vector<16xf32>,
        %add3A_490 = arith.constant 14 : i32
        %add3A_491 = arith.addi %add3A_337, %add3A_490 : i32
        %lt3A_492 = arith.constant 512 : i32
        %lt3A_493 = arith.cmpi slt, %add3A_491, %lt3A_492 : i32
        %convert_element_type3A_494 = arith.extui %lt3A_493 : i1 to i32
        %cond3A_495 = arith.constant 0 : i32
        %cond3A_496 = arith.cmpi ne, %convert_element_type3A_494, %cond3A_495 : i32
        scf.if %cond3A_496 {
          %add3A_503 = arith.constant 14 : i32
          %add3A_504 = arith.addi %add3A_337, %add3A_503 : i32
          %get3A_505 = arith.index_cast %add3A_504 : i32 to index
          %get3A_506 = tpu.vector_load %arg5[%get3A_505] {strides = array<i32>} : memref<528xi32, #tpu.memory_space<vmem>>, vector<16xi32>,
          %slice3A_507 = vector.extract_strided_slice %get3A_506 {offsets = [0], sizes = [1], strides = [1]} : vector<16xi32> to vector<1xi32>
          %squeeze3A_508 = vector.extract %slice3A_507[0] : i32 from vector<1xi32>
          %shift_right_arithmetic3A_509 = arith.constant 7 : i32
          %shift_right_arithmetic3A_510 = arith.shrsi %squeeze3A_508, %shift_right_arithmetic3A_509 : i32
          %mul3A_511 = arith.constant 128 : i32
          %mul3A_512 = arith.muli %shift_right_arithmetic3A_510, %mul3A_511 : i32
          %multiple_of3A_513 = tpu.assume_multiple %mul3A_512, 128 : i32
          %dma_start3A_514 = arith.constant 3 : i32
          %dma_start3A_515 = arith.constant 0 : i32
          %dma_start3A_516 = arith.constant 0 : i32
          %dma_start3A_517 = tpu.memref_slice %arg6[%dma_start3A_514, %dma_start3A_515, %dma_start3A_516] : memref<14x64x128xf32, #tpu.memory_space<vmem>> -> memref<1x64x128xf32, #tpu.memory_space<vmem>>
          %dma_start3A_518 = tpu.memref_squeeze %dma_start3A_517 : memref<1x64x128xf32, #tpu.memory_space<vmem>> -> memref<64x128xf32, #tpu.memory_space<vmem>>
          %dma_start3A_519 = arith.constant 0 : i32
          %dma_start3A_520 = tpu.memref_slice %arg3[%dma_start3A_519, %multiple_of3A_513] : memref<64x1000000xf32, #tpu.memory_space<hbm>> -> memref<64x128xf32, #tpu.memory_space<hbm>>
          %dma_start3A_521 = arith.constant 0 : i32
          %dma_start3A_522 = arith.constant 0 : i32
          %dma_start3A_523 = tpu.memref_slice %arg6[%dma_start3A_514, %dma_start3A_521, %dma_start3A_522] : memref<14x64x128xf32, #tpu.memory_space<vmem>> -> memref<1x64x128xf32, #tpu.memory_space<vmem>>
          %dma_start3A_524 = tpu.memref_squeeze %dma_start3A_523 : memref<1x64x128xf32, #tpu.memory_space<vmem>> -> memref<64x128xf32, #tpu.memory_space<vmem>>
          %dma_start3A_525 = arith.constant 0 : i32
          %dma_start3A_526 = tpu.memref_slice %arg3[%dma_start3A_525, %multiple_of3A_513] : memref<64x1000000xf32, #tpu.memory_space<hbm>> -> memref<64x128xf32, #tpu.memory_space<hbm>>
          tpu.enqueue_dma source(%dma_start3A_526 : memref<64x128xf32, #tpu.memory_space<hbm>>) target(%dma_start3A_524 : memref<64x128xf32, #tpu.memory_space<vmem>>) target_semaphore(%arg11 : memref<!tpu.dma_semaphore, #tpu.memory_space<semaphore_mem>>)
        } else {
        }
        %and3A_497 = arith.constant 127 : i32
        %and3A_498 = arith.andi %add3A_337, %and3A_497 : i32
        %eq3A = arith.constant 127 : i32
        %eq3A_499 = arith.cmpi eq, %and3A_498, %eq3A : i32
        %convert_element_type3A_500 = arith.extui %eq3A_499 : i1 to i32
        %cond3A_501 = arith.constant 0 : i32
        %cond3A_502 = arith.cmpi ne, %convert_element_type3A_500, %cond3A_501 : i32
        scf.if %cond3A_502 {
          %shift_right_arithmetic3A_503 = arith.constant 7 : i32
          %shift_right_arithmetic3A_504 = arith.shrsi %add3A_337, %shift_right_arithmetic3A_503 : i32
          %mul3A_505 = arith.constant 128 : i32
          %mul3A_506 = arith.muli %shift_right_arithmetic3A_504, %mul3A_505 : i32
          %add3A_507 = arith.addi %mul3A_2, %mul3A_506 : i32
          %multiple_of3A_508 = tpu.assume_multiple %add3A_507, 128 : i32
          "tpu.region"() ({
            %run_scoped3A = tpu.sem_alloc : memref<!tpu.dma_semaphore, #tpu.memory_space<semaphore_mem>>
            %dma_start3A_509 = arith.constant 0 : i32
            %dma_start3A_510 = tpu.memref_slice %arg4[%dma_start3A_509, %multiple_of3A_508] : memref<64x16384xf32, #tpu.memory_space<hbm>> -> memref<64x128xf32, #tpu.memory_space<hbm>>
            %dma_start3A_511 = arith.constant 0 : i32
            %dma_start3A_512 = tpu.memref_slice %arg4[%dma_start3A_511, %multiple_of3A_508] : memref<64x16384xf32, #tpu.memory_space<hbm>> -> memref<64x128xf32, #tpu.memory_space<hbm>>
            tpu.enqueue_dma source(%arg7 : memref<64x128xf32, #tpu.memory_space<vmem>>) target(%dma_start3A_512 : memref<64x128xf32, #tpu.memory_space<hbm>>) target_semaphore(%run_scoped3A : memref<!tpu.dma_semaphore, #tpu.memory_space<semaphore_mem>>)
            %dma_wait3A_513 = arith.constant 0 : i32
            %dma_wait3A_514 = tpu.memref_slice %arg4[%dma_wait3A_513, %multiple_of3A_508] : memref<64x16384xf32, #tpu.memory_space<hbm>> -> memref<64x128xf32, #tpu.memory_space<hbm>>
            %dma_wait3A_515 = arith.constant 0 : i32
            %dma_wait3A_516 = tpu.memref_slice %arg4[%dma_wait3A_515, %multiple_of3A_508] : memref<64x16384xf32, #tpu.memory_space<hbm>> -> memref<64x128xf32, #tpu.memory_space<hbm>>
            tpu.wait_dma2 semaphore(%run_scoped3A : memref<!tpu.dma_semaphore, #tpu.memory_space<semaphore_mem>>) src(%arg7 : memref<64x128xf32, #tpu.memory_space<vmem>>) dst(%dma_wait3A_516 : memref<64x128xf32, #tpu.memory_space<hbm>>)
            tpu.yield
          }) : () -> ()
        } else {
        }
      } else {
      }
      %mul3A_343 = arith.constant 14 : i32
      %mul3A_344 = arith.muli %scan3A_309, %mul3A_343 : i32
      %add3A_345 = arith.constant 4 : i32
      %add3A_346 = arith.addi %mul3A_344, %add3A_345 : i32
      %lt3A_347 = arith.constant 512 : i32
      %lt3A_348 = arith.cmpi slt, %add3A_346, %lt3A_347 : i32
      %convert_element_type3A_349 = arith.extui %lt3A_348 : i1 to i32
      %cond3A_350 = arith.constant 0 : i32
      %cond3A_351 = arith.cmpi ne, %convert_element_type3A_349, %cond3A_350 : i32
      scf.if %cond3A_351 {
        %dma_wait3A = arith.constant 4 : i32
        %dma_wait3A_433 = arith.constant 0 : i32
        %dma_wait3A_434 = arith.constant 0 : i32
        %dma_wait3A_435 = tpu.memref_slice %arg6[%dma_wait3A, %dma_wait3A_433, %dma_wait3A_434] : memref<14x64x128xf32, #tpu.memory_space<vmem>> -> memref<1x64x128xf32, #tpu.memory_space<vmem>>
        %dma_wait3A_436 = tpu.memref_squeeze %dma_wait3A_435 : memref<1x64x128xf32, #tpu.memory_space<vmem>> -> memref<64x128xf32, #tpu.memory_space<vmem>>
        %dma_wait3A_437 = arith.constant 0 : i32
        %dma_wait3A_438 = arith.constant 0 : i32
        %dma_wait3A_439 = tpu.memref_slice %arg3[%dma_wait3A_437, %dma_wait3A_438] : memref<64x1000000xf32, #tpu.memory_space<hbm>> -> memref<64x128xf32, #tpu.memory_space<hbm>>
        %dma_wait3A_440 = arith.constant 0 : i32
        %dma_wait3A_441 = arith.constant 0 : i32
        %dma_wait3A_442 = tpu.memref_slice %arg6[%dma_wait3A, %dma_wait3A_440, %dma_wait3A_441] : memref<14x64x128xf32, #tpu.memory_space<vmem>> -> memref<1x64x128xf32, #tpu.memory_space<vmem>>
        %dma_wait3A_443 = tpu.memref_squeeze %dma_wait3A_442 : memref<1x64x128xf32, #tpu.memory_space<vmem>> -> memref<64x128xf32, #tpu.memory_space<vmem>>
        %dma_wait3A_444 = arith.constant 0 : i32
        %dma_wait3A_445 = arith.constant 0 : i32
        %dma_wait3A_446 = tpu.memref_slice %arg3[%dma_wait3A_444, %dma_wait3A_445] : memref<64x1000000xf32, #tpu.memory_space<hbm>> -> memref<64x128xf32, #tpu.memory_space<hbm>>
        tpu.wait_dma2 semaphore(%arg12 : memref<!tpu.dma_semaphore, #tpu.memory_space<semaphore_mem>>) src(%dma_wait3A_446 : memref<64x128xf32, #tpu.memory_space<hbm>>) dst(%dma_wait3A_443 : memref<64x128xf32, #tpu.memory_space<vmem>>)
        %get3A_447 = arith.index_cast %add3A_346 : i32 to index
        %get3A_448 = tpu.vector_load %arg5[%get3A_447] {strides = array<i32>} : memref<528xi32, #tpu.memory_space<vmem>>, vector<16xi32>,
        %slice3A_449 = vector.extract_strided_slice %get3A_448 {offsets = [0], sizes = [1], strides = [1]} : vector<16xi32> to vector<1xi32>
        %squeeze3A_450 = vector.extract %slice3A_449[0] : i32 from vector<1xi32>
        %and3A = arith.constant 127 : i32
        %and3A_451 = arith.andi %squeeze3A_450, %and3A : i32
        %broadcast_in_dim3A = vector.broadcast %and3A_451 : i32 to vector<16xi32>
        %and3A_452 = arith.constant 127 : i32
        %and3A_453 = arith.andi %add3A_346, %and3A_452 : i32
        %broadcast_in_dim3A_454 = vector.broadcast %and3A_453 : i32 to vector<16xi32>
        %broadcast_in_dim3A_455 = arith.constant 0 : i32
        %broadcast_in_dim3A_456 = vector.broadcast %broadcast_in_dim3A_455 : i32 to vector<16xi32>
        %add3A_457 = arith.addi %broadcast_in_dim3A_456, %iota3A : vector<16xi32>
        %gather3A = arith.constant 4 : i32
        %gather3A_458 = arith.constant 0 : i32
        %gather3A_459 = arith.constant 0 : i32
        %gather3A_460 = tpu.memref_slice %arg6[%gather3A, %gather3A_458, %gather3A_459] : memref<14x64x128xf32, #tpu.memory_space<vmem>> -> memref<1x64x128xf32, #tpu.memory_space<vmem>>
        %gather3A_461 = tpu.memref_squeeze %gather3A_460 : memref<1x64x128xf32, #tpu.memory_space<vmem>> -> memref<64x128xf32, #tpu.memory_space<vmem>>
        %gather3A_462 = tpu.vector_load_idx %gather3A_461[%add3A_457, %broadcast_in_dim3A] : memref<64x128xf32, #tpu.memory_space<vmem>>[vector<16xi32>, vector<16xi32>], vector<16xf32>,
        tpu.vector_store_idx %arg7[%add3A_457, %broadcast_in_dim3A_454], %gather3A_462 : memref<64x128xf32, #tpu.memory_space<vmem>>[vector<16xi32>, vector<16xi32>], vector<16xf32>,
        %broadcast_in_dim3A_463 = arith.constant 16 : i32
        %broadcast_in_dim3A_464 = vector.broadcast %broadcast_in_dim3A_463 : i32 to vector<16xi32>
        %add3A_465 = arith.addi %broadcast_in_dim3A_464, %iota3A : vector<16xi32>
        %gather3A_466 = arith.constant 4 : i32
        %gather3A_467 = arith.constant 0 : i32
        %gather3A_468 = arith.constant 0 : i32
        %gather3A_469 = tpu.memref_slice %arg6[%gather3A_466, %gather3A_467, %gather3A_468] : memref<14x64x128xf32, #tpu.memory_space<vmem>> -> memref<1x64x128xf32, #tpu.memory_space<vmem>>
        %gather3A_470 = tpu.memref_squeeze %gather3A_469 : memref<1x64x128xf32, #tpu.memory_space<vmem>> -> memref<64x128xf32, #tpu.memory_space<vmem>>
        %gather3A_471 = tpu.vector_load_idx %gather3A_470[%add3A_465, %broadcast_in_dim3A] : memref<64x128xf32, #tpu.memory_space<vmem>>[vector<16xi32>, vector<16xi32>], vector<16xf32>,
        tpu.vector_store_idx %arg7[%add3A_465, %broadcast_in_dim3A_454], %gather3A_471 : memref<64x128xf32, #tpu.memory_space<vmem>>[vector<16xi32>, vector<16xi32>], vector<16xf32>,
        %broadcast_in_dim3A_472 = arith.constant 32 : i32
        %broadcast_in_dim3A_473 = vector.broadcast %broadcast_in_dim3A_472 : i32 to vector<16xi32>
        %add3A_474 = arith.addi %broadcast_in_dim3A_473, %iota3A : vector<16xi32>
        %gather3A_475 = arith.constant 4 : i32
        %gather3A_476 = arith.constant 0 : i32
        %gather3A_477 = arith.constant 0 : i32
        %gather3A_478 = tpu.memref_slice %arg6[%gather3A_475, %gather3A_476, %gather3A_477] : memref<14x64x128xf32, #tpu.memory_space<vmem>> -> memref<1x64x128xf32, #tpu.memory_space<vmem>>
        %gather3A_479 = tpu.memref_squeeze %gather3A_478 : memref<1x64x128xf32, #tpu.memory_space<vmem>> -> memref<64x128xf32, #tpu.memory_space<vmem>>
        %gather3A_480 = tpu.vector_load_idx %gather3A_479[%add3A_474, %broadcast_in_dim3A] : memref<64x128xf32, #tpu.memory_space<vmem>>[vector<16xi32>, vector<16xi32>], vector<16xf32>,
        tpu.vector_store_idx %arg7[%add3A_474, %broadcast_in_dim3A_454], %gather3A_480 : memref<64x128xf32, #tpu.memory_space<vmem>>[vector<16xi32>, vector<16xi32>], vector<16xf32>,
        %broadcast_in_dim3A_481 = arith.constant 48 : i32
        %broadcast_in_dim3A_482 = vector.broadcast %broadcast_in_dim3A_481 : i32 to vector<16xi32>
        %add3A_483 = arith.addi %broadcast_in_dim3A_482, %iota3A : vector<16xi32>
        %gather3A_484 = arith.constant 4 : i32
        %gather3A_485 = arith.constant 0 : i32
        %gather3A_486 = arith.constant 0 : i32
        %gather3A_487 = tpu.memref_slice %arg6[%gather3A_484, %gather3A_485, %gather3A_486] : memref<14x64x128xf32, #tpu.memory_space<vmem>> -> memref<1x64x128xf32, #tpu.memory_space<vmem>>
        %gather3A_488 = tpu.memref_squeeze %gather3A_487 : memref<1x64x128xf32, #tpu.memory_space<vmem>> -> memref<64x128xf32, #tpu.memory_space<vmem>>
        %gather3A_489 = tpu.vector_load_idx %gather3A_488[%add3A_483, %broadcast_in_dim3A] : memref<64x128xf32, #tpu.memory_space<vmem>>[vector<16xi32>, vector<16xi32>], vector<16xf32>,
        tpu.vector_store_idx %arg7[%add3A_483, %broadcast_in_dim3A_454], %gather3A_489 : memref<64x128xf32, #tpu.memory_space<vmem>>[vector<16xi32>, vector<16xi32>], vector<16xf32>,
        %add3A_490 = arith.constant 14 : i32
        %add3A_491 = arith.addi %add3A_346, %add3A_490 : i32
        %lt3A_492 = arith.constant 512 : i32
        %lt3A_493 = arith.cmpi slt, %add3A_491, %lt3A_492 : i32
        %convert_element_type3A_494 = arith.extui %lt3A_493 : i1 to i32
        %cond3A_495 = arith.constant 0 : i32
        %cond3A_496 = arith.cmpi ne, %convert_element_type3A_494, %cond3A_495 : i32
        scf.if %cond3A_496 {
          %add3A_503 = arith.constant 14 : i32
          %add3A_504 = arith.addi %add3A_346, %add3A_503 : i32
          %get3A_505 = arith.index_cast %add3A_504 : i32 to index
          %get3A_506 = tpu.vector_load %arg5[%get3A_505] {strides = array<i32>} : memref<528xi32, #tpu.memory_space<vmem>>, vector<16xi32>,
          %slice3A_507 = vector.extract_strided_slice %get3A_506 {offsets = [0], sizes = [1], strides = [1]} : vector<16xi32> to vector<1xi32>
          %squeeze3A_508 = vector.extract %slice3A_507[0] : i32 from vector<1xi32>
          %shift_right_arithmetic3A_509 = arith.constant 7 : i32
          %shift_right_arithmetic3A_510 = arith.shrsi %squeeze3A_508, %shift_right_arithmetic3A_509 : i32
          %mul3A_511 = arith.constant 128 : i32
          %mul3A_512 = arith.muli %shift_right_arithmetic3A_510, %mul3A_511 : i32
          %multiple_of3A_513 = tpu.assume_multiple %mul3A_512, 128 : i32
          %dma_start3A_514 = arith.constant 4 : i32
          %dma_start3A_515 = arith.constant 0 : i32
          %dma_start3A_516 = arith.constant 0 : i32
          %dma_start3A_517 = tpu.memref_slice %arg6[%dma_start3A_514, %dma_start3A_515, %dma_start3A_516] : memref<14x64x128xf32, #tpu.memory_space<vmem>> -> memref<1x64x128xf32, #tpu.memory_space<vmem>>
          %dma_start3A_518 = tpu.memref_squeeze %dma_start3A_517 : memref<1x64x128xf32, #tpu.memory_space<vmem>> -> memref<64x128xf32, #tpu.memory_space<vmem>>
          %dma_start3A_519 = arith.constant 0 : i32
          %dma_start3A_520 = tpu.memref_slice %arg3[%dma_start3A_519, %multiple_of3A_513] : memref<64x1000000xf32, #tpu.memory_space<hbm>> -> memref<64x128xf32, #tpu.memory_space<hbm>>
          %dma_start3A_521 = arith.constant 0 : i32
          %dma_start3A_522 = arith.constant 0 : i32
          %dma_start3A_523 = tpu.memref_slice %arg6[%dma_start3A_514, %dma_start3A_521, %dma_start3A_522] : memref<14x64x128xf32, #tpu.memory_space<vmem>> -> memref<1x64x128xf32, #tpu.memory_space<vmem>>
          %dma_start3A_524 = tpu.memref_squeeze %dma_start3A_523 : memref<1x64x128xf32, #tpu.memory_space<vmem>> -> memref<64x128xf32, #tpu.memory_space<vmem>>
          %dma_start3A_525 = arith.constant 0 : i32
          %dma_start3A_526 = tpu.memref_slice %arg3[%dma_start3A_525, %multiple_of3A_513] : memref<64x1000000xf32, #tpu.memory_space<hbm>> -> memref<64x128xf32, #tpu.memory_space<hbm>>
          tpu.enqueue_dma source(%dma_start3A_526 : memref<64x128xf32, #tpu.memory_space<hbm>>) target(%dma_start3A_524 : memref<64x128xf32, #tpu.memory_space<vmem>>) target_semaphore(%arg12 : memref<!tpu.dma_semaphore, #tpu.memory_space<semaphore_mem>>)
        } else {
        }
        %and3A_497 = arith.constant 127 : i32
        %and3A_498 = arith.andi %add3A_346, %and3A_497 : i32
        %eq3A = arith.constant 127 : i32
        %eq3A_499 = arith.cmpi eq, %and3A_498, %eq3A : i32
        %convert_element_type3A_500 = arith.extui %eq3A_499 : i1 to i32
        %cond3A_501 = arith.constant 0 : i32
        %cond3A_502 = arith.cmpi ne, %convert_element_type3A_500, %cond3A_501 : i32
        scf.if %cond3A_502 {
          %shift_right_arithmetic3A_503 = arith.constant 7 : i32
          %shift_right_arithmetic3A_504 = arith.shrsi %add3A_346, %shift_right_arithmetic3A_503 : i32
          %mul3A_505 = arith.constant 128 : i32
          %mul3A_506 = arith.muli %shift_right_arithmetic3A_504, %mul3A_505 : i32
          %add3A_507 = arith.addi %mul3A_2, %mul3A_506 : i32
          %multiple_of3A_508 = tpu.assume_multiple %add3A_507, 128 : i32
          "tpu.region"() ({
            %run_scoped3A = tpu.sem_alloc : memref<!tpu.dma_semaphore, #tpu.memory_space<semaphore_mem>>
            %dma_start3A_509 = arith.constant 0 : i32
            %dma_start3A_510 = tpu.memref_slice %arg4[%dma_start3A_509, %multiple_of3A_508] : memref<64x16384xf32, #tpu.memory_space<hbm>> -> memref<64x128xf32, #tpu.memory_space<hbm>>
            %dma_start3A_511 = arith.constant 0 : i32
            %dma_start3A_512 = tpu.memref_slice %arg4[%dma_start3A_511, %multiple_of3A_508] : memref<64x16384xf32, #tpu.memory_space<hbm>> -> memref<64x128xf32, #tpu.memory_space<hbm>>
            tpu.enqueue_dma source(%arg7 : memref<64x128xf32, #tpu.memory_space<vmem>>) target(%dma_start3A_512 : memref<64x128xf32, #tpu.memory_space<hbm>>) target_semaphore(%run_scoped3A : memref<!tpu.dma_semaphore, #tpu.memory_space<semaphore_mem>>)
            %dma_wait3A_513 = arith.constant 0 : i32
            %dma_wait3A_514 = tpu.memref_slice %arg4[%dma_wait3A_513, %multiple_of3A_508] : memref<64x16384xf32, #tpu.memory_space<hbm>> -> memref<64x128xf32, #tpu.memory_space<hbm>>
            %dma_wait3A_515 = arith.constant 0 : i32
            %dma_wait3A_516 = tpu.memref_slice %arg4[%dma_wait3A_515, %multiple_of3A_508] : memref<64x16384xf32, #tpu.memory_space<hbm>> -> memref<64x128xf32, #tpu.memory_space<hbm>>
            tpu.wait_dma2 semaphore(%run_scoped3A : memref<!tpu.dma_semaphore, #tpu.memory_space<semaphore_mem>>) src(%arg7 : memref<64x128xf32, #tpu.memory_space<vmem>>) dst(%dma_wait3A_516 : memref<64x128xf32, #tpu.memory_space<hbm>>)
            tpu.yield
          }) : () -> ()
        } else {
        }
      } else {
      }
      %mul3A_352 = arith.constant 14 : i32
      %mul3A_353 = arith.muli %scan3A_309, %mul3A_352 : i32
      %add3A_354 = arith.constant 5 : i32
      %add3A_355 = arith.addi %mul3A_353, %add3A_354 : i32
      %lt3A_356 = arith.constant 512 : i32
      %lt3A_357 = arith.cmpi slt, %add3A_355, %lt3A_356 : i32
      %convert_element_type3A_358 = arith.extui %lt3A_357 : i1 to i32
      %cond3A_359 = arith.constant 0 : i32
      %cond3A_360 = arith.cmpi ne, %convert_element_type3A_358, %cond3A_359 : i32
      scf.if %cond3A_360 {
        %dma_wait3A = arith.constant 5 : i32
        %dma_wait3A_433 = arith.constant 0 : i32
        %dma_wait3A_434 = arith.constant 0 : i32
        %dma_wait3A_435 = tpu.memref_slice %arg6[%dma_wait3A, %dma_wait3A_433, %dma_wait3A_434] : memref<14x64x128xf32, #tpu.memory_space<vmem>> -> memref<1x64x128xf32, #tpu.memory_space<vmem>>
        %dma_wait3A_436 = tpu.memref_squeeze %dma_wait3A_435 : memref<1x64x128xf32, #tpu.memory_space<vmem>> -> memref<64x128xf32, #tpu.memory_space<vmem>>
        %dma_wait3A_437 = arith.constant 0 : i32
        %dma_wait3A_438 = arith.constant 0 : i32
        %dma_wait3A_439 = tpu.memref_slice %arg3[%dma_wait3A_437, %dma_wait3A_438] : memref<64x1000000xf32, #tpu.memory_space<hbm>> -> memref<64x128xf32, #tpu.memory_space<hbm>>
        %dma_wait3A_440 = arith.constant 0 : i32
        %dma_wait3A_441 = arith.constant 0 : i32
        %dma_wait3A_442 = tpu.memref_slice %arg6[%dma_wait3A, %dma_wait3A_440, %dma_wait3A_441] : memref<14x64x128xf32, #tpu.memory_space<vmem>> -> memref<1x64x128xf32, #tpu.memory_space<vmem>>
        %dma_wait3A_443 = tpu.memref_squeeze %dma_wait3A_442 : memref<1x64x128xf32, #tpu.memory_space<vmem>> -> memref<64x128xf32, #tpu.memory_space<vmem>>
        %dma_wait3A_444 = arith.constant 0 : i32
        %dma_wait3A_445 = arith.constant 0 : i32
        %dma_wait3A_446 = tpu.memref_slice %arg3[%dma_wait3A_444, %dma_wait3A_445] : memref<64x1000000xf32, #tpu.memory_space<hbm>> -> memref<64x128xf32, #tpu.memory_space<hbm>>
        tpu.wait_dma2 semaphore(%arg13 : memref<!tpu.dma_semaphore, #tpu.memory_space<semaphore_mem>>) src(%dma_wait3A_446 : memref<64x128xf32, #tpu.memory_space<hbm>>) dst(%dma_wait3A_443 : memref<64x128xf32, #tpu.memory_space<vmem>>)
        %get3A_447 = arith.index_cast %add3A_355 : i32 to index
        %get3A_448 = tpu.vector_load %arg5[%get3A_447] {strides = array<i32>} : memref<528xi32, #tpu.memory_space<vmem>>, vector<16xi32>,
        %slice3A_449 = vector.extract_strided_slice %get3A_448 {offsets = [0], sizes = [1], strides = [1]} : vector<16xi32> to vector<1xi32>
        %squeeze3A_450 = vector.extract %slice3A_449[0] : i32 from vector<1xi32>
        %and3A = arith.constant 127 : i32
        %and3A_451 = arith.andi %squeeze3A_450, %and3A : i32
        %broadcast_in_dim3A = vector.broadcast %and3A_451 : i32 to vector<16xi32>
        %and3A_452 = arith.constant 127 : i32
        %and3A_453 = arith.andi %add3A_355, %and3A_452 : i32
        %broadcast_in_dim3A_454 = vector.broadcast %and3A_453 : i32 to vector<16xi32>
        %broadcast_in_dim3A_455 = arith.constant 0 : i32
        %broadcast_in_dim3A_456 = vector.broadcast %broadcast_in_dim3A_455 : i32 to vector<16xi32>
        %add3A_457 = arith.addi %broadcast_in_dim3A_456, %iota3A : vector<16xi32>
        %gather3A = arith.constant 5 : i32
        %gather3A_458 = arith.constant 0 : i32
        %gather3A_459 = arith.constant 0 : i32
        %gather3A_460 = tpu.memref_slice %arg6[%gather3A, %gather3A_458, %gather3A_459] : memref<14x64x128xf32, #tpu.memory_space<vmem>> -> memref<1x64x128xf32, #tpu.memory_space<vmem>>
        %gather3A_461 = tpu.memref_squeeze %gather3A_460 : memref<1x64x128xf32, #tpu.memory_space<vmem>> -> memref<64x128xf32, #tpu.memory_space<vmem>>
        %gather3A_462 = tpu.vector_load_idx %gather3A_461[%add3A_457, %broadcast_in_dim3A] : memref<64x128xf32, #tpu.memory_space<vmem>>[vector<16xi32>, vector<16xi32>], vector<16xf32>,
        tpu.vector_store_idx %arg7[%add3A_457, %broadcast_in_dim3A_454], %gather3A_462 : memref<64x128xf32, #tpu.memory_space<vmem>>[vector<16xi32>, vector<16xi32>], vector<16xf32>,
        %broadcast_in_dim3A_463 = arith.constant 16 : i32
        %broadcast_in_dim3A_464 = vector.broadcast %broadcast_in_dim3A_463 : i32 to vector<16xi32>
        %add3A_465 = arith.addi %broadcast_in_dim3A_464, %iota3A : vector<16xi32>
        %gather3A_466 = arith.constant 5 : i32
        %gather3A_467 = arith.constant 0 : i32
        %gather3A_468 = arith.constant 0 : i32
        %gather3A_469 = tpu.memref_slice %arg6[%gather3A_466, %gather3A_467, %gather3A_468] : memref<14x64x128xf32, #tpu.memory_space<vmem>> -> memref<1x64x128xf32, #tpu.memory_space<vmem>>
        %gather3A_470 = tpu.memref_squeeze %gather3A_469 : memref<1x64x128xf32, #tpu.memory_space<vmem>> -> memref<64x128xf32, #tpu.memory_space<vmem>>
        %gather3A_471 = tpu.vector_load_idx %gather3A_470[%add3A_465, %broadcast_in_dim3A] : memref<64x128xf32, #tpu.memory_space<vmem>>[vector<16xi32>, vector<16xi32>], vector<16xf32>,
        tpu.vector_store_idx %arg7[%add3A_465, %broadcast_in_dim3A_454], %gather3A_471 : memref<64x128xf32, #tpu.memory_space<vmem>>[vector<16xi32>, vector<16xi32>], vector<16xf32>,
        %broadcast_in_dim3A_472 = arith.constant 32 : i32
        %broadcast_in_dim3A_473 = vector.broadcast %broadcast_in_dim3A_472 : i32 to vector<16xi32>
        %add3A_474 = arith.addi %broadcast_in_dim3A_473, %iota3A : vector<16xi32>
        %gather3A_475 = arith.constant 5 : i32
        %gather3A_476 = arith.constant 0 : i32
        %gather3A_477 = arith.constant 0 : i32
        %gather3A_478 = tpu.memref_slice %arg6[%gather3A_475, %gather3A_476, %gather3A_477] : memref<14x64x128xf32, #tpu.memory_space<vmem>> -> memref<1x64x128xf32, #tpu.memory_space<vmem>>
        %gather3A_479 = tpu.memref_squeeze %gather3A_478 : memref<1x64x128xf32, #tpu.memory_space<vmem>> -> memref<64x128xf32, #tpu.memory_space<vmem>>
        %gather3A_480 = tpu.vector_load_idx %gather3A_479[%add3A_474, %broadcast_in_dim3A] : memref<64x128xf32, #tpu.memory_space<vmem>>[vector<16xi32>, vector<16xi32>], vector<16xf32>,
        tpu.vector_store_idx %arg7[%add3A_474, %broadcast_in_dim3A_454], %gather3A_480 : memref<64x128xf32, #tpu.memory_space<vmem>>[vector<16xi32>, vector<16xi32>], vector<16xf32>,
        %broadcast_in_dim3A_481 = arith.constant 48 : i32
        %broadcast_in_dim3A_482 = vector.broadcast %broadcast_in_dim3A_481 : i32 to vector<16xi32>
        %add3A_483 = arith.addi %broadcast_in_dim3A_482, %iota3A : vector<16xi32>
        %gather3A_484 = arith.constant 5 : i32
        %gather3A_485 = arith.constant 0 : i32
        %gather3A_486 = arith.constant 0 : i32
        %gather3A_487 = tpu.memref_slice %arg6[%gather3A_484, %gather3A_485, %gather3A_486] : memref<14x64x128xf32, #tpu.memory_space<vmem>> -> memref<1x64x128xf32, #tpu.memory_space<vmem>>
        %gather3A_488 = tpu.memref_squeeze %gather3A_487 : memref<1x64x128xf32, #tpu.memory_space<vmem>> -> memref<64x128xf32, #tpu.memory_space<vmem>>
        %gather3A_489 = tpu.vector_load_idx %gather3A_488[%add3A_483, %broadcast_in_dim3A] : memref<64x128xf32, #tpu.memory_space<vmem>>[vector<16xi32>, vector<16xi32>], vector<16xf32>,
        tpu.vector_store_idx %arg7[%add3A_483, %broadcast_in_dim3A_454], %gather3A_489 : memref<64x128xf32, #tpu.memory_space<vmem>>[vector<16xi32>, vector<16xi32>], vector<16xf32>,
        %add3A_490 = arith.constant 14 : i32
        %add3A_491 = arith.addi %add3A_355, %add3A_490 : i32
        %lt3A_492 = arith.constant 512 : i32
        %lt3A_493 = arith.cmpi slt, %add3A_491, %lt3A_492 : i32
        %convert_element_type3A_494 = arith.extui %lt3A_493 : i1 to i32
        %cond3A_495 = arith.constant 0 : i32
        %cond3A_496 = arith.cmpi ne, %convert_element_type3A_494, %cond3A_495 : i32
        scf.if %cond3A_496 {
          %add3A_503 = arith.constant 14 : i32
          %add3A_504 = arith.addi %add3A_355, %add3A_503 : i32
          %get3A_505 = arith.index_cast %add3A_504 : i32 to index
          %get3A_506 = tpu.vector_load %arg5[%get3A_505] {strides = array<i32>} : memref<528xi32, #tpu.memory_space<vmem>>, vector<16xi32>,
          %slice3A_507 = vector.extract_strided_slice %get3A_506 {offsets = [0], sizes = [1], strides = [1]} : vector<16xi32> to vector<1xi32>
          %squeeze3A_508 = vector.extract %slice3A_507[0] : i32 from vector<1xi32>
          %shift_right_arithmetic3A_509 = arith.constant 7 : i32
          %shift_right_arithmetic3A_510 = arith.shrsi %squeeze3A_508, %shift_right_arithmetic3A_509 : i32
          %mul3A_511 = arith.constant 128 : i32
          %mul3A_512 = arith.muli %shift_right_arithmetic3A_510, %mul3A_511 : i32
          %multiple_of3A_513 = tpu.assume_multiple %mul3A_512, 128 : i32
          %dma_start3A_514 = arith.constant 5 : i32
          %dma_start3A_515 = arith.constant 0 : i32
          %dma_start3A_516 = arith.constant 0 : i32
          %dma_start3A_517 = tpu.memref_slice %arg6[%dma_start3A_514, %dma_start3A_515, %dma_start3A_516] : memref<14x64x128xf32, #tpu.memory_space<vmem>> -> memref<1x64x128xf32, #tpu.memory_space<vmem>>
          %dma_start3A_518 = tpu.memref_squeeze %dma_start3A_517 : memref<1x64x128xf32, #tpu.memory_space<vmem>> -> memref<64x128xf32, #tpu.memory_space<vmem>>
          %dma_start3A_519 = arith.constant 0 : i32
          %dma_start3A_520 = tpu.memref_slice %arg3[%dma_start3A_519, %multiple_of3A_513] : memref<64x1000000xf32, #tpu.memory_space<hbm>> -> memref<64x128xf32, #tpu.memory_space<hbm>>
          %dma_start3A_521 = arith.constant 0 : i32
          %dma_start3A_522 = arith.constant 0 : i32
          %dma_start3A_523 = tpu.memref_slice %arg6[%dma_start3A_514, %dma_start3A_521, %dma_start3A_522] : memref<14x64x128xf32, #tpu.memory_space<vmem>> -> memref<1x64x128xf32, #tpu.memory_space<vmem>>
          %dma_start3A_524 = tpu.memref_squeeze %dma_start3A_523 : memref<1x64x128xf32, #tpu.memory_space<vmem>> -> memref<64x128xf32, #tpu.memory_space<vmem>>
          %dma_start3A_525 = arith.constant 0 : i32
          %dma_start3A_526 = tpu.memref_slice %arg3[%dma_start3A_525, %multiple_of3A_513] : memref<64x1000000xf32, #tpu.memory_space<hbm>> -> memref<64x128xf32, #tpu.memory_space<hbm>>
          tpu.enqueue_dma source(%dma_start3A_526 : memref<64x128xf32, #tpu.memory_space<hbm>>) target(%dma_start3A_524 : memref<64x128xf32, #tpu.memory_space<vmem>>) target_semaphore(%arg13 : memref<!tpu.dma_semaphore, #tpu.memory_space<semaphore_mem>>)
        } else {
        }
        %and3A_497 = arith.constant 127 : i32
        %and3A_498 = arith.andi %add3A_355, %and3A_497 : i32
        %eq3A = arith.constant 127 : i32
        %eq3A_499 = arith.cmpi eq, %and3A_498, %eq3A : i32
        %convert_element_type3A_500 = arith.extui %eq3A_499 : i1 to i32
        %cond3A_501 = arith.constant 0 : i32
        %cond3A_502 = arith.cmpi ne, %convert_element_type3A_500, %cond3A_501 : i32
        scf.if %cond3A_502 {
          %shift_right_arithmetic3A_503 = arith.constant 7 : i32
          %shift_right_arithmetic3A_504 = arith.shrsi %add3A_355, %shift_right_arithmetic3A_503 : i32
          %mul3A_505 = arith.constant 128 : i32
          %mul3A_506 = arith.muli %shift_right_arithmetic3A_504, %mul3A_505 : i32
          %add3A_507 = arith.addi %mul3A_2, %mul3A_506 : i32
          %multiple_of3A_508 = tpu.assume_multiple %add3A_507, 128 : i32
          "tpu.region"() ({
            %run_scoped3A = tpu.sem_alloc : memref<!tpu.dma_semaphore, #tpu.memory_space<semaphore_mem>>
            %dma_start3A_509 = arith.constant 0 : i32
            %dma_start3A_510 = tpu.memref_slice %arg4[%dma_start3A_509, %multiple_of3A_508] : memref<64x16384xf32, #tpu.memory_space<hbm>> -> memref<64x128xf32, #tpu.memory_space<hbm>>
            %dma_start3A_511 = arith.constant 0 : i32
            %dma_start3A_512 = tpu.memref_slice %arg4[%dma_start3A_511, %multiple_of3A_508] : memref<64x16384xf32, #tpu.memory_space<hbm>> -> memref<64x128xf32, #tpu.memory_space<hbm>>
            tpu.enqueue_dma source(%arg7 : memref<64x128xf32, #tpu.memory_space<vmem>>) target(%dma_start3A_512 : memref<64x128xf32, #tpu.memory_space<hbm>>) target_semaphore(%run_scoped3A : memref<!tpu.dma_semaphore, #tpu.memory_space<semaphore_mem>>)
            %dma_wait3A_513 = arith.constant 0 : i32
            %dma_wait3A_514 = tpu.memref_slice %arg4[%dma_wait3A_513, %multiple_of3A_508] : memref<64x16384xf32, #tpu.memory_space<hbm>> -> memref<64x128xf32, #tpu.memory_space<hbm>>
            %dma_wait3A_515 = arith.constant 0 : i32
            %dma_wait3A_516 = tpu.memref_slice %arg4[%dma_wait3A_515, %multiple_of3A_508] : memref<64x16384xf32, #tpu.memory_space<hbm>> -> memref<64x128xf32, #tpu.memory_space<hbm>>
            tpu.wait_dma2 semaphore(%run_scoped3A : memref<!tpu.dma_semaphore, #tpu.memory_space<semaphore_mem>>) src(%arg7 : memref<64x128xf32, #tpu.memory_space<vmem>>) dst(%dma_wait3A_516 : memref<64x128xf32, #tpu.memory_space<hbm>>)
            tpu.yield
          }) : () -> ()
        } else {
        }
      } else {
      }
      %mul3A_361 = arith.constant 14 : i32
      %mul3A_362 = arith.muli %scan3A_309, %mul3A_361 : i32
      %add3A_363 = arith.constant 6 : i32
      %add3A_364 = arith.addi %mul3A_362, %add3A_363 : i32
      %lt3A_365 = arith.constant 512 : i32
      %lt3A_366 = arith.cmpi slt, %add3A_364, %lt3A_365 : i32
      %convert_element_type3A_367 = arith.extui %lt3A_366 : i1 to i32
      %cond3A_368 = arith.constant 0 : i32
      %cond3A_369 = arith.cmpi ne, %convert_element_type3A_367, %cond3A_368 : i32
      scf.if %cond3A_369 {
        %dma_wait3A = arith.constant 6 : i32
        %dma_wait3A_433 = arith.constant 0 : i32
        %dma_wait3A_434 = arith.constant 0 : i32
        %dma_wait3A_435 = tpu.memref_slice %arg6[%dma_wait3A, %dma_wait3A_433, %dma_wait3A_434] : memref<14x64x128xf32, #tpu.memory_space<vmem>> -> memref<1x64x128xf32, #tpu.memory_space<vmem>>
        %dma_wait3A_436 = tpu.memref_squeeze %dma_wait3A_435 : memref<1x64x128xf32, #tpu.memory_space<vmem>> -> memref<64x128xf32, #tpu.memory_space<vmem>>
        %dma_wait3A_437 = arith.constant 0 : i32
        %dma_wait3A_438 = arith.constant 0 : i32
        %dma_wait3A_439 = tpu.memref_slice %arg3[%dma_wait3A_437, %dma_wait3A_438] : memref<64x1000000xf32, #tpu.memory_space<hbm>> -> memref<64x128xf32, #tpu.memory_space<hbm>>
        %dma_wait3A_440 = arith.constant 0 : i32
        %dma_wait3A_441 = arith.constant 0 : i32
        %dma_wait3A_442 = tpu.memref_slice %arg6[%dma_wait3A, %dma_wait3A_440, %dma_wait3A_441] : memref<14x64x128xf32, #tpu.memory_space<vmem>> -> memref<1x64x128xf32, #tpu.memory_space<vmem>>
        %dma_wait3A_443 = tpu.memref_squeeze %dma_wait3A_442 : memref<1x64x128xf32, #tpu.memory_space<vmem>> -> memref<64x128xf32, #tpu.memory_space<vmem>>
        %dma_wait3A_444 = arith.constant 0 : i32
        %dma_wait3A_445 = arith.constant 0 : i32
        %dma_wait3A_446 = tpu.memref_slice %arg3[%dma_wait3A_444, %dma_wait3A_445] : memref<64x1000000xf32, #tpu.memory_space<hbm>> -> memref<64x128xf32, #tpu.memory_space<hbm>>
        tpu.wait_dma2 semaphore(%arg14 : memref<!tpu.dma_semaphore, #tpu.memory_space<semaphore_mem>>) src(%dma_wait3A_446 : memref<64x128xf32, #tpu.memory_space<hbm>>) dst(%dma_wait3A_443 : memref<64x128xf32, #tpu.memory_space<vmem>>)
        %get3A_447 = arith.index_cast %add3A_364 : i32 to index
        %get3A_448 = tpu.vector_load %arg5[%get3A_447] {strides = array<i32>} : memref<528xi32, #tpu.memory_space<vmem>>, vector<16xi32>,
        %slice3A_449 = vector.extract_strided_slice %get3A_448 {offsets = [0], sizes = [1], strides = [1]} : vector<16xi32> to vector<1xi32>
        %squeeze3A_450 = vector.extract %slice3A_449[0] : i32 from vector<1xi32>
        %and3A = arith.constant 127 : i32
        %and3A_451 = arith.andi %squeeze3A_450, %and3A : i32
        %broadcast_in_dim3A = vector.broadcast %and3A_451 : i32 to vector<16xi32>
        %and3A_452 = arith.constant 127 : i32
        %and3A_453 = arith.andi %add3A_364, %and3A_452 : i32
        %broadcast_in_dim3A_454 = vector.broadcast %and3A_453 : i32 to vector<16xi32>
        %broadcast_in_dim3A_455 = arith.constant 0 : i32
        %broadcast_in_dim3A_456 = vector.broadcast %broadcast_in_dim3A_455 : i32 to vector<16xi32>
        %add3A_457 = arith.addi %broadcast_in_dim3A_456, %iota3A : vector<16xi32>
        %gather3A = arith.constant 6 : i32
        %gather3A_458 = arith.constant 0 : i32
        %gather3A_459 = arith.constant 0 : i32
        %gather3A_460 = tpu.memref_slice %arg6[%gather3A, %gather3A_458, %gather3A_459] : memref<14x64x128xf32, #tpu.memory_space<vmem>> -> memref<1x64x128xf32, #tpu.memory_space<vmem>>
        %gather3A_461 = tpu.memref_squeeze %gather3A_460 : memref<1x64x128xf32, #tpu.memory_space<vmem>> -> memref<64x128xf32, #tpu.memory_space<vmem>>
        %gather3A_462 = tpu.vector_load_idx %gather3A_461[%add3A_457, %broadcast_in_dim3A] : memref<64x128xf32, #tpu.memory_space<vmem>>[vector<16xi32>, vector<16xi32>], vector<16xf32>,
        tpu.vector_store_idx %arg7[%add3A_457, %broadcast_in_dim3A_454], %gather3A_462 : memref<64x128xf32, #tpu.memory_space<vmem>>[vector<16xi32>, vector<16xi32>], vector<16xf32>,
        %broadcast_in_dim3A_463 = arith.constant 16 : i32
        %broadcast_in_dim3A_464 = vector.broadcast %broadcast_in_dim3A_463 : i32 to vector<16xi32>
        %add3A_465 = arith.addi %broadcast_in_dim3A_464, %iota3A : vector<16xi32>
        %gather3A_466 = arith.constant 6 : i32
        %gather3A_467 = arith.constant 0 : i32
        %gather3A_468 = arith.constant 0 : i32
        %gather3A_469 = tpu.memref_slice %arg6[%gather3A_466, %gather3A_467, %gather3A_468] : memref<14x64x128xf32, #tpu.memory_space<vmem>> -> memref<1x64x128xf32, #tpu.memory_space<vmem>>
        %gather3A_470 = tpu.memref_squeeze %gather3A_469 : memref<1x64x128xf32, #tpu.memory_space<vmem>> -> memref<64x128xf32, #tpu.memory_space<vmem>>
        %gather3A_471 = tpu.vector_load_idx %gather3A_470[%add3A_465, %broadcast_in_dim3A] : memref<64x128xf32, #tpu.memory_space<vmem>>[vector<16xi32>, vector<16xi32>], vector<16xf32>,
        tpu.vector_store_idx %arg7[%add3A_465, %broadcast_in_dim3A_454], %gather3A_471 : memref<64x128xf32, #tpu.memory_space<vmem>>[vector<16xi32>, vector<16xi32>], vector<16xf32>,
        %broadcast_in_dim3A_472 = arith.constant 32 : i32
        %broadcast_in_dim3A_473 = vector.broadcast %broadcast_in_dim3A_472 : i32 to vector<16xi32>
        %add3A_474 = arith.addi %broadcast_in_dim3A_473, %iota3A : vector<16xi32>
        %gather3A_475 = arith.constant 6 : i32
        %gather3A_476 = arith.constant 0 : i32
        %gather3A_477 = arith.constant 0 : i32
        %gather3A_478 = tpu.memref_slice %arg6[%gather3A_475, %gather3A_476, %gather3A_477] : memref<14x64x128xf32, #tpu.memory_space<vmem>> -> memref<1x64x128xf32, #tpu.memory_space<vmem>>
        %gather3A_479 = tpu.memref_squeeze %gather3A_478 : memref<1x64x128xf32, #tpu.memory_space<vmem>> -> memref<64x128xf32, #tpu.memory_space<vmem>>
        %gather3A_480 = tpu.vector_load_idx %gather3A_479[%add3A_474, %broadcast_in_dim3A] : memref<64x128xf32, #tpu.memory_space<vmem>>[vector<16xi32>, vector<16xi32>], vector<16xf32>,
        tpu.vector_store_idx %arg7[%add3A_474, %broadcast_in_dim3A_454], %gather3A_480 : memref<64x128xf32, #tpu.memory_space<vmem>>[vector<16xi32>, vector<16xi32>], vector<16xf32>,
        %broadcast_in_dim3A_481 = arith.constant 48 : i32
        %broadcast_in_dim3A_482 = vector.broadcast %broadcast_in_dim3A_481 : i32 to vector<16xi32>
        %add3A_483 = arith.addi %broadcast_in_dim3A_482, %iota3A : vector<16xi32>
        %gather3A_484 = arith.constant 6 : i32
        %gather3A_485 = arith.constant 0 : i32
        %gather3A_486 = arith.constant 0 : i32
        %gather3A_487 = tpu.memref_slice %arg6[%gather3A_484, %gather3A_485, %gather3A_486] : memref<14x64x128xf32, #tpu.memory_space<vmem>> -> memref<1x64x128xf32, #tpu.memory_space<vmem>>
        %gather3A_488 = tpu.memref_squeeze %gather3A_487 : memref<1x64x128xf32, #tpu.memory_space<vmem>> -> memref<64x128xf32, #tpu.memory_space<vmem>>
        %gather3A_489 = tpu.vector_load_idx %gather3A_488[%add3A_483, %broadcast_in_dim3A] : memref<64x128xf32, #tpu.memory_space<vmem>>[vector<16xi32>, vector<16xi32>], vector<16xf32>,
        tpu.vector_store_idx %arg7[%add3A_483, %broadcast_in_dim3A_454], %gather3A_489 : memref<64x128xf32, #tpu.memory_space<vmem>>[vector<16xi32>, vector<16xi32>], vector<16xf32>,
        %add3A_490 = arith.constant 14 : i32
        %add3A_491 = arith.addi %add3A_364, %add3A_490 : i32
        %lt3A_492 = arith.constant 512 : i32
        %lt3A_493 = arith.cmpi slt, %add3A_491, %lt3A_492 : i32
        %convert_element_type3A_494 = arith.extui %lt3A_493 : i1 to i32
        %cond3A_495 = arith.constant 0 : i32
        %cond3A_496 = arith.cmpi ne, %convert_element_type3A_494, %cond3A_495 : i32
        scf.if %cond3A_496 {
          %add3A_503 = arith.constant 14 : i32
          %add3A_504 = arith.addi %add3A_364, %add3A_503 : i32
          %get3A_505 = arith.index_cast %add3A_504 : i32 to index
          %get3A_506 = tpu.vector_load %arg5[%get3A_505] {strides = array<i32>} : memref<528xi32, #tpu.memory_space<vmem>>, vector<16xi32>,
          %slice3A_507 = vector.extract_strided_slice %get3A_506 {offsets = [0], sizes = [1], strides = [1]} : vector<16xi32> to vector<1xi32>
          %squeeze3A_508 = vector.extract %slice3A_507[0] : i32 from vector<1xi32>
          %shift_right_arithmetic3A_509 = arith.constant 7 : i32
          %shift_right_arithmetic3A_510 = arith.shrsi %squeeze3A_508, %shift_right_arithmetic3A_509 : i32
          %mul3A_511 = arith.constant 128 : i32
          %mul3A_512 = arith.muli %shift_right_arithmetic3A_510, %mul3A_511 : i32
          %multiple_of3A_513 = tpu.assume_multiple %mul3A_512, 128 : i32
          %dma_start3A_514 = arith.constant 6 : i32
          %dma_start3A_515 = arith.constant 0 : i32
          %dma_start3A_516 = arith.constant 0 : i32
          %dma_start3A_517 = tpu.memref_slice %arg6[%dma_start3A_514, %dma_start3A_515, %dma_start3A_516] : memref<14x64x128xf32, #tpu.memory_space<vmem>> -> memref<1x64x128xf32, #tpu.memory_space<vmem>>
          %dma_start3A_518 = tpu.memref_squeeze %dma_start3A_517 : memref<1x64x128xf32, #tpu.memory_space<vmem>> -> memref<64x128xf32, #tpu.memory_space<vmem>>
          %dma_start3A_519 = arith.constant 0 : i32
          %dma_start3A_520 = tpu.memref_slice %arg3[%dma_start3A_519, %multiple_of3A_513] : memref<64x1000000xf32, #tpu.memory_space<hbm>> -> memref<64x128xf32, #tpu.memory_space<hbm>>
          %dma_start3A_521 = arith.constant 0 : i32
          %dma_start3A_522 = arith.constant 0 : i32
          %dma_start3A_523 = tpu.memref_slice %arg6[%dma_start3A_514, %dma_start3A_521, %dma_start3A_522] : memref<14x64x128xf32, #tpu.memory_space<vmem>> -> memref<1x64x128xf32, #tpu.memory_space<vmem>>
          %dma_start3A_524 = tpu.memref_squeeze %dma_start3A_523 : memref<1x64x128xf32, #tpu.memory_space<vmem>> -> memref<64x128xf32, #tpu.memory_space<vmem>>
          %dma_start3A_525 = arith.constant 0 : i32
          %dma_start3A_526 = tpu.memref_slice %arg3[%dma_start3A_525, %multiple_of3A_513] : memref<64x1000000xf32, #tpu.memory_space<hbm>> -> memref<64x128xf32, #tpu.memory_space<hbm>>
          tpu.enqueue_dma source(%dma_start3A_526 : memref<64x128xf32, #tpu.memory_space<hbm>>) target(%dma_start3A_524 : memref<64x128xf32, #tpu.memory_space<vmem>>) target_semaphore(%arg14 : memref<!tpu.dma_semaphore, #tpu.memory_space<semaphore_mem>>)
        } else {
        }
        %and3A_497 = arith.constant 127 : i32
        %and3A_498 = arith.andi %add3A_364, %and3A_497 : i32
        %eq3A = arith.constant 127 : i32
        %eq3A_499 = arith.cmpi eq, %and3A_498, %eq3A : i32
        %convert_element_type3A_500 = arith.extui %eq3A_499 : i1 to i32
        %cond3A_501 = arith.constant 0 : i32
        %cond3A_502 = arith.cmpi ne, %convert_element_type3A_500, %cond3A_501 : i32
        scf.if %cond3A_502 {
          %shift_right_arithmetic3A_503 = arith.constant 7 : i32
          %shift_right_arithmetic3A_504 = arith.shrsi %add3A_364, %shift_right_arithmetic3A_503 : i32
          %mul3A_505 = arith.constant 128 : i32
          %mul3A_506 = arith.muli %shift_right_arithmetic3A_504, %mul3A_505 : i32
          %add3A_507 = arith.addi %mul3A_2, %mul3A_506 : i32
          %multiple_of3A_508 = tpu.assume_multiple %add3A_507, 128 : i32
          "tpu.region"() ({
            %run_scoped3A = tpu.sem_alloc : memref<!tpu.dma_semaphore, #tpu.memory_space<semaphore_mem>>
            %dma_start3A_509 = arith.constant 0 : i32
            %dma_start3A_510 = tpu.memref_slice %arg4[%dma_start3A_509, %multiple_of3A_508] : memref<64x16384xf32, #tpu.memory_space<hbm>> -> memref<64x128xf32, #tpu.memory_space<hbm>>
            %dma_start3A_511 = arith.constant 0 : i32
            %dma_start3A_512 = tpu.memref_slice %arg4[%dma_start3A_511, %multiple_of3A_508] : memref<64x16384xf32, #tpu.memory_space<hbm>> -> memref<64x128xf32, #tpu.memory_space<hbm>>
            tpu.enqueue_dma source(%arg7 : memref<64x128xf32, #tpu.memory_space<vmem>>) target(%dma_start3A_512 : memref<64x128xf32, #tpu.memory_space<hbm>>) target_semaphore(%run_scoped3A : memref<!tpu.dma_semaphore, #tpu.memory_space<semaphore_mem>>)
            %dma_wait3A_513 = arith.constant 0 : i32
            %dma_wait3A_514 = tpu.memref_slice %arg4[%dma_wait3A_513, %multiple_of3A_508] : memref<64x16384xf32, #tpu.memory_space<hbm>> -> memref<64x128xf32, #tpu.memory_space<hbm>>
            %dma_wait3A_515 = arith.constant 0 : i32
            %dma_wait3A_516 = tpu.memref_slice %arg4[%dma_wait3A_515, %multiple_of3A_508] : memref<64x16384xf32, #tpu.memory_space<hbm>> -> memref<64x128xf32, #tpu.memory_space<hbm>>
            tpu.wait_dma2 semaphore(%run_scoped3A : memref<!tpu.dma_semaphore, #tpu.memory_space<semaphore_mem>>) src(%arg7 : memref<64x128xf32, #tpu.memory_space<vmem>>) dst(%dma_wait3A_516 : memref<64x128xf32, #tpu.memory_space<hbm>>)
            tpu.yield
          }) : () -> ()
        } else {
        }
      } else {
      }
      %mul3A_370 = arith.constant 14 : i32
      %mul3A_371 = arith.muli %scan3A_309, %mul3A_370 : i32
      %add3A_372 = arith.constant 7 : i32
      %add3A_373 = arith.addi %mul3A_371, %add3A_372 : i32
      %lt3A_374 = arith.constant 512 : i32
      %lt3A_375 = arith.cmpi slt, %add3A_373, %lt3A_374 : i32
      %convert_element_type3A_376 = arith.extui %lt3A_375 : i1 to i32
      %cond3A_377 = arith.constant 0 : i32
      %cond3A_378 = arith.cmpi ne, %convert_element_type3A_376, %cond3A_377 : i32
      scf.if %cond3A_378 {
        %dma_wait3A = arith.constant 7 : i32
        %dma_wait3A_433 = arith.constant 0 : i32
        %dma_wait3A_434 = arith.constant 0 : i32
        %dma_wait3A_435 = tpu.memref_slice %arg6[%dma_wait3A, %dma_wait3A_433, %dma_wait3A_434] : memref<14x64x128xf32, #tpu.memory_space<vmem>> -> memref<1x64x128xf32, #tpu.memory_space<vmem>>
        %dma_wait3A_436 = tpu.memref_squeeze %dma_wait3A_435 : memref<1x64x128xf32, #tpu.memory_space<vmem>> -> memref<64x128xf32, #tpu.memory_space<vmem>>
        %dma_wait3A_437 = arith.constant 0 : i32
        %dma_wait3A_438 = arith.constant 0 : i32
        %dma_wait3A_439 = tpu.memref_slice %arg3[%dma_wait3A_437, %dma_wait3A_438] : memref<64x1000000xf32, #tpu.memory_space<hbm>> -> memref<64x128xf32, #tpu.memory_space<hbm>>
        %dma_wait3A_440 = arith.constant 0 : i32
        %dma_wait3A_441 = arith.constant 0 : i32
        %dma_wait3A_442 = tpu.memref_slice %arg6[%dma_wait3A, %dma_wait3A_440, %dma_wait3A_441] : memref<14x64x128xf32, #tpu.memory_space<vmem>> -> memref<1x64x128xf32, #tpu.memory_space<vmem>>
        %dma_wait3A_443 = tpu.memref_squeeze %dma_wait3A_442 : memref<1x64x128xf32, #tpu.memory_space<vmem>> -> memref<64x128xf32, #tpu.memory_space<vmem>>
        %dma_wait3A_444 = arith.constant 0 : i32
        %dma_wait3A_445 = arith.constant 0 : i32
        %dma_wait3A_446 = tpu.memref_slice %arg3[%dma_wait3A_444, %dma_wait3A_445] : memref<64x1000000xf32, #tpu.memory_space<hbm>> -> memref<64x128xf32, #tpu.memory_space<hbm>>
        tpu.wait_dma2 semaphore(%arg15 : memref<!tpu.dma_semaphore, #tpu.memory_space<semaphore_mem>>) src(%dma_wait3A_446 : memref<64x128xf32, #tpu.memory_space<hbm>>) dst(%dma_wait3A_443 : memref<64x128xf32, #tpu.memory_space<vmem>>)
        %get3A_447 = arith.index_cast %add3A_373 : i32 to index
        %get3A_448 = tpu.vector_load %arg5[%get3A_447] {strides = array<i32>} : memref<528xi32, #tpu.memory_space<vmem>>, vector<16xi32>,
        %slice3A_449 = vector.extract_strided_slice %get3A_448 {offsets = [0], sizes = [1], strides = [1]} : vector<16xi32> to vector<1xi32>
        %squeeze3A_450 = vector.extract %slice3A_449[0] : i32 from vector<1xi32>
        %and3A = arith.constant 127 : i32
        %and3A_451 = arith.andi %squeeze3A_450, %and3A : i32
        %broadcast_in_dim3A = vector.broadcast %and3A_451 : i32 to vector<16xi32>
        %and3A_452 = arith.constant 127 : i32
        %and3A_453 = arith.andi %add3A_373, %and3A_452 : i32
        %broadcast_in_dim3A_454 = vector.broadcast %and3A_453 : i32 to vector<16xi32>
        %broadcast_in_dim3A_455 = arith.constant 0 : i32
        %broadcast_in_dim3A_456 = vector.broadcast %broadcast_in_dim3A_455 : i32 to vector<16xi32>
        %add3A_457 = arith.addi %broadcast_in_dim3A_456, %iota3A : vector<16xi32>
        %gather3A = arith.constant 7 : i32
        %gather3A_458 = arith.constant 0 : i32
        %gather3A_459 = arith.constant 0 : i32
        %gather3A_460 = tpu.memref_slice %arg6[%gather3A, %gather3A_458, %gather3A_459] : memref<14x64x128xf32, #tpu.memory_space<vmem>> -> memref<1x64x128xf32, #tpu.memory_space<vmem>>
        %gather3A_461 = tpu.memref_squeeze %gather3A_460 : memref<1x64x128xf32, #tpu.memory_space<vmem>> -> memref<64x128xf32, #tpu.memory_space<vmem>>
        %gather3A_462 = tpu.vector_load_idx %gather3A_461[%add3A_457, %broadcast_in_dim3A] : memref<64x128xf32, #tpu.memory_space<vmem>>[vector<16xi32>, vector<16xi32>], vector<16xf32>,
        tpu.vector_store_idx %arg7[%add3A_457, %broadcast_in_dim3A_454], %gather3A_462 : memref<64x128xf32, #tpu.memory_space<vmem>>[vector<16xi32>, vector<16xi32>], vector<16xf32>,
        %broadcast_in_dim3A_463 = arith.constant 16 : i32
        %broadcast_in_dim3A_464 = vector.broadcast %broadcast_in_dim3A_463 : i32 to vector<16xi32>
        %add3A_465 = arith.addi %broadcast_in_dim3A_464, %iota3A : vector<16xi32>
        %gather3A_466 = arith.constant 7 : i32
        %gather3A_467 = arith.constant 0 : i32
        %gather3A_468 = arith.constant 0 : i32
        %gather3A_469 = tpu.memref_slice %arg6[%gather3A_466, %gather3A_467, %gather3A_468] : memref<14x64x128xf32, #tpu.memory_space<vmem>> -> memref<1x64x128xf32, #tpu.memory_space<vmem>>
        %gather3A_470 = tpu.memref_squeeze %gather3A_469 : memref<1x64x128xf32, #tpu.memory_space<vmem>> -> memref<64x128xf32, #tpu.memory_space<vmem>>
        %gather3A_471 = tpu.vector_load_idx %gather3A_470[%add3A_465, %broadcast_in_dim3A] : memref<64x128xf32, #tpu.memory_space<vmem>>[vector<16xi32>, vector<16xi32>], vector<16xf32>,
        tpu.vector_store_idx %arg7[%add3A_465, %broadcast_in_dim3A_454], %gather3A_471 : memref<64x128xf32, #tpu.memory_space<vmem>>[vector<16xi32>, vector<16xi32>], vector<16xf32>,
        %broadcast_in_dim3A_472 = arith.constant 32 : i32
        %broadcast_in_dim3A_473 = vector.broadcast %broadcast_in_dim3A_472 : i32 to vector<16xi32>
        %add3A_474 = arith.addi %broadcast_in_dim3A_473, %iota3A : vector<16xi32>
        %gather3A_475 = arith.constant 7 : i32
        %gather3A_476 = arith.constant 0 : i32
        %gather3A_477 = arith.constant 0 : i32
        %gather3A_478 = tpu.memref_slice %arg6[%gather3A_475, %gather3A_476, %gather3A_477] : memref<14x64x128xf32, #tpu.memory_space<vmem>> -> memref<1x64x128xf32, #tpu.memory_space<vmem>>
        %gather3A_479 = tpu.memref_squeeze %gather3A_478 : memref<1x64x128xf32, #tpu.memory_space<vmem>> -> memref<64x128xf32, #tpu.memory_space<vmem>>
        %gather3A_480 = tpu.vector_load_idx %gather3A_479[%add3A_474, %broadcast_in_dim3A] : memref<64x128xf32, #tpu.memory_space<vmem>>[vector<16xi32>, vector<16xi32>], vector<16xf32>,
        tpu.vector_store_idx %arg7[%add3A_474, %broadcast_in_dim3A_454], %gather3A_480 : memref<64x128xf32, #tpu.memory_space<vmem>>[vector<16xi32>, vector<16xi32>], vector<16xf32>,
        %broadcast_in_dim3A_481 = arith.constant 48 : i32
        %broadcast_in_dim3A_482 = vector.broadcast %broadcast_in_dim3A_481 : i32 to vector<16xi32>
        %add3A_483 = arith.addi %broadcast_in_dim3A_482, %iota3A : vector<16xi32>
        %gather3A_484 = arith.constant 7 : i32
        %gather3A_485 = arith.constant 0 : i32
        %gather3A_486 = arith.constant 0 : i32
        %gather3A_487 = tpu.memref_slice %arg6[%gather3A_484, %gather3A_485, %gather3A_486] : memref<14x64x128xf32, #tpu.memory_space<vmem>> -> memref<1x64x128xf32, #tpu.memory_space<vmem>>
        %gather3A_488 = tpu.memref_squeeze %gather3A_487 : memref<1x64x128xf32, #tpu.memory_space<vmem>> -> memref<64x128xf32, #tpu.memory_space<vmem>>
        %gather3A_489 = tpu.vector_load_idx %gather3A_488[%add3A_483, %broadcast_in_dim3A] : memref<64x128xf32, #tpu.memory_space<vmem>>[vector<16xi32>, vector<16xi32>], vector<16xf32>,
        tpu.vector_store_idx %arg7[%add3A_483, %broadcast_in_dim3A_454], %gather3A_489 : memref<64x128xf32, #tpu.memory_space<vmem>>[vector<16xi32>, vector<16xi32>], vector<16xf32>,
        %add3A_490 = arith.constant 14 : i32
        %add3A_491 = arith.addi %add3A_373, %add3A_490 : i32
        %lt3A_492 = arith.constant 512 : i32
        %lt3A_493 = arith.cmpi slt, %add3A_491, %lt3A_492 : i32
        %convert_element_type3A_494 = arith.extui %lt3A_493 : i1 to i32
        %cond3A_495 = arith.constant 0 : i32
        %cond3A_496 = arith.cmpi ne, %convert_element_type3A_494, %cond3A_495 : i32
        scf.if %cond3A_496 {
          %add3A_503 = arith.constant 14 : i32
          %add3A_504 = arith.addi %add3A_373, %add3A_503 : i32
          %get3A_505 = arith.index_cast %add3A_504 : i32 to index
          %get3A_506 = tpu.vector_load %arg5[%get3A_505] {strides = array<i32>} : memref<528xi32, #tpu.memory_space<vmem>>, vector<16xi32>,
          %slice3A_507 = vector.extract_strided_slice %get3A_506 {offsets = [0], sizes = [1], strides = [1]} : vector<16xi32> to vector<1xi32>
          %squeeze3A_508 = vector.extract %slice3A_507[0] : i32 from vector<1xi32>
          %shift_right_arithmetic3A_509 = arith.constant 7 : i32
          %shift_right_arithmetic3A_510 = arith.shrsi %squeeze3A_508, %shift_right_arithmetic3A_509 : i32
          %mul3A_511 = arith.constant 128 : i32
          %mul3A_512 = arith.muli %shift_right_arithmetic3A_510, %mul3A_511 : i32
          %multiple_of3A_513 = tpu.assume_multiple %mul3A_512, 128 : i32
          %dma_start3A_514 = arith.constant 7 : i32
          %dma_start3A_515 = arith.constant 0 : i32
          %dma_start3A_516 = arith.constant 0 : i32
          %dma_start3A_517 = tpu.memref_slice %arg6[%dma_start3A_514, %dma_start3A_515, %dma_start3A_516] : memref<14x64x128xf32, #tpu.memory_space<vmem>> -> memref<1x64x128xf32, #tpu.memory_space<vmem>>
          %dma_start3A_518 = tpu.memref_squeeze %dma_start3A_517 : memref<1x64x128xf32, #tpu.memory_space<vmem>> -> memref<64x128xf32, #tpu.memory_space<vmem>>
          %dma_start3A_519 = arith.constant 0 : i32
          %dma_start3A_520 = tpu.memref_slice %arg3[%dma_start3A_519, %multiple_of3A_513] : memref<64x1000000xf32, #tpu.memory_space<hbm>> -> memref<64x128xf32, #tpu.memory_space<hbm>>
          %dma_start3A_521 = arith.constant 0 : i32
          %dma_start3A_522 = arith.constant 0 : i32
          %dma_start3A_523 = tpu.memref_slice %arg6[%dma_start3A_514, %dma_start3A_521, %dma_start3A_522] : memref<14x64x128xf32, #tpu.memory_space<vmem>> -> memref<1x64x128xf32, #tpu.memory_space<vmem>>
          %dma_start3A_524 = tpu.memref_squeeze %dma_start3A_523 : memref<1x64x128xf32, #tpu.memory_space<vmem>> -> memref<64x128xf32, #tpu.memory_space<vmem>>
          %dma_start3A_525 = arith.constant 0 : i32
          %dma_start3A_526 = tpu.memref_slice %arg3[%dma_start3A_525, %multiple_of3A_513] : memref<64x1000000xf32, #tpu.memory_space<hbm>> -> memref<64x128xf32, #tpu.memory_space<hbm>>
          tpu.enqueue_dma source(%dma_start3A_526 : memref<64x128xf32, #tpu.memory_space<hbm>>) target(%dma_start3A_524 : memref<64x128xf32, #tpu.memory_space<vmem>>) target_semaphore(%arg15 : memref<!tpu.dma_semaphore, #tpu.memory_space<semaphore_mem>>)
        } else {
        }
        %and3A_497 = arith.constant 127 : i32
        %and3A_498 = arith.andi %add3A_373, %and3A_497 : i32
        %eq3A = arith.constant 127 : i32
        %eq3A_499 = arith.cmpi eq, %and3A_498, %eq3A : i32
        %convert_element_type3A_500 = arith.extui %eq3A_499 : i1 to i32
        %cond3A_501 = arith.constant 0 : i32
        %cond3A_502 = arith.cmpi ne, %convert_element_type3A_500, %cond3A_501 : i32
        scf.if %cond3A_502 {
          %shift_right_arithmetic3A_503 = arith.constant 7 : i32
          %shift_right_arithmetic3A_504 = arith.shrsi %add3A_373, %shift_right_arithmetic3A_503 : i32
          %mul3A_505 = arith.constant 128 : i32
          %mul3A_506 = arith.muli %shift_right_arithmetic3A_504, %mul3A_505 : i32
          %add3A_507 = arith.addi %mul3A_2, %mul3A_506 : i32
          %multiple_of3A_508 = tpu.assume_multiple %add3A_507, 128 : i32
          "tpu.region"() ({
            %run_scoped3A = tpu.sem_alloc : memref<!tpu.dma_semaphore, #tpu.memory_space<semaphore_mem>>
            %dma_start3A_509 = arith.constant 0 : i32
            %dma_start3A_510 = tpu.memref_slice %arg4[%dma_start3A_509, %multiple_of3A_508] : memref<64x16384xf32, #tpu.memory_space<hbm>> -> memref<64x128xf32, #tpu.memory_space<hbm>>
            %dma_start3A_511 = arith.constant 0 : i32
            %dma_start3A_512 = tpu.memref_slice %arg4[%dma_start3A_511, %multiple_of3A_508] : memref<64x16384xf32, #tpu.memory_space<hbm>> -> memref<64x128xf32, #tpu.memory_space<hbm>>
            tpu.enqueue_dma source(%arg7 : memref<64x128xf32, #tpu.memory_space<vmem>>) target(%dma_start3A_512 : memref<64x128xf32, #tpu.memory_space<hbm>>) target_semaphore(%run_scoped3A : memref<!tpu.dma_semaphore, #tpu.memory_space<semaphore_mem>>)
            %dma_wait3A_513 = arith.constant 0 : i32
            %dma_wait3A_514 = tpu.memref_slice %arg4[%dma_wait3A_513, %multiple_of3A_508] : memref<64x16384xf32, #tpu.memory_space<hbm>> -> memref<64x128xf32, #tpu.memory_space<hbm>>
            %dma_wait3A_515 = arith.constant 0 : i32
            %dma_wait3A_516 = tpu.memref_slice %arg4[%dma_wait3A_515, %multiple_of3A_508] : memref<64x16384xf32, #tpu.memory_space<hbm>> -> memref<64x128xf32, #tpu.memory_space<hbm>>
            tpu.wait_dma2 semaphore(%run_scoped3A : memref<!tpu.dma_semaphore, #tpu.memory_space<semaphore_mem>>) src(%arg7 : memref<64x128xf32, #tpu.memory_space<vmem>>) dst(%dma_wait3A_516 : memref<64x128xf32, #tpu.memory_space<hbm>>)
            tpu.yield
          }) : () -> ()
        } else {
        }
      } else {
      }
      %mul3A_379 = arith.constant 14 : i32
      %mul3A_380 = arith.muli %scan3A_309, %mul3A_379 : i32
      %add3A_381 = arith.constant 8 : i32
      %add3A_382 = arith.addi %mul3A_380, %add3A_381 : i32
      %lt3A_383 = arith.constant 512 : i32
      %lt3A_384 = arith.cmpi slt, %add3A_382, %lt3A_383 : i32
      %convert_element_type3A_385 = arith.extui %lt3A_384 : i1 to i32
      %cond3A_386 = arith.constant 0 : i32
      %cond3A_387 = arith.cmpi ne, %convert_element_type3A_385, %cond3A_386 : i32
      scf.if %cond3A_387 {
        %dma_wait3A = arith.constant 8 : i32
        %dma_wait3A_433 = arith.constant 0 : i32
        %dma_wait3A_434 = arith.constant 0 : i32
        %dma_wait3A_435 = tpu.memref_slice %arg6[%dma_wait3A, %dma_wait3A_433, %dma_wait3A_434] : memref<14x64x128xf32, #tpu.memory_space<vmem>> -> memref<1x64x128xf32, #tpu.memory_space<vmem>>
        %dma_wait3A_436 = tpu.memref_squeeze %dma_wait3A_435 : memref<1x64x128xf32, #tpu.memory_space<vmem>> -> memref<64x128xf32, #tpu.memory_space<vmem>>
        %dma_wait3A_437 = arith.constant 0 : i32
        %dma_wait3A_438 = arith.constant 0 : i32
        %dma_wait3A_439 = tpu.memref_slice %arg3[%dma_wait3A_437, %dma_wait3A_438] : memref<64x1000000xf32, #tpu.memory_space<hbm>> -> memref<64x128xf32, #tpu.memory_space<hbm>>
        %dma_wait3A_440 = arith.constant 0 : i32
        %dma_wait3A_441 = arith.constant 0 : i32
        %dma_wait3A_442 = tpu.memref_slice %arg6[%dma_wait3A, %dma_wait3A_440, %dma_wait3A_441] : memref<14x64x128xf32, #tpu.memory_space<vmem>> -> memref<1x64x128xf32, #tpu.memory_space<vmem>>
        %dma_wait3A_443 = tpu.memref_squeeze %dma_wait3A_442 : memref<1x64x128xf32, #tpu.memory_space<vmem>> -> memref<64x128xf32, #tpu.memory_space<vmem>>
        %dma_wait3A_444 = arith.constant 0 : i32
        %dma_wait3A_445 = arith.constant 0 : i32
        %dma_wait3A_446 = tpu.memref_slice %arg3[%dma_wait3A_444, %dma_wait3A_445] : memref<64x1000000xf32, #tpu.memory_space<hbm>> -> memref<64x128xf32, #tpu.memory_space<hbm>>
        tpu.wait_dma2 semaphore(%arg16 : memref<!tpu.dma_semaphore, #tpu.memory_space<semaphore_mem>>) src(%dma_wait3A_446 : memref<64x128xf32, #tpu.memory_space<hbm>>) dst(%dma_wait3A_443 : memref<64x128xf32, #tpu.memory_space<vmem>>)
        %get3A_447 = arith.index_cast %add3A_382 : i32 to index
        %get3A_448 = tpu.vector_load %arg5[%get3A_447] {strides = array<i32>} : memref<528xi32, #tpu.memory_space<vmem>>, vector<16xi32>,
        %slice3A_449 = vector.extract_strided_slice %get3A_448 {offsets = [0], sizes = [1], strides = [1]} : vector<16xi32> to vector<1xi32>
        %squeeze3A_450 = vector.extract %slice3A_449[0] : i32 from vector<1xi32>
        %and3A = arith.constant 127 : i32
        %and3A_451 = arith.andi %squeeze3A_450, %and3A : i32
        %broadcast_in_dim3A = vector.broadcast %and3A_451 : i32 to vector<16xi32>
        %and3A_452 = arith.constant 127 : i32
        %and3A_453 = arith.andi %add3A_382, %and3A_452 : i32
        %broadcast_in_dim3A_454 = vector.broadcast %and3A_453 : i32 to vector<16xi32>
        %broadcast_in_dim3A_455 = arith.constant 0 : i32
        %broadcast_in_dim3A_456 = vector.broadcast %broadcast_in_dim3A_455 : i32 to vector<16xi32>
        %add3A_457 = arith.addi %broadcast_in_dim3A_456, %iota3A : vector<16xi32>
        %gather3A = arith.constant 8 : i32
        %gather3A_458 = arith.constant 0 : i32
        %gather3A_459 = arith.constant 0 : i32
        %gather3A_460 = tpu.memref_slice %arg6[%gather3A, %gather3A_458, %gather3A_459] : memref<14x64x128xf32, #tpu.memory_space<vmem>> -> memref<1x64x128xf32, #tpu.memory_space<vmem>>
        %gather3A_461 = tpu.memref_squeeze %gather3A_460 : memref<1x64x128xf32, #tpu.memory_space<vmem>> -> memref<64x128xf32, #tpu.memory_space<vmem>>
        %gather3A_462 = tpu.vector_load_idx %gather3A_461[%add3A_457, %broadcast_in_dim3A] : memref<64x128xf32, #tpu.memory_space<vmem>>[vector<16xi32>, vector<16xi32>], vector<16xf32>,
        tpu.vector_store_idx %arg7[%add3A_457, %broadcast_in_dim3A_454], %gather3A_462 : memref<64x128xf32, #tpu.memory_space<vmem>>[vector<16xi32>, vector<16xi32>], vector<16xf32>,
        %broadcast_in_dim3A_463 = arith.constant 16 : i32
        %broadcast_in_dim3A_464 = vector.broadcast %broadcast_in_dim3A_463 : i32 to vector<16xi32>
        %add3A_465 = arith.addi %broadcast_in_dim3A_464, %iota3A : vector<16xi32>
        %gather3A_466 = arith.constant 8 : i32
        %gather3A_467 = arith.constant 0 : i32
        %gather3A_468 = arith.constant 0 : i32
        %gather3A_469 = tpu.memref_slice %arg6[%gather3A_466, %gather3A_467, %gather3A_468] : memref<14x64x128xf32, #tpu.memory_space<vmem>> -> memref<1x64x128xf32, #tpu.memory_space<vmem>>
        %gather3A_470 = tpu.memref_squeeze %gather3A_469 : memref<1x64x128xf32, #tpu.memory_space<vmem>> -> memref<64x128xf32, #tpu.memory_space<vmem>>
        %gather3A_471 = tpu.vector_load_idx %gather3A_470[%add3A_465, %broadcast_in_dim3A] : memref<64x128xf32, #tpu.memory_space<vmem>>[vector<16xi32>, vector<16xi32>], vector<16xf32>,
        tpu.vector_store_idx %arg7[%add3A_465, %broadcast_in_dim3A_454], %gather3A_471 : memref<64x128xf32, #tpu.memory_space<vmem>>[vector<16xi32>, vector<16xi32>], vector<16xf32>,
        %broadcast_in_dim3A_472 = arith.constant 32 : i32
        %broadcast_in_dim3A_473 = vector.broadcast %broadcast_in_dim3A_472 : i32 to vector<16xi32>
        %add3A_474 = arith.addi %broadcast_in_dim3A_473, %iota3A : vector<16xi32>
        %gather3A_475 = arith.constant 8 : i32
        %gather3A_476 = arith.constant 0 : i32
        %gather3A_477 = arith.constant 0 : i32
        %gather3A_478 = tpu.memref_slice %arg6[%gather3A_475, %gather3A_476, %gather3A_477] : memref<14x64x128xf32, #tpu.memory_space<vmem>> -> memref<1x64x128xf32, #tpu.memory_space<vmem>>
        %gather3A_479 = tpu.memref_squeeze %gather3A_478 : memref<1x64x128xf32, #tpu.memory_space<vmem>> -> memref<64x128xf32, #tpu.memory_space<vmem>>
        %gather3A_480 = tpu.vector_load_idx %gather3A_479[%add3A_474, %broadcast_in_dim3A] : memref<64x128xf32, #tpu.memory_space<vmem>>[vector<16xi32>, vector<16xi32>], vector<16xf32>,
        tpu.vector_store_idx %arg7[%add3A_474, %broadcast_in_dim3A_454], %gather3A_480 : memref<64x128xf32, #tpu.memory_space<vmem>>[vector<16xi32>, vector<16xi32>], vector<16xf32>,
        %broadcast_in_dim3A_481 = arith.constant 48 : i32
        %broadcast_in_dim3A_482 = vector.broadcast %broadcast_in_dim3A_481 : i32 to vector<16xi32>
        %add3A_483 = arith.addi %broadcast_in_dim3A_482, %iota3A : vector<16xi32>
        %gather3A_484 = arith.constant 8 : i32
        %gather3A_485 = arith.constant 0 : i32
        %gather3A_486 = arith.constant 0 : i32
        %gather3A_487 = tpu.memref_slice %arg6[%gather3A_484, %gather3A_485, %gather3A_486] : memref<14x64x128xf32, #tpu.memory_space<vmem>> -> memref<1x64x128xf32, #tpu.memory_space<vmem>>
        %gather3A_488 = tpu.memref_squeeze %gather3A_487 : memref<1x64x128xf32, #tpu.memory_space<vmem>> -> memref<64x128xf32, #tpu.memory_space<vmem>>
        %gather3A_489 = tpu.vector_load_idx %gather3A_488[%add3A_483, %broadcast_in_dim3A] : memref<64x128xf32, #tpu.memory_space<vmem>>[vector<16xi32>, vector<16xi32>], vector<16xf32>,
        tpu.vector_store_idx %arg7[%add3A_483, %broadcast_in_dim3A_454], %gather3A_489 : memref<64x128xf32, #tpu.memory_space<vmem>>[vector<16xi32>, vector<16xi32>], vector<16xf32>,
        %add3A_490 = arith.constant 14 : i32
        %add3A_491 = arith.addi %add3A_382, %add3A_490 : i32
        %lt3A_492 = arith.constant 512 : i32
        %lt3A_493 = arith.cmpi slt, %add3A_491, %lt3A_492 : i32
        %convert_element_type3A_494 = arith.extui %lt3A_493 : i1 to i32
        %cond3A_495 = arith.constant 0 : i32
        %cond3A_496 = arith.cmpi ne, %convert_element_type3A_494, %cond3A_495 : i32
        scf.if %cond3A_496 {
          %add3A_503 = arith.constant 14 : i32
          %add3A_504 = arith.addi %add3A_382, %add3A_503 : i32
          %get3A_505 = arith.index_cast %add3A_504 : i32 to index
          %get3A_506 = tpu.vector_load %arg5[%get3A_505] {strides = array<i32>} : memref<528xi32, #tpu.memory_space<vmem>>, vector<16xi32>,
          %slice3A_507 = vector.extract_strided_slice %get3A_506 {offsets = [0], sizes = [1], strides = [1]} : vector<16xi32> to vector<1xi32>
          %squeeze3A_508 = vector.extract %slice3A_507[0] : i32 from vector<1xi32>
          %shift_right_arithmetic3A_509 = arith.constant 7 : i32
          %shift_right_arithmetic3A_510 = arith.shrsi %squeeze3A_508, %shift_right_arithmetic3A_509 : i32
          %mul3A_511 = arith.constant 128 : i32
          %mul3A_512 = arith.muli %shift_right_arithmetic3A_510, %mul3A_511 : i32
          %multiple_of3A_513 = tpu.assume_multiple %mul3A_512, 128 : i32
          %dma_start3A_514 = arith.constant 8 : i32
          %dma_start3A_515 = arith.constant 0 : i32
          %dma_start3A_516 = arith.constant 0 : i32
          %dma_start3A_517 = tpu.memref_slice %arg6[%dma_start3A_514, %dma_start3A_515, %dma_start3A_516] : memref<14x64x128xf32, #tpu.memory_space<vmem>> -> memref<1x64x128xf32, #tpu.memory_space<vmem>>
          %dma_start3A_518 = tpu.memref_squeeze %dma_start3A_517 : memref<1x64x128xf32, #tpu.memory_space<vmem>> -> memref<64x128xf32, #tpu.memory_space<vmem>>
          %dma_start3A_519 = arith.constant 0 : i32
          %dma_start3A_520 = tpu.memref_slice %arg3[%dma_start3A_519, %multiple_of3A_513] : memref<64x1000000xf32, #tpu.memory_space<hbm>> -> memref<64x128xf32, #tpu.memory_space<hbm>>
          %dma_start3A_521 = arith.constant 0 : i32
          %dma_start3A_522 = arith.constant 0 : i32
          %dma_start3A_523 = tpu.memref_slice %arg6[%dma_start3A_514, %dma_start3A_521, %dma_start3A_522] : memref<14x64x128xf32, #tpu.memory_space<vmem>> -> memref<1x64x128xf32, #tpu.memory_space<vmem>>
          %dma_start3A_524 = tpu.memref_squeeze %dma_start3A_523 : memref<1x64x128xf32, #tpu.memory_space<vmem>> -> memref<64x128xf32, #tpu.memory_space<vmem>>
          %dma_start3A_525 = arith.constant 0 : i32
          %dma_start3A_526 = tpu.memref_slice %arg3[%dma_start3A_525, %multiple_of3A_513] : memref<64x1000000xf32, #tpu.memory_space<hbm>> -> memref<64x128xf32, #tpu.memory_space<hbm>>
          tpu.enqueue_dma source(%dma_start3A_526 : memref<64x128xf32, #tpu.memory_space<hbm>>) target(%dma_start3A_524 : memref<64x128xf32, #tpu.memory_space<vmem>>) target_semaphore(%arg16 : memref<!tpu.dma_semaphore, #tpu.memory_space<semaphore_mem>>)
        } else {
        }
        %and3A_497 = arith.constant 127 : i32
        %and3A_498 = arith.andi %add3A_382, %and3A_497 : i32
        %eq3A = arith.constant 127 : i32
        %eq3A_499 = arith.cmpi eq, %and3A_498, %eq3A : i32
        %convert_element_type3A_500 = arith.extui %eq3A_499 : i1 to i32
        %cond3A_501 = arith.constant 0 : i32
        %cond3A_502 = arith.cmpi ne, %convert_element_type3A_500, %cond3A_501 : i32
        scf.if %cond3A_502 {
          %shift_right_arithmetic3A_503 = arith.constant 7 : i32
          %shift_right_arithmetic3A_504 = arith.shrsi %add3A_382, %shift_right_arithmetic3A_503 : i32
          %mul3A_505 = arith.constant 128 : i32
          %mul3A_506 = arith.muli %shift_right_arithmetic3A_504, %mul3A_505 : i32
          %add3A_507 = arith.addi %mul3A_2, %mul3A_506 : i32
          %multiple_of3A_508 = tpu.assume_multiple %add3A_507, 128 : i32
          "tpu.region"() ({
            %run_scoped3A = tpu.sem_alloc : memref<!tpu.dma_semaphore, #tpu.memory_space<semaphore_mem>>
            %dma_start3A_509 = arith.constant 0 : i32
            %dma_start3A_510 = tpu.memref_slice %arg4[%dma_start3A_509, %multiple_of3A_508] : memref<64x16384xf32, #tpu.memory_space<hbm>> -> memref<64x128xf32, #tpu.memory_space<hbm>>
            %dma_start3A_511 = arith.constant 0 : i32
            %dma_start3A_512 = tpu.memref_slice %arg4[%dma_start3A_511, %multiple_of3A_508] : memref<64x16384xf32, #tpu.memory_space<hbm>> -> memref<64x128xf32, #tpu.memory_space<hbm>>
            tpu.enqueue_dma source(%arg7 : memref<64x128xf32, #tpu.memory_space<vmem>>) target(%dma_start3A_512 : memref<64x128xf32, #tpu.memory_space<hbm>>) target_semaphore(%run_scoped3A : memref<!tpu.dma_semaphore, #tpu.memory_space<semaphore_mem>>)
            %dma_wait3A_513 = arith.constant 0 : i32
            %dma_wait3A_514 = tpu.memref_slice %arg4[%dma_wait3A_513, %multiple_of3A_508] : memref<64x16384xf32, #tpu.memory_space<hbm>> -> memref<64x128xf32, #tpu.memory_space<hbm>>
            %dma_wait3A_515 = arith.constant 0 : i32
            %dma_wait3A_516 = tpu.memref_slice %arg4[%dma_wait3A_515, %multiple_of3A_508] : memref<64x16384xf32, #tpu.memory_space<hbm>> -> memref<64x128xf32, #tpu.memory_space<hbm>>
            tpu.wait_dma2 semaphore(%run_scoped3A : memref<!tpu.dma_semaphore, #tpu.memory_space<semaphore_mem>>) src(%arg7 : memref<64x128xf32, #tpu.memory_space<vmem>>) dst(%dma_wait3A_516 : memref<64x128xf32, #tpu.memory_space<hbm>>)
            tpu.yield
          }) : () -> ()
        } else {
        }
      } else {
      }
      %mul3A_388 = arith.constant 14 : i32
      %mul3A_389 = arith.muli %scan3A_309, %mul3A_388 : i32
      %add3A_390 = arith.constant 9 : i32
      %add3A_391 = arith.addi %mul3A_389, %add3A_390 : i32
      %lt3A_392 = arith.constant 512 : i32
      %lt3A_393 = arith.cmpi slt, %add3A_391, %lt3A_392 : i32
      %convert_element_type3A_394 = arith.extui %lt3A_393 : i1 to i32
      %cond3A_395 = arith.constant 0 : i32
      %cond3A_396 = arith.cmpi ne, %convert_element_type3A_394, %cond3A_395 : i32
      scf.if %cond3A_396 {
        %dma_wait3A = arith.constant 9 : i32
        %dma_wait3A_433 = arith.constant 0 : i32
        %dma_wait3A_434 = arith.constant 0 : i32
        %dma_wait3A_435 = tpu.memref_slice %arg6[%dma_wait3A, %dma_wait3A_433, %dma_wait3A_434] : memref<14x64x128xf32, #tpu.memory_space<vmem>> -> memref<1x64x128xf32, #tpu.memory_space<vmem>>
        %dma_wait3A_436 = tpu.memref_squeeze %dma_wait3A_435 : memref<1x64x128xf32, #tpu.memory_space<vmem>> -> memref<64x128xf32, #tpu.memory_space<vmem>>
        %dma_wait3A_437 = arith.constant 0 : i32
        %dma_wait3A_438 = arith.constant 0 : i32
        %dma_wait3A_439 = tpu.memref_slice %arg3[%dma_wait3A_437, %dma_wait3A_438] : memref<64x1000000xf32, #tpu.memory_space<hbm>> -> memref<64x128xf32, #tpu.memory_space<hbm>>
        %dma_wait3A_440 = arith.constant 0 : i32
        %dma_wait3A_441 = arith.constant 0 : i32
        %dma_wait3A_442 = tpu.memref_slice %arg6[%dma_wait3A, %dma_wait3A_440, %dma_wait3A_441] : memref<14x64x128xf32, #tpu.memory_space<vmem>> -> memref<1x64x128xf32, #tpu.memory_space<vmem>>
        %dma_wait3A_443 = tpu.memref_squeeze %dma_wait3A_442 : memref<1x64x128xf32, #tpu.memory_space<vmem>> -> memref<64x128xf32, #tpu.memory_space<vmem>>
        %dma_wait3A_444 = arith.constant 0 : i32
        %dma_wait3A_445 = arith.constant 0 : i32
        %dma_wait3A_446 = tpu.memref_slice %arg3[%dma_wait3A_444, %dma_wait3A_445] : memref<64x1000000xf32, #tpu.memory_space<hbm>> -> memref<64x128xf32, #tpu.memory_space<hbm>>
        tpu.wait_dma2 semaphore(%arg17 : memref<!tpu.dma_semaphore, #tpu.memory_space<semaphore_mem>>) src(%dma_wait3A_446 : memref<64x128xf32, #tpu.memory_space<hbm>>) dst(%dma_wait3A_443 : memref<64x128xf32, #tpu.memory_space<vmem>>)
        %get3A_447 = arith.index_cast %add3A_391 : i32 to index
        %get3A_448 = tpu.vector_load %arg5[%get3A_447] {strides = array<i32>} : memref<528xi32, #tpu.memory_space<vmem>>, vector<16xi32>,
        %slice3A_449 = vector.extract_strided_slice %get3A_448 {offsets = [0], sizes = [1], strides = [1]} : vector<16xi32> to vector<1xi32>
        %squeeze3A_450 = vector.extract %slice3A_449[0] : i32 from vector<1xi32>
        %and3A = arith.constant 127 : i32
        %and3A_451 = arith.andi %squeeze3A_450, %and3A : i32
        %broadcast_in_dim3A = vector.broadcast %and3A_451 : i32 to vector<16xi32>
        %and3A_452 = arith.constant 127 : i32
        %and3A_453 = arith.andi %add3A_391, %and3A_452 : i32
        %broadcast_in_dim3A_454 = vector.broadcast %and3A_453 : i32 to vector<16xi32>
        %broadcast_in_dim3A_455 = arith.constant 0 : i32
        %broadcast_in_dim3A_456 = vector.broadcast %broadcast_in_dim3A_455 : i32 to vector<16xi32>
        %add3A_457 = arith.addi %broadcast_in_dim3A_456, %iota3A : vector<16xi32>
        %gather3A = arith.constant 9 : i32
        %gather3A_458 = arith.constant 0 : i32
        %gather3A_459 = arith.constant 0 : i32
        %gather3A_460 = tpu.memref_slice %arg6[%gather3A, %gather3A_458, %gather3A_459] : memref<14x64x128xf32, #tpu.memory_space<vmem>> -> memref<1x64x128xf32, #tpu.memory_space<vmem>>
        %gather3A_461 = tpu.memref_squeeze %gather3A_460 : memref<1x64x128xf32, #tpu.memory_space<vmem>> -> memref<64x128xf32, #tpu.memory_space<vmem>>
        %gather3A_462 = tpu.vector_load_idx %gather3A_461[%add3A_457, %broadcast_in_dim3A] : memref<64x128xf32, #tpu.memory_space<vmem>>[vector<16xi32>, vector<16xi32>], vector<16xf32>,
        tpu.vector_store_idx %arg7[%add3A_457, %broadcast_in_dim3A_454], %gather3A_462 : memref<64x128xf32, #tpu.memory_space<vmem>>[vector<16xi32>, vector<16xi32>], vector<16xf32>,
        %broadcast_in_dim3A_463 = arith.constant 16 : i32
        %broadcast_in_dim3A_464 = vector.broadcast %broadcast_in_dim3A_463 : i32 to vector<16xi32>
        %add3A_465 = arith.addi %broadcast_in_dim3A_464, %iota3A : vector<16xi32>
        %gather3A_466 = arith.constant 9 : i32
        %gather3A_467 = arith.constant 0 : i32
        %gather3A_468 = arith.constant 0 : i32
        %gather3A_469 = tpu.memref_slice %arg6[%gather3A_466, %gather3A_467, %gather3A_468] : memref<14x64x128xf32, #tpu.memory_space<vmem>> -> memref<1x64x128xf32, #tpu.memory_space<vmem>>
        %gather3A_470 = tpu.memref_squeeze %gather3A_469 : memref<1x64x128xf32, #tpu.memory_space<vmem>> -> memref<64x128xf32, #tpu.memory_space<vmem>>
        %gather3A_471 = tpu.vector_load_idx %gather3A_470[%add3A_465, %broadcast_in_dim3A] : memref<64x128xf32, #tpu.memory_space<vmem>>[vector<16xi32>, vector<16xi32>], vector<16xf32>,
        tpu.vector_store_idx %arg7[%add3A_465, %broadcast_in_dim3A_454], %gather3A_471 : memref<64x128xf32, #tpu.memory_space<vmem>>[vector<16xi32>, vector<16xi32>], vector<16xf32>,
        %broadcast_in_dim3A_472 = arith.constant 32 : i32
        %broadcast_in_dim3A_473 = vector.broadcast %broadcast_in_dim3A_472 : i32 to vector<16xi32>
        %add3A_474 = arith.addi %broadcast_in_dim3A_473, %iota3A : vector<16xi32>
        %gather3A_475 = arith.constant 9 : i32
        %gather3A_476 = arith.constant 0 : i32
        %gather3A_477 = arith.constant 0 : i32
        %gather3A_478 = tpu.memref_slice %arg6[%gather3A_475, %gather3A_476, %gather3A_477] : memref<14x64x128xf32, #tpu.memory_space<vmem>> -> memref<1x64x128xf32, #tpu.memory_space<vmem>>
        %gather3A_479 = tpu.memref_squeeze %gather3A_478 : memref<1x64x128xf32, #tpu.memory_space<vmem>> -> memref<64x128xf32, #tpu.memory_space<vmem>>
        %gather3A_480 = tpu.vector_load_idx %gather3A_479[%add3A_474, %broadcast_in_dim3A] : memref<64x128xf32, #tpu.memory_space<vmem>>[vector<16xi32>, vector<16xi32>], vector<16xf32>,
        tpu.vector_store_idx %arg7[%add3A_474, %broadcast_in_dim3A_454], %gather3A_480 : memref<64x128xf32, #tpu.memory_space<vmem>>[vector<16xi32>, vector<16xi32>], vector<16xf32>,
        %broadcast_in_dim3A_481 = arith.constant 48 : i32
        %broadcast_in_dim3A_482 = vector.broadcast %broadcast_in_dim3A_481 : i32 to vector<16xi32>
        %add3A_483 = arith.addi %broadcast_in_dim3A_482, %iota3A : vector<16xi32>
        %gather3A_484 = arith.constant 9 : i32
        %gather3A_485 = arith.constant 0 : i32
        %gather3A_486 = arith.constant 0 : i32
        %gather3A_487 = tpu.memref_slice %arg6[%gather3A_484, %gather3A_485, %gather3A_486] : memref<14x64x128xf32, #tpu.memory_space<vmem>> -> memref<1x64x128xf32, #tpu.memory_space<vmem>>
        %gather3A_488 = tpu.memref_squeeze %gather3A_487 : memref<1x64x128xf32, #tpu.memory_space<vmem>> -> memref<64x128xf32, #tpu.memory_space<vmem>>
        %gather3A_489 = tpu.vector_load_idx %gather3A_488[%add3A_483, %broadcast_in_dim3A] : memref<64x128xf32, #tpu.memory_space<vmem>>[vector<16xi32>, vector<16xi32>], vector<16xf32>,
        tpu.vector_store_idx %arg7[%add3A_483, %broadcast_in_dim3A_454], %gather3A_489 : memref<64x128xf32, #tpu.memory_space<vmem>>[vector<16xi32>, vector<16xi32>], vector<16xf32>,
        %add3A_490 = arith.constant 14 : i32
        %add3A_491 = arith.addi %add3A_391, %add3A_490 : i32
        %lt3A_492 = arith.constant 512 : i32
        %lt3A_493 = arith.cmpi slt, %add3A_491, %lt3A_492 : i32
        %convert_element_type3A_494 = arith.extui %lt3A_493 : i1 to i32
        %cond3A_495 = arith.constant 0 : i32
        %cond3A_496 = arith.cmpi ne, %convert_element_type3A_494, %cond3A_495 : i32
        scf.if %cond3A_496 {
          %add3A_503 = arith.constant 14 : i32
          %add3A_504 = arith.addi %add3A_391, %add3A_503 : i32
          %get3A_505 = arith.index_cast %add3A_504 : i32 to index
          %get3A_506 = tpu.vector_load %arg5[%get3A_505] {strides = array<i32>} : memref<528xi32, #tpu.memory_space<vmem>>, vector<16xi32>,
          %slice3A_507 = vector.extract_strided_slice %get3A_506 {offsets = [0], sizes = [1], strides = [1]} : vector<16xi32> to vector<1xi32>
          %squeeze3A_508 = vector.extract %slice3A_507[0] : i32 from vector<1xi32>
          %shift_right_arithmetic3A_509 = arith.constant 7 : i32
          %shift_right_arithmetic3A_510 = arith.shrsi %squeeze3A_508, %shift_right_arithmetic3A_509 : i32
          %mul3A_511 = arith.constant 128 : i32
          %mul3A_512 = arith.muli %shift_right_arithmetic3A_510, %mul3A_511 : i32
          %multiple_of3A_513 = tpu.assume_multiple %mul3A_512, 128 : i32
          %dma_start3A_514 = arith.constant 9 : i32
          %dma_start3A_515 = arith.constant 0 : i32
          %dma_start3A_516 = arith.constant 0 : i32
          %dma_start3A_517 = tpu.memref_slice %arg6[%dma_start3A_514, %dma_start3A_515, %dma_start3A_516] : memref<14x64x128xf32, #tpu.memory_space<vmem>> -> memref<1x64x128xf32, #tpu.memory_space<vmem>>
          %dma_start3A_518 = tpu.memref_squeeze %dma_start3A_517 : memref<1x64x128xf32, #tpu.memory_space<vmem>> -> memref<64x128xf32, #tpu.memory_space<vmem>>
          %dma_start3A_519 = arith.constant 0 : i32
          %dma_start3A_520 = tpu.memref_slice %arg3[%dma_start3A_519, %multiple_of3A_513] : memref<64x1000000xf32, #tpu.memory_space<hbm>> -> memref<64x128xf32, #tpu.memory_space<hbm>>
          %dma_start3A_521 = arith.constant 0 : i32
          %dma_start3A_522 = arith.constant 0 : i32
          %dma_start3A_523 = tpu.memref_slice %arg6[%dma_start3A_514, %dma_start3A_521, %dma_start3A_522] : memref<14x64x128xf32, #tpu.memory_space<vmem>> -> memref<1x64x128xf32, #tpu.memory_space<vmem>>
          %dma_start3A_524 = tpu.memref_squeeze %dma_start3A_523 : memref<1x64x128xf32, #tpu.memory_space<vmem>> -> memref<64x128xf32, #tpu.memory_space<vmem>>
          %dma_start3A_525 = arith.constant 0 : i32
          %dma_start3A_526 = tpu.memref_slice %arg3[%dma_start3A_525, %multiple_of3A_513] : memref<64x1000000xf32, #tpu.memory_space<hbm>> -> memref<64x128xf32, #tpu.memory_space<hbm>>
          tpu.enqueue_dma source(%dma_start3A_526 : memref<64x128xf32, #tpu.memory_space<hbm>>) target(%dma_start3A_524 : memref<64x128xf32, #tpu.memory_space<vmem>>) target_semaphore(%arg17 : memref<!tpu.dma_semaphore, #tpu.memory_space<semaphore_mem>>)
        } else {
        }
        %and3A_497 = arith.constant 127 : i32
        %and3A_498 = arith.andi %add3A_391, %and3A_497 : i32
        %eq3A = arith.constant 127 : i32
        %eq3A_499 = arith.cmpi eq, %and3A_498, %eq3A : i32
        %convert_element_type3A_500 = arith.extui %eq3A_499 : i1 to i32
        %cond3A_501 = arith.constant 0 : i32
        %cond3A_502 = arith.cmpi ne, %convert_element_type3A_500, %cond3A_501 : i32
        scf.if %cond3A_502 {
          %shift_right_arithmetic3A_503 = arith.constant 7 : i32
          %shift_right_arithmetic3A_504 = arith.shrsi %add3A_391, %shift_right_arithmetic3A_503 : i32
          %mul3A_505 = arith.constant 128 : i32
          %mul3A_506 = arith.muli %shift_right_arithmetic3A_504, %mul3A_505 : i32
          %add3A_507 = arith.addi %mul3A_2, %mul3A_506 : i32
          %multiple_of3A_508 = tpu.assume_multiple %add3A_507, 128 : i32
          "tpu.region"() ({
            %run_scoped3A = tpu.sem_alloc : memref<!tpu.dma_semaphore, #tpu.memory_space<semaphore_mem>>
            %dma_start3A_509 = arith.constant 0 : i32
            %dma_start3A_510 = tpu.memref_slice %arg4[%dma_start3A_509, %multiple_of3A_508] : memref<64x16384xf32, #tpu.memory_space<hbm>> -> memref<64x128xf32, #tpu.memory_space<hbm>>
            %dma_start3A_511 = arith.constant 0 : i32
            %dma_start3A_512 = tpu.memref_slice %arg4[%dma_start3A_511, %multiple_of3A_508] : memref<64x16384xf32, #tpu.memory_space<hbm>> -> memref<64x128xf32, #tpu.memory_space<hbm>>
            tpu.enqueue_dma source(%arg7 : memref<64x128xf32, #tpu.memory_space<vmem>>) target(%dma_start3A_512 : memref<64x128xf32, #tpu.memory_space<hbm>>) target_semaphore(%run_scoped3A : memref<!tpu.dma_semaphore, #tpu.memory_space<semaphore_mem>>)
            %dma_wait3A_513 = arith.constant 0 : i32
            %dma_wait3A_514 = tpu.memref_slice %arg4[%dma_wait3A_513, %multiple_of3A_508] : memref<64x16384xf32, #tpu.memory_space<hbm>> -> memref<64x128xf32, #tpu.memory_space<hbm>>
            %dma_wait3A_515 = arith.constant 0 : i32
            %dma_wait3A_516 = tpu.memref_slice %arg4[%dma_wait3A_515, %multiple_of3A_508] : memref<64x16384xf32, #tpu.memory_space<hbm>> -> memref<64x128xf32, #tpu.memory_space<hbm>>
            tpu.wait_dma2 semaphore(%run_scoped3A : memref<!tpu.dma_semaphore, #tpu.memory_space<semaphore_mem>>) src(%arg7 : memref<64x128xf32, #tpu.memory_space<vmem>>) dst(%dma_wait3A_516 : memref<64x128xf32, #tpu.memory_space<hbm>>)
            tpu.yield
          }) : () -> ()
        } else {
        }
      } else {
      }
      %mul3A_397 = arith.constant 14 : i32
      %mul3A_398 = arith.muli %scan3A_309, %mul3A_397 : i32
      %add3A_399 = arith.constant 10 : i32
      %add3A_400 = arith.addi %mul3A_398, %add3A_399 : i32
      %lt3A_401 = arith.constant 512 : i32
      %lt3A_402 = arith.cmpi slt, %add3A_400, %lt3A_401 : i32
      %convert_element_type3A_403 = arith.extui %lt3A_402 : i1 to i32
      %cond3A_404 = arith.constant 0 : i32
      %cond3A_405 = arith.cmpi ne, %convert_element_type3A_403, %cond3A_404 : i32
      scf.if %cond3A_405 {
        %dma_wait3A = arith.constant 10 : i32
        %dma_wait3A_433 = arith.constant 0 : i32
        %dma_wait3A_434 = arith.constant 0 : i32
        %dma_wait3A_435 = tpu.memref_slice %arg6[%dma_wait3A, %dma_wait3A_433, %dma_wait3A_434] : memref<14x64x128xf32, #tpu.memory_space<vmem>> -> memref<1x64x128xf32, #tpu.memory_space<vmem>>
        %dma_wait3A_436 = tpu.memref_squeeze %dma_wait3A_435 : memref<1x64x128xf32, #tpu.memory_space<vmem>> -> memref<64x128xf32, #tpu.memory_space<vmem>>
        %dma_wait3A_437 = arith.constant 0 : i32
        %dma_wait3A_438 = arith.constant 0 : i32
        %dma_wait3A_439 = tpu.memref_slice %arg3[%dma_wait3A_437, %dma_wait3A_438] : memref<64x1000000xf32, #tpu.memory_space<hbm>> -> memref<64x128xf32, #tpu.memory_space<hbm>>
        %dma_wait3A_440 = arith.constant 0 : i32
        %dma_wait3A_441 = arith.constant 0 : i32
        %dma_wait3A_442 = tpu.memref_slice %arg6[%dma_wait3A, %dma_wait3A_440, %dma_wait3A_441] : memref<14x64x128xf32, #tpu.memory_space<vmem>> -> memref<1x64x128xf32, #tpu.memory_space<vmem>>
        %dma_wait3A_443 = tpu.memref_squeeze %dma_wait3A_442 : memref<1x64x128xf32, #tpu.memory_space<vmem>> -> memref<64x128xf32, #tpu.memory_space<vmem>>
        %dma_wait3A_444 = arith.constant 0 : i32
        %dma_wait3A_445 = arith.constant 0 : i32
        %dma_wait3A_446 = tpu.memref_slice %arg3[%dma_wait3A_444, %dma_wait3A_445] : memref<64x1000000xf32, #tpu.memory_space<hbm>> -> memref<64x128xf32, #tpu.memory_space<hbm>>
        tpu.wait_dma2 semaphore(%arg18 : memref<!tpu.dma_semaphore, #tpu.memory_space<semaphore_mem>>) src(%dma_wait3A_446 : memref<64x128xf32, #tpu.memory_space<hbm>>) dst(%dma_wait3A_443 : memref<64x128xf32, #tpu.memory_space<vmem>>)
        %get3A_447 = arith.index_cast %add3A_400 : i32 to index
        %get3A_448 = tpu.vector_load %arg5[%get3A_447] {strides = array<i32>} : memref<528xi32, #tpu.memory_space<vmem>>, vector<16xi32>,
        %slice3A_449 = vector.extract_strided_slice %get3A_448 {offsets = [0], sizes = [1], strides = [1]} : vector<16xi32> to vector<1xi32>
        %squeeze3A_450 = vector.extract %slice3A_449[0] : i32 from vector<1xi32>
        %and3A = arith.constant 127 : i32
        %and3A_451 = arith.andi %squeeze3A_450, %and3A : i32
        %broadcast_in_dim3A = vector.broadcast %and3A_451 : i32 to vector<16xi32>
        %and3A_452 = arith.constant 127 : i32
        %and3A_453 = arith.andi %add3A_400, %and3A_452 : i32
        %broadcast_in_dim3A_454 = vector.broadcast %and3A_453 : i32 to vector<16xi32>
        %broadcast_in_dim3A_455 = arith.constant 0 : i32
        %broadcast_in_dim3A_456 = vector.broadcast %broadcast_in_dim3A_455 : i32 to vector<16xi32>
        %add3A_457 = arith.addi %broadcast_in_dim3A_456, %iota3A : vector<16xi32>
        %gather3A = arith.constant 10 : i32
        %gather3A_458 = arith.constant 0 : i32
        %gather3A_459 = arith.constant 0 : i32
        %gather3A_460 = tpu.memref_slice %arg6[%gather3A, %gather3A_458, %gather3A_459] : memref<14x64x128xf32, #tpu.memory_space<vmem>> -> memref<1x64x128xf32, #tpu.memory_space<vmem>>
        %gather3A_461 = tpu.memref_squeeze %gather3A_460 : memref<1x64x128xf32, #tpu.memory_space<vmem>> -> memref<64x128xf32, #tpu.memory_space<vmem>>
        %gather3A_462 = tpu.vector_load_idx %gather3A_461[%add3A_457, %broadcast_in_dim3A] : memref<64x128xf32, #tpu.memory_space<vmem>>[vector<16xi32>, vector<16xi32>], vector<16xf32>,
        tpu.vector_store_idx %arg7[%add3A_457, %broadcast_in_dim3A_454], %gather3A_462 : memref<64x128xf32, #tpu.memory_space<vmem>>[vector<16xi32>, vector<16xi32>], vector<16xf32>,
        %broadcast_in_dim3A_463 = arith.constant 16 : i32
        %broadcast_in_dim3A_464 = vector.broadcast %broadcast_in_dim3A_463 : i32 to vector<16xi32>
        %add3A_465 = arith.addi %broadcast_in_dim3A_464, %iota3A : vector<16xi32>
        %gather3A_466 = arith.constant 10 : i32
        %gather3A_467 = arith.constant 0 : i32
        %gather3A_468 = arith.constant 0 : i32
        %gather3A_469 = tpu.memref_slice %arg6[%gather3A_466, %gather3A_467, %gather3A_468] : memref<14x64x128xf32, #tpu.memory_space<vmem>> -> memref<1x64x128xf32, #tpu.memory_space<vmem>>
        %gather3A_470 = tpu.memref_squeeze %gather3A_469 : memref<1x64x128xf32, #tpu.memory_space<vmem>> -> memref<64x128xf32, #tpu.memory_space<vmem>>
        %gather3A_471 = tpu.vector_load_idx %gather3A_470[%add3A_465, %broadcast_in_dim3A] : memref<64x128xf32, #tpu.memory_space<vmem>>[vector<16xi32>, vector<16xi32>], vector<16xf32>,
        tpu.vector_store_idx %arg7[%add3A_465, %broadcast_in_dim3A_454], %gather3A_471 : memref<64x128xf32, #tpu.memory_space<vmem>>[vector<16xi32>, vector<16xi32>], vector<16xf32>,
        %broadcast_in_dim3A_472 = arith.constant 32 : i32
        %broadcast_in_dim3A_473 = vector.broadcast %broadcast_in_dim3A_472 : i32 to vector<16xi32>
        %add3A_474 = arith.addi %broadcast_in_dim3A_473, %iota3A : vector<16xi32>
        %gather3A_475 = arith.constant 10 : i32
        %gather3A_476 = arith.constant 0 : i32
        %gather3A_477 = arith.constant 0 : i32
        %gather3A_478 = tpu.memref_slice %arg6[%gather3A_475, %gather3A_476, %gather3A_477] : memref<14x64x128xf32, #tpu.memory_space<vmem>> -> memref<1x64x128xf32, #tpu.memory_space<vmem>>
        %gather3A_479 = tpu.memref_squeeze %gather3A_478 : memref<1x64x128xf32, #tpu.memory_space<vmem>> -> memref<64x128xf32, #tpu.memory_space<vmem>>
        %gather3A_480 = tpu.vector_load_idx %gather3A_479[%add3A_474, %broadcast_in_dim3A] : memref<64x128xf32, #tpu.memory_space<vmem>>[vector<16xi32>, vector<16xi32>], vector<16xf32>,
        tpu.vector_store_idx %arg7[%add3A_474, %broadcast_in_dim3A_454], %gather3A_480 : memref<64x128xf32, #tpu.memory_space<vmem>>[vector<16xi32>, vector<16xi32>], vector<16xf32>,
        %broadcast_in_dim3A_481 = arith.constant 48 : i32
        %broadcast_in_dim3A_482 = vector.broadcast %broadcast_in_dim3A_481 : i32 to vector<16xi32>
        %add3A_483 = arith.addi %broadcast_in_dim3A_482, %iota3A : vector<16xi32>
        %gather3A_484 = arith.constant 10 : i32
        %gather3A_485 = arith.constant 0 : i32
        %gather3A_486 = arith.constant 0 : i32
        %gather3A_487 = tpu.memref_slice %arg6[%gather3A_484, %gather3A_485, %gather3A_486] : memref<14x64x128xf32, #tpu.memory_space<vmem>> -> memref<1x64x128xf32, #tpu.memory_space<vmem>>
        %gather3A_488 = tpu.memref_squeeze %gather3A_487 : memref<1x64x128xf32, #tpu.memory_space<vmem>> -> memref<64x128xf32, #tpu.memory_space<vmem>>
        %gather3A_489 = tpu.vector_load_idx %gather3A_488[%add3A_483, %broadcast_in_dim3A] : memref<64x128xf32, #tpu.memory_space<vmem>>[vector<16xi32>, vector<16xi32>], vector<16xf32>,
        tpu.vector_store_idx %arg7[%add3A_483, %broadcast_in_dim3A_454], %gather3A_489 : memref<64x128xf32, #tpu.memory_space<vmem>>[vector<16xi32>, vector<16xi32>], vector<16xf32>,
        %add3A_490 = arith.constant 14 : i32
        %add3A_491 = arith.addi %add3A_400, %add3A_490 : i32
        %lt3A_492 = arith.constant 512 : i32
        %lt3A_493 = arith.cmpi slt, %add3A_491, %lt3A_492 : i32
        %convert_element_type3A_494 = arith.extui %lt3A_493 : i1 to i32
        %cond3A_495 = arith.constant 0 : i32
        %cond3A_496 = arith.cmpi ne, %convert_element_type3A_494, %cond3A_495 : i32
        scf.if %cond3A_496 {
          %add3A_503 = arith.constant 14 : i32
          %add3A_504 = arith.addi %add3A_400, %add3A_503 : i32
          %get3A_505 = arith.index_cast %add3A_504 : i32 to index
          %get3A_506 = tpu.vector_load %arg5[%get3A_505] {strides = array<i32>} : memref<528xi32, #tpu.memory_space<vmem>>, vector<16xi32>,
          %slice3A_507 = vector.extract_strided_slice %get3A_506 {offsets = [0], sizes = [1], strides = [1]} : vector<16xi32> to vector<1xi32>
          %squeeze3A_508 = vector.extract %slice3A_507[0] : i32 from vector<1xi32>
          %shift_right_arithmetic3A_509 = arith.constant 7 : i32
          %shift_right_arithmetic3A_510 = arith.shrsi %squeeze3A_508, %shift_right_arithmetic3A_509 : i32
          %mul3A_511 = arith.constant 128 : i32
          %mul3A_512 = arith.muli %shift_right_arithmetic3A_510, %mul3A_511 : i32
          %multiple_of3A_513 = tpu.assume_multiple %mul3A_512, 128 : i32
          %dma_start3A_514 = arith.constant 10 : i32
          %dma_start3A_515 = arith.constant 0 : i32
          %dma_start3A_516 = arith.constant 0 : i32
          %dma_start3A_517 = tpu.memref_slice %arg6[%dma_start3A_514, %dma_start3A_515, %dma_start3A_516] : memref<14x64x128xf32, #tpu.memory_space<vmem>> -> memref<1x64x128xf32, #tpu.memory_space<vmem>>
          %dma_start3A_518 = tpu.memref_squeeze %dma_start3A_517 : memref<1x64x128xf32, #tpu.memory_space<vmem>> -> memref<64x128xf32, #tpu.memory_space<vmem>>
          %dma_start3A_519 = arith.constant 0 : i32
          %dma_start3A_520 = tpu.memref_slice %arg3[%dma_start3A_519, %multiple_of3A_513] : memref<64x1000000xf32, #tpu.memory_space<hbm>> -> memref<64x128xf32, #tpu.memory_space<hbm>>
          %dma_start3A_521 = arith.constant 0 : i32
          %dma_start3A_522 = arith.constant 0 : i32
          %dma_start3A_523 = tpu.memref_slice %arg6[%dma_start3A_514, %dma_start3A_521, %dma_start3A_522] : memref<14x64x128xf32, #tpu.memory_space<vmem>> -> memref<1x64x128xf32, #tpu.memory_space<vmem>>
          %dma_start3A_524 = tpu.memref_squeeze %dma_start3A_523 : memref<1x64x128xf32, #tpu.memory_space<vmem>> -> memref<64x128xf32, #tpu.memory_space<vmem>>
          %dma_start3A_525 = arith.constant 0 : i32
          %dma_start3A_526 = tpu.memref_slice %arg3[%dma_start3A_525, %multiple_of3A_513] : memref<64x1000000xf32, #tpu.memory_space<hbm>> -> memref<64x128xf32, #tpu.memory_space<hbm>>
          tpu.enqueue_dma source(%dma_start3A_526 : memref<64x128xf32, #tpu.memory_space<hbm>>) target(%dma_start3A_524 : memref<64x128xf32, #tpu.memory_space<vmem>>) target_semaphore(%arg18 : memref<!tpu.dma_semaphore, #tpu.memory_space<semaphore_mem>>)
        } else {
        }
        %and3A_497 = arith.constant 127 : i32
        %and3A_498 = arith.andi %add3A_400, %and3A_497 : i32
        %eq3A = arith.constant 127 : i32
        %eq3A_499 = arith.cmpi eq, %and3A_498, %eq3A : i32
        %convert_element_type3A_500 = arith.extui %eq3A_499 : i1 to i32
        %cond3A_501 = arith.constant 0 : i32
        %cond3A_502 = arith.cmpi ne, %convert_element_type3A_500, %cond3A_501 : i32
        scf.if %cond3A_502 {
          %shift_right_arithmetic3A_503 = arith.constant 7 : i32
          %shift_right_arithmetic3A_504 = arith.shrsi %add3A_400, %shift_right_arithmetic3A_503 : i32
          %mul3A_505 = arith.constant 128 : i32
          %mul3A_506 = arith.muli %shift_right_arithmetic3A_504, %mul3A_505 : i32
          %add3A_507 = arith.addi %mul3A_2, %mul3A_506 : i32
          %multiple_of3A_508 = tpu.assume_multiple %add3A_507, 128 : i32
          "tpu.region"() ({
            %run_scoped3A = tpu.sem_alloc : memref<!tpu.dma_semaphore, #tpu.memory_space<semaphore_mem>>
            %dma_start3A_509 = arith.constant 0 : i32
            %dma_start3A_510 = tpu.memref_slice %arg4[%dma_start3A_509, %multiple_of3A_508] : memref<64x16384xf32, #tpu.memory_space<hbm>> -> memref<64x128xf32, #tpu.memory_space<hbm>>
            %dma_start3A_511 = arith.constant 0 : i32
            %dma_start3A_512 = tpu.memref_slice %arg4[%dma_start3A_511, %multiple_of3A_508] : memref<64x16384xf32, #tpu.memory_space<hbm>> -> memref<64x128xf32, #tpu.memory_space<hbm>>
            tpu.enqueue_dma source(%arg7 : memref<64x128xf32, #tpu.memory_space<vmem>>) target(%dma_start3A_512 : memref<64x128xf32, #tpu.memory_space<hbm>>) target_semaphore(%run_scoped3A : memref<!tpu.dma_semaphore, #tpu.memory_space<semaphore_mem>>)
            %dma_wait3A_513 = arith.constant 0 : i32
            %dma_wait3A_514 = tpu.memref_slice %arg4[%dma_wait3A_513, %multiple_of3A_508] : memref<64x16384xf32, #tpu.memory_space<hbm>> -> memref<64x128xf32, #tpu.memory_space<hbm>>
            %dma_wait3A_515 = arith.constant 0 : i32
            %dma_wait3A_516 = tpu.memref_slice %arg4[%dma_wait3A_515, %multiple_of3A_508] : memref<64x16384xf32, #tpu.memory_space<hbm>> -> memref<64x128xf32, #tpu.memory_space<hbm>>
            tpu.wait_dma2 semaphore(%run_scoped3A : memref<!tpu.dma_semaphore, #tpu.memory_space<semaphore_mem>>) src(%arg7 : memref<64x128xf32, #tpu.memory_space<vmem>>) dst(%dma_wait3A_516 : memref<64x128xf32, #tpu.memory_space<hbm>>)
            tpu.yield
          }) : () -> ()
        } else {
        }
      } else {
      }
      %mul3A_406 = arith.constant 14 : i32
      %mul3A_407 = arith.muli %scan3A_309, %mul3A_406 : i32
      %add3A_408 = arith.constant 11 : i32
      %add3A_409 = arith.addi %mul3A_407, %add3A_408 : i32
      %lt3A_410 = arith.constant 512 : i32
      %lt3A_411 = arith.cmpi slt, %add3A_409, %lt3A_410 : i32
      %convert_element_type3A_412 = arith.extui %lt3A_411 : i1 to i32
      %cond3A_413 = arith.constant 0 : i32
      %cond3A_414 = arith.cmpi ne, %convert_element_type3A_412, %cond3A_413 : i32
      scf.if %cond3A_414 {
        %dma_wait3A = arith.constant 11 : i32
        %dma_wait3A_433 = arith.constant 0 : i32
        %dma_wait3A_434 = arith.constant 0 : i32
        %dma_wait3A_435 = tpu.memref_slice %arg6[%dma_wait3A, %dma_wait3A_433, %dma_wait3A_434] : memref<14x64x128xf32, #tpu.memory_space<vmem>> -> memref<1x64x128xf32, #tpu.memory_space<vmem>>
        %dma_wait3A_436 = tpu.memref_squeeze %dma_wait3A_435 : memref<1x64x128xf32, #tpu.memory_space<vmem>> -> memref<64x128xf32, #tpu.memory_space<vmem>>
        %dma_wait3A_437 = arith.constant 0 : i32
        %dma_wait3A_438 = arith.constant 0 : i32
        %dma_wait3A_439 = tpu.memref_slice %arg3[%dma_wait3A_437, %dma_wait3A_438] : memref<64x1000000xf32, #tpu.memory_space<hbm>> -> memref<64x128xf32, #tpu.memory_space<hbm>>
        %dma_wait3A_440 = arith.constant 0 : i32
        %dma_wait3A_441 = arith.constant 0 : i32
        %dma_wait3A_442 = tpu.memref_slice %arg6[%dma_wait3A, %dma_wait3A_440, %dma_wait3A_441] : memref<14x64x128xf32, #tpu.memory_space<vmem>> -> memref<1x64x128xf32, #tpu.memory_space<vmem>>
        %dma_wait3A_443 = tpu.memref_squeeze %dma_wait3A_442 : memref<1x64x128xf32, #tpu.memory_space<vmem>> -> memref<64x128xf32, #tpu.memory_space<vmem>>
        %dma_wait3A_444 = arith.constant 0 : i32
        %dma_wait3A_445 = arith.constant 0 : i32
        %dma_wait3A_446 = tpu.memref_slice %arg3[%dma_wait3A_444, %dma_wait3A_445] : memref<64x1000000xf32, #tpu.memory_space<hbm>> -> memref<64x128xf32, #tpu.memory_space<hbm>>
        tpu.wait_dma2 semaphore(%arg19 : memref<!tpu.dma_semaphore, #tpu.memory_space<semaphore_mem>>) src(%dma_wait3A_446 : memref<64x128xf32, #tpu.memory_space<hbm>>) dst(%dma_wait3A_443 : memref<64x128xf32, #tpu.memory_space<vmem>>)
        %get3A_447 = arith.index_cast %add3A_409 : i32 to index
        %get3A_448 = tpu.vector_load %arg5[%get3A_447] {strides = array<i32>} : memref<528xi32, #tpu.memory_space<vmem>>, vector<16xi32>,
        %slice3A_449 = vector.extract_strided_slice %get3A_448 {offsets = [0], sizes = [1], strides = [1]} : vector<16xi32> to vector<1xi32>
        %squeeze3A_450 = vector.extract %slice3A_449[0] : i32 from vector<1xi32>
        %and3A = arith.constant 127 : i32
        %and3A_451 = arith.andi %squeeze3A_450, %and3A : i32
        %broadcast_in_dim3A = vector.broadcast %and3A_451 : i32 to vector<16xi32>
        %and3A_452 = arith.constant 127 : i32
        %and3A_453 = arith.andi %add3A_409, %and3A_452 : i32
        %broadcast_in_dim3A_454 = vector.broadcast %and3A_453 : i32 to vector<16xi32>
        %broadcast_in_dim3A_455 = arith.constant 0 : i32
        %broadcast_in_dim3A_456 = vector.broadcast %broadcast_in_dim3A_455 : i32 to vector<16xi32>
        %add3A_457 = arith.addi %broadcast_in_dim3A_456, %iota3A : vector<16xi32>
        %gather3A = arith.constant 11 : i32
        %gather3A_458 = arith.constant 0 : i32
        %gather3A_459 = arith.constant 0 : i32
        %gather3A_460 = tpu.memref_slice %arg6[%gather3A, %gather3A_458, %gather3A_459] : memref<14x64x128xf32, #tpu.memory_space<vmem>> -> memref<1x64x128xf32, #tpu.memory_space<vmem>>
        %gather3A_461 = tpu.memref_squeeze %gather3A_460 : memref<1x64x128xf32, #tpu.memory_space<vmem>> -> memref<64x128xf32, #tpu.memory_space<vmem>>
        %gather3A_462 = tpu.vector_load_idx %gather3A_461[%add3A_457, %broadcast_in_dim3A] : memref<64x128xf32, #tpu.memory_space<vmem>>[vector<16xi32>, vector<16xi32>], vector<16xf32>,
        tpu.vector_store_idx %arg7[%add3A_457, %broadcast_in_dim3A_454], %gather3A_462 : memref<64x128xf32, #tpu.memory_space<vmem>>[vector<16xi32>, vector<16xi32>], vector<16xf32>,
        %broadcast_in_dim3A_463 = arith.constant 16 : i32
        %broadcast_in_dim3A_464 = vector.broadcast %broadcast_in_dim3A_463 : i32 to vector<16xi32>
        %add3A_465 = arith.addi %broadcast_in_dim3A_464, %iota3A : vector<16xi32>
        %gather3A_466 = arith.constant 11 : i32
        %gather3A_467 = arith.constant 0 : i32
        %gather3A_468 = arith.constant 0 : i32
        %gather3A_469 = tpu.memref_slice %arg6[%gather3A_466, %gather3A_467, %gather3A_468] : memref<14x64x128xf32, #tpu.memory_space<vmem>> -> memref<1x64x128xf32, #tpu.memory_space<vmem>>
        %gather3A_470 = tpu.memref_squeeze %gather3A_469 : memref<1x64x128xf32, #tpu.memory_space<vmem>> -> memref<64x128xf32, #tpu.memory_space<vmem>>
        %gather3A_471 = tpu.vector_load_idx %gather3A_470[%add3A_465, %broadcast_in_dim3A] : memref<64x128xf32, #tpu.memory_space<vmem>>[vector<16xi32>, vector<16xi32>], vector<16xf32>,
        tpu.vector_store_idx %arg7[%add3A_465, %broadcast_in_dim3A_454], %gather3A_471 : memref<64x128xf32, #tpu.memory_space<vmem>>[vector<16xi32>, vector<16xi32>], vector<16xf32>,
        %broadcast_in_dim3A_472 = arith.constant 32 : i32
        %broadcast_in_dim3A_473 = vector.broadcast %broadcast_in_dim3A_472 : i32 to vector<16xi32>
        %add3A_474 = arith.addi %broadcast_in_dim3A_473, %iota3A : vector<16xi32>
        %gather3A_475 = arith.constant 11 : i32
        %gather3A_476 = arith.constant 0 : i32
        %gather3A_477 = arith.constant 0 : i32
        %gather3A_478 = tpu.memref_slice %arg6[%gather3A_475, %gather3A_476, %gather3A_477] : memref<14x64x128xf32, #tpu.memory_space<vmem>> -> memref<1x64x128xf32, #tpu.memory_space<vmem>>
        %gather3A_479 = tpu.memref_squeeze %gather3A_478 : memref<1x64x128xf32, #tpu.memory_space<vmem>> -> memref<64x128xf32, #tpu.memory_space<vmem>>
        %gather3A_480 = tpu.vector_load_idx %gather3A_479[%add3A_474, %broadcast_in_dim3A] : memref<64x128xf32, #tpu.memory_space<vmem>>[vector<16xi32>, vector<16xi32>], vector<16xf32>,
        tpu.vector_store_idx %arg7[%add3A_474, %broadcast_in_dim3A_454], %gather3A_480 : memref<64x128xf32, #tpu.memory_space<vmem>>[vector<16xi32>, vector<16xi32>], vector<16xf32>,
        %broadcast_in_dim3A_481 = arith.constant 48 : i32
        %broadcast_in_dim3A_482 = vector.broadcast %broadcast_in_dim3A_481 : i32 to vector<16xi32>
        %add3A_483 = arith.addi %broadcast_in_dim3A_482, %iota3A : vector<16xi32>
        %gather3A_484 = arith.constant 11 : i32
        %gather3A_485 = arith.constant 0 : i32
        %gather3A_486 = arith.constant 0 : i32
        %gather3A_487 = tpu.memref_slice %arg6[%gather3A_484, %gather3A_485, %gather3A_486] : memref<14x64x128xf32, #tpu.memory_space<vmem>> -> memref<1x64x128xf32, #tpu.memory_space<vmem>>
        %gather3A_488 = tpu.memref_squeeze %gather3A_487 : memref<1x64x128xf32, #tpu.memory_space<vmem>> -> memref<64x128xf32, #tpu.memory_space<vmem>>
        %gather3A_489 = tpu.vector_load_idx %gather3A_488[%add3A_483, %broadcast_in_dim3A] : memref<64x128xf32, #tpu.memory_space<vmem>>[vector<16xi32>, vector<16xi32>], vector<16xf32>,
        tpu.vector_store_idx %arg7[%add3A_483, %broadcast_in_dim3A_454], %gather3A_489 : memref<64x128xf32, #tpu.memory_space<vmem>>[vector<16xi32>, vector<16xi32>], vector<16xf32>,
        %add3A_490 = arith.constant 14 : i32
        %add3A_491 = arith.addi %add3A_409, %add3A_490 : i32
        %lt3A_492 = arith.constant 512 : i32
        %lt3A_493 = arith.cmpi slt, %add3A_491, %lt3A_492 : i32
        %convert_element_type3A_494 = arith.extui %lt3A_493 : i1 to i32
        %cond3A_495 = arith.constant 0 : i32
        %cond3A_496 = arith.cmpi ne, %convert_element_type3A_494, %cond3A_495 : i32
        scf.if %cond3A_496 {
          %add3A_503 = arith.constant 14 : i32
          %add3A_504 = arith.addi %add3A_409, %add3A_503 : i32
          %get3A_505 = arith.index_cast %add3A_504 : i32 to index
          %get3A_506 = tpu.vector_load %arg5[%get3A_505] {strides = array<i32>} : memref<528xi32, #tpu.memory_space<vmem>>, vector<16xi32>,
          %slice3A_507 = vector.extract_strided_slice %get3A_506 {offsets = [0], sizes = [1], strides = [1]} : vector<16xi32> to vector<1xi32>
          %squeeze3A_508 = vector.extract %slice3A_507[0] : i32 from vector<1xi32>
          %shift_right_arithmetic3A_509 = arith.constant 7 : i32
          %shift_right_arithmetic3A_510 = arith.shrsi %squeeze3A_508, %shift_right_arithmetic3A_509 : i32
          %mul3A_511 = arith.constant 128 : i32
          %mul3A_512 = arith.muli %shift_right_arithmetic3A_510, %mul3A_511 : i32
          %multiple_of3A_513 = tpu.assume_multiple %mul3A_512, 128 : i32
          %dma_start3A_514 = arith.constant 11 : i32
          %dma_start3A_515 = arith.constant 0 : i32
          %dma_start3A_516 = arith.constant 0 : i32
          %dma_start3A_517 = tpu.memref_slice %arg6[%dma_start3A_514, %dma_start3A_515, %dma_start3A_516] : memref<14x64x128xf32, #tpu.memory_space<vmem>> -> memref<1x64x128xf32, #tpu.memory_space<vmem>>
          %dma_start3A_518 = tpu.memref_squeeze %dma_start3A_517 : memref<1x64x128xf32, #tpu.memory_space<vmem>> -> memref<64x128xf32, #tpu.memory_space<vmem>>
          %dma_start3A_519 = arith.constant 0 : i32
          %dma_start3A_520 = tpu.memref_slice %arg3[%dma_start3A_519, %multiple_of3A_513] : memref<64x1000000xf32, #tpu.memory_space<hbm>> -> memref<64x128xf32, #tpu.memory_space<hbm>>
          %dma_start3A_521 = arith.constant 0 : i32
          %dma_start3A_522 = arith.constant 0 : i32
          %dma_start3A_523 = tpu.memref_slice %arg6[%dma_start3A_514, %dma_start3A_521, %dma_start3A_522] : memref<14x64x128xf32, #tpu.memory_space<vmem>> -> memref<1x64x128xf32, #tpu.memory_space<vmem>>
          %dma_start3A_524 = tpu.memref_squeeze %dma_start3A_523 : memref<1x64x128xf32, #tpu.memory_space<vmem>> -> memref<64x128xf32, #tpu.memory_space<vmem>>
          %dma_start3A_525 = arith.constant 0 : i32
          %dma_start3A_526 = tpu.memref_slice %arg3[%dma_start3A_525, %multiple_of3A_513] : memref<64x1000000xf32, #tpu.memory_space<hbm>> -> memref<64x128xf32, #tpu.memory_space<hbm>>
          tpu.enqueue_dma source(%dma_start3A_526 : memref<64x128xf32, #tpu.memory_space<hbm>>) target(%dma_start3A_524 : memref<64x128xf32, #tpu.memory_space<vmem>>) target_semaphore(%arg19 : memref<!tpu.dma_semaphore, #tpu.memory_space<semaphore_mem>>)
        } else {
        }
        %and3A_497 = arith.constant 127 : i32
        %and3A_498 = arith.andi %add3A_409, %and3A_497 : i32
        %eq3A = arith.constant 127 : i32
        %eq3A_499 = arith.cmpi eq, %and3A_498, %eq3A : i32
        %convert_element_type3A_500 = arith.extui %eq3A_499 : i1 to i32
        %cond3A_501 = arith.constant 0 : i32
        %cond3A_502 = arith.cmpi ne, %convert_element_type3A_500, %cond3A_501 : i32
        scf.if %cond3A_502 {
          %shift_right_arithmetic3A_503 = arith.constant 7 : i32
          %shift_right_arithmetic3A_504 = arith.shrsi %add3A_409, %shift_right_arithmetic3A_503 : i32
          %mul3A_505 = arith.constant 128 : i32
          %mul3A_506 = arith.muli %shift_right_arithmetic3A_504, %mul3A_505 : i32
          %add3A_507 = arith.addi %mul3A_2, %mul3A_506 : i32
          %multiple_of3A_508 = tpu.assume_multiple %add3A_507, 128 : i32
          "tpu.region"() ({
            %run_scoped3A = tpu.sem_alloc : memref<!tpu.dma_semaphore, #tpu.memory_space<semaphore_mem>>
            %dma_start3A_509 = arith.constant 0 : i32
            %dma_start3A_510 = tpu.memref_slice %arg4[%dma_start3A_509, %multiple_of3A_508] : memref<64x16384xf32, #tpu.memory_space<hbm>> -> memref<64x128xf32, #tpu.memory_space<hbm>>
            %dma_start3A_511 = arith.constant 0 : i32
            %dma_start3A_512 = tpu.memref_slice %arg4[%dma_start3A_511, %multiple_of3A_508] : memref<64x16384xf32, #tpu.memory_space<hbm>> -> memref<64x128xf32, #tpu.memory_space<hbm>>
            tpu.enqueue_dma source(%arg7 : memref<64x128xf32, #tpu.memory_space<vmem>>) target(%dma_start3A_512 : memref<64x128xf32, #tpu.memory_space<hbm>>) target_semaphore(%run_scoped3A : memref<!tpu.dma_semaphore, #tpu.memory_space<semaphore_mem>>)
            %dma_wait3A_513 = arith.constant 0 : i32
            %dma_wait3A_514 = tpu.memref_slice %arg4[%dma_wait3A_513, %multiple_of3A_508] : memref<64x16384xf32, #tpu.memory_space<hbm>> -> memref<64x128xf32, #tpu.memory_space<hbm>>
            %dma_wait3A_515 = arith.constant 0 : i32
            %dma_wait3A_516 = tpu.memref_slice %arg4[%dma_wait3A_515, %multiple_of3A_508] : memref<64x16384xf32, #tpu.memory_space<hbm>> -> memref<64x128xf32, #tpu.memory_space<hbm>>
            tpu.wait_dma2 semaphore(%run_scoped3A : memref<!tpu.dma_semaphore, #tpu.memory_space<semaphore_mem>>) src(%arg7 : memref<64x128xf32, #tpu.memory_space<vmem>>) dst(%dma_wait3A_516 : memref<64x128xf32, #tpu.memory_space<hbm>>)
            tpu.yield
          }) : () -> ()
        } else {
        }
      } else {
      }
      %mul3A_415 = arith.constant 14 : i32
      %mul3A_416 = arith.muli %scan3A_309, %mul3A_415 : i32
      %add3A_417 = arith.constant 12 : i32
      %add3A_418 = arith.addi %mul3A_416, %add3A_417 : i32
      %lt3A_419 = arith.constant 512 : i32
      %lt3A_420 = arith.cmpi slt, %add3A_418, %lt3A_419 : i32
      %convert_element_type3A_421 = arith.extui %lt3A_420 : i1 to i32
      %cond3A_422 = arith.constant 0 : i32
      %cond3A_423 = arith.cmpi ne, %convert_element_type3A_421, %cond3A_422 : i32
      scf.if %cond3A_423 {
        %dma_wait3A = arith.constant 12 : i32
        %dma_wait3A_433 = arith.constant 0 : i32
        %dma_wait3A_434 = arith.constant 0 : i32
        %dma_wait3A_435 = tpu.memref_slice %arg6[%dma_wait3A, %dma_wait3A_433, %dma_wait3A_434] : memref<14x64x128xf32, #tpu.memory_space<vmem>> -> memref<1x64x128xf32, #tpu.memory_space<vmem>>
        %dma_wait3A_436 = tpu.memref_squeeze %dma_wait3A_435 : memref<1x64x128xf32, #tpu.memory_space<vmem>> -> memref<64x128xf32, #tpu.memory_space<vmem>>
        %dma_wait3A_437 = arith.constant 0 : i32
        %dma_wait3A_438 = arith.constant 0 : i32
        %dma_wait3A_439 = tpu.memref_slice %arg3[%dma_wait3A_437, %dma_wait3A_438] : memref<64x1000000xf32, #tpu.memory_space<hbm>> -> memref<64x128xf32, #tpu.memory_space<hbm>>
        %dma_wait3A_440 = arith.constant 0 : i32
        %dma_wait3A_441 = arith.constant 0 : i32
        %dma_wait3A_442 = tpu.memref_slice %arg6[%dma_wait3A, %dma_wait3A_440, %dma_wait3A_441] : memref<14x64x128xf32, #tpu.memory_space<vmem>> -> memref<1x64x128xf32, #tpu.memory_space<vmem>>
        %dma_wait3A_443 = tpu.memref_squeeze %dma_wait3A_442 : memref<1x64x128xf32, #tpu.memory_space<vmem>> -> memref<64x128xf32, #tpu.memory_space<vmem>>
        %dma_wait3A_444 = arith.constant 0 : i32
        %dma_wait3A_445 = arith.constant 0 : i32
        %dma_wait3A_446 = tpu.memref_slice %arg3[%dma_wait3A_444, %dma_wait3A_445] : memref<64x1000000xf32, #tpu.memory_space<hbm>> -> memref<64x128xf32, #tpu.memory_space<hbm>>
        tpu.wait_dma2 semaphore(%arg20 : memref<!tpu.dma_semaphore, #tpu.memory_space<semaphore_mem>>) src(%dma_wait3A_446 : memref<64x128xf32, #tpu.memory_space<hbm>>) dst(%dma_wait3A_443 : memref<64x128xf32, #tpu.memory_space<vmem>>)
        %get3A_447 = arith.index_cast %add3A_418 : i32 to index
        %get3A_448 = tpu.vector_load %arg5[%get3A_447] {strides = array<i32>} : memref<528xi32, #tpu.memory_space<vmem>>, vector<16xi32>,
        %slice3A_449 = vector.extract_strided_slice %get3A_448 {offsets = [0], sizes = [1], strides = [1]} : vector<16xi32> to vector<1xi32>
        %squeeze3A_450 = vector.extract %slice3A_449[0] : i32 from vector<1xi32>
        %and3A = arith.constant 127 : i32
        %and3A_451 = arith.andi %squeeze3A_450, %and3A : i32
        %broadcast_in_dim3A = vector.broadcast %and3A_451 : i32 to vector<16xi32>
        %and3A_452 = arith.constant 127 : i32
        %and3A_453 = arith.andi %add3A_418, %and3A_452 : i32
        %broadcast_in_dim3A_454 = vector.broadcast %and3A_453 : i32 to vector<16xi32>
        %broadcast_in_dim3A_455 = arith.constant 0 : i32
        %broadcast_in_dim3A_456 = vector.broadcast %broadcast_in_dim3A_455 : i32 to vector<16xi32>
        %add3A_457 = arith.addi %broadcast_in_dim3A_456, %iota3A : vector<16xi32>
        %gather3A = arith.constant 12 : i32
        %gather3A_458 = arith.constant 0 : i32
        %gather3A_459 = arith.constant 0 : i32
        %gather3A_460 = tpu.memref_slice %arg6[%gather3A, %gather3A_458, %gather3A_459] : memref<14x64x128xf32, #tpu.memory_space<vmem>> -> memref<1x64x128xf32, #tpu.memory_space<vmem>>
        %gather3A_461 = tpu.memref_squeeze %gather3A_460 : memref<1x64x128xf32, #tpu.memory_space<vmem>> -> memref<64x128xf32, #tpu.memory_space<vmem>>
        %gather3A_462 = tpu.vector_load_idx %gather3A_461[%add3A_457, %broadcast_in_dim3A] : memref<64x128xf32, #tpu.memory_space<vmem>>[vector<16xi32>, vector<16xi32>], vector<16xf32>,
        tpu.vector_store_idx %arg7[%add3A_457, %broadcast_in_dim3A_454], %gather3A_462 : memref<64x128xf32, #tpu.memory_space<vmem>>[vector<16xi32>, vector<16xi32>], vector<16xf32>,
        %broadcast_in_dim3A_463 = arith.constant 16 : i32
        %broadcast_in_dim3A_464 = vector.broadcast %broadcast_in_dim3A_463 : i32 to vector<16xi32>
        %add3A_465 = arith.addi %broadcast_in_dim3A_464, %iota3A : vector<16xi32>
        %gather3A_466 = arith.constant 12 : i32
        %gather3A_467 = arith.constant 0 : i32
        %gather3A_468 = arith.constant 0 : i32
        %gather3A_469 = tpu.memref_slice %arg6[%gather3A_466, %gather3A_467, %gather3A_468] : memref<14x64x128xf32, #tpu.memory_space<vmem>> -> memref<1x64x128xf32, #tpu.memory_space<vmem>>
        %gather3A_470 = tpu.memref_squeeze %gather3A_469 : memref<1x64x128xf32, #tpu.memory_space<vmem>> -> memref<64x128xf32, #tpu.memory_space<vmem>>
        %gather3A_471 = tpu.vector_load_idx %gather3A_470[%add3A_465, %broadcast_in_dim3A] : memref<64x128xf32, #tpu.memory_space<vmem>>[vector<16xi32>, vector<16xi32>], vector<16xf32>,
        tpu.vector_store_idx %arg7[%add3A_465, %broadcast_in_dim3A_454], %gather3A_471 : memref<64x128xf32, #tpu.memory_space<vmem>>[vector<16xi32>, vector<16xi32>], vector<16xf32>,
        %broadcast_in_dim3A_472 = arith.constant 32 : i32
        %broadcast_in_dim3A_473 = vector.broadcast %broadcast_in_dim3A_472 : i32 to vector<16xi32>
        %add3A_474 = arith.addi %broadcast_in_dim3A_473, %iota3A : vector<16xi32>
        %gather3A_475 = arith.constant 12 : i32
        %gather3A_476 = arith.constant 0 : i32
        %gather3A_477 = arith.constant 0 : i32
        %gather3A_478 = tpu.memref_slice %arg6[%gather3A_475, %gather3A_476, %gather3A_477] : memref<14x64x128xf32, #tpu.memory_space<vmem>> -> memref<1x64x128xf32, #tpu.memory_space<vmem>>
        %gather3A_479 = tpu.memref_squeeze %gather3A_478 : memref<1x64x128xf32, #tpu.memory_space<vmem>> -> memref<64x128xf32, #tpu.memory_space<vmem>>
        %gather3A_480 = tpu.vector_load_idx %gather3A_479[%add3A_474, %broadcast_in_dim3A] : memref<64x128xf32, #tpu.memory_space<vmem>>[vector<16xi32>, vector<16xi32>], vector<16xf32>,
        tpu.vector_store_idx %arg7[%add3A_474, %broadcast_in_dim3A_454], %gather3A_480 : memref<64x128xf32, #tpu.memory_space<vmem>>[vector<16xi32>, vector<16xi32>], vector<16xf32>,
        %broadcast_in_dim3A_481 = arith.constant 48 : i32
        %broadcast_in_dim3A_482 = vector.broadcast %broadcast_in_dim3A_481 : i32 to vector<16xi32>
        %add3A_483 = arith.addi %broadcast_in_dim3A_482, %iota3A : vector<16xi32>
        %gather3A_484 = arith.constant 12 : i32
        %gather3A_485 = arith.constant 0 : i32
        %gather3A_486 = arith.constant 0 : i32
        %gather3A_487 = tpu.memref_slice %arg6[%gather3A_484, %gather3A_485, %gather3A_486] : memref<14x64x128xf32, #tpu.memory_space<vmem>> -> memref<1x64x128xf32, #tpu.memory_space<vmem>>
        %gather3A_488 = tpu.memref_squeeze %gather3A_487 : memref<1x64x128xf32, #tpu.memory_space<vmem>> -> memref<64x128xf32, #tpu.memory_space<vmem>>
        %gather3A_489 = tpu.vector_load_idx %gather3A_488[%add3A_483, %broadcast_in_dim3A] : memref<64x128xf32, #tpu.memory_space<vmem>>[vector<16xi32>, vector<16xi32>], vector<16xf32>,
        tpu.vector_store_idx %arg7[%add3A_483, %broadcast_in_dim3A_454], %gather3A_489 : memref<64x128xf32, #tpu.memory_space<vmem>>[vector<16xi32>, vector<16xi32>], vector<16xf32>,
        %add3A_490 = arith.constant 14 : i32
        %add3A_491 = arith.addi %add3A_418, %add3A_490 : i32
        %lt3A_492 = arith.constant 512 : i32
        %lt3A_493 = arith.cmpi slt, %add3A_491, %lt3A_492 : i32
        %convert_element_type3A_494 = arith.extui %lt3A_493 : i1 to i32
        %cond3A_495 = arith.constant 0 : i32
        %cond3A_496 = arith.cmpi ne, %convert_element_type3A_494, %cond3A_495 : i32
        scf.if %cond3A_496 {
          %add3A_503 = arith.constant 14 : i32
          %add3A_504 = arith.addi %add3A_418, %add3A_503 : i32
          %get3A_505 = arith.index_cast %add3A_504 : i32 to index
          %get3A_506 = tpu.vector_load %arg5[%get3A_505] {strides = array<i32>} : memref<528xi32, #tpu.memory_space<vmem>>, vector<16xi32>,
          %slice3A_507 = vector.extract_strided_slice %get3A_506 {offsets = [0], sizes = [1], strides = [1]} : vector<16xi32> to vector<1xi32>
          %squeeze3A_508 = vector.extract %slice3A_507[0] : i32 from vector<1xi32>
          %shift_right_arithmetic3A_509 = arith.constant 7 : i32
          %shift_right_arithmetic3A_510 = arith.shrsi %squeeze3A_508, %shift_right_arithmetic3A_509 : i32
          %mul3A_511 = arith.constant 128 : i32
          %mul3A_512 = arith.muli %shift_right_arithmetic3A_510, %mul3A_511 : i32
          %multiple_of3A_513 = tpu.assume_multiple %mul3A_512, 128 : i32
          %dma_start3A_514 = arith.constant 12 : i32
          %dma_start3A_515 = arith.constant 0 : i32
          %dma_start3A_516 = arith.constant 0 : i32
          %dma_start3A_517 = tpu.memref_slice %arg6[%dma_start3A_514, %dma_start3A_515, %dma_start3A_516] : memref<14x64x128xf32, #tpu.memory_space<vmem>> -> memref<1x64x128xf32, #tpu.memory_space<vmem>>
          %dma_start3A_518 = tpu.memref_squeeze %dma_start3A_517 : memref<1x64x128xf32, #tpu.memory_space<vmem>> -> memref<64x128xf32, #tpu.memory_space<vmem>>
          %dma_start3A_519 = arith.constant 0 : i32
          %dma_start3A_520 = tpu.memref_slice %arg3[%dma_start3A_519, %multiple_of3A_513] : memref<64x1000000xf32, #tpu.memory_space<hbm>> -> memref<64x128xf32, #tpu.memory_space<hbm>>
          %dma_start3A_521 = arith.constant 0 : i32
          %dma_start3A_522 = arith.constant 0 : i32
          %dma_start3A_523 = tpu.memref_slice %arg6[%dma_start3A_514, %dma_start3A_521, %dma_start3A_522] : memref<14x64x128xf32, #tpu.memory_space<vmem>> -> memref<1x64x128xf32, #tpu.memory_space<vmem>>
          %dma_start3A_524 = tpu.memref_squeeze %dma_start3A_523 : memref<1x64x128xf32, #tpu.memory_space<vmem>> -> memref<64x128xf32, #tpu.memory_space<vmem>>
          %dma_start3A_525 = arith.constant 0 : i32
          %dma_start3A_526 = tpu.memref_slice %arg3[%dma_start3A_525, %multiple_of3A_513] : memref<64x1000000xf32, #tpu.memory_space<hbm>> -> memref<64x128xf32, #tpu.memory_space<hbm>>
          tpu.enqueue_dma source(%dma_start3A_526 : memref<64x128xf32, #tpu.memory_space<hbm>>) target(%dma_start3A_524 : memref<64x128xf32, #tpu.memory_space<vmem>>) target_semaphore(%arg20 : memref<!tpu.dma_semaphore, #tpu.memory_space<semaphore_mem>>)
        } else {
        }
        %and3A_497 = arith.constant 127 : i32
        %and3A_498 = arith.andi %add3A_418, %and3A_497 : i32
        %eq3A = arith.constant 127 : i32
        %eq3A_499 = arith.cmpi eq, %and3A_498, %eq3A : i32
        %convert_element_type3A_500 = arith.extui %eq3A_499 : i1 to i32
        %cond3A_501 = arith.constant 0 : i32
        %cond3A_502 = arith.cmpi ne, %convert_element_type3A_500, %cond3A_501 : i32
        scf.if %cond3A_502 {
          %shift_right_arithmetic3A_503 = arith.constant 7 : i32
          %shift_right_arithmetic3A_504 = arith.shrsi %add3A_418, %shift_right_arithmetic3A_503 : i32
          %mul3A_505 = arith.constant 128 : i32
          %mul3A_506 = arith.muli %shift_right_arithmetic3A_504, %mul3A_505 : i32
          %add3A_507 = arith.addi %mul3A_2, %mul3A_506 : i32
          %multiple_of3A_508 = tpu.assume_multiple %add3A_507, 128 : i32
          "tpu.region"() ({
            %run_scoped3A = tpu.sem_alloc : memref<!tpu.dma_semaphore, #tpu.memory_space<semaphore_mem>>
            %dma_start3A_509 = arith.constant 0 : i32
            %dma_start3A_510 = tpu.memref_slice %arg4[%dma_start3A_509, %multiple_of3A_508] : memref<64x16384xf32, #tpu.memory_space<hbm>> -> memref<64x128xf32, #tpu.memory_space<hbm>>
            %dma_start3A_511 = arith.constant 0 : i32
            %dma_start3A_512 = tpu.memref_slice %arg4[%dma_start3A_511, %multiple_of3A_508] : memref<64x16384xf32, #tpu.memory_space<hbm>> -> memref<64x128xf32, #tpu.memory_space<hbm>>
            tpu.enqueue_dma source(%arg7 : memref<64x128xf32, #tpu.memory_space<vmem>>) target(%dma_start3A_512 : memref<64x128xf32, #tpu.memory_space<hbm>>) target_semaphore(%run_scoped3A : memref<!tpu.dma_semaphore, #tpu.memory_space<semaphore_mem>>)
            %dma_wait3A_513 = arith.constant 0 : i32
            %dma_wait3A_514 = tpu.memref_slice %arg4[%dma_wait3A_513, %multiple_of3A_508] : memref<64x16384xf32, #tpu.memory_space<hbm>> -> memref<64x128xf32, #tpu.memory_space<hbm>>
            %dma_wait3A_515 = arith.constant 0 : i32
            %dma_wait3A_516 = tpu.memref_slice %arg4[%dma_wait3A_515, %multiple_of3A_508] : memref<64x16384xf32, #tpu.memory_space<hbm>> -> memref<64x128xf32, #tpu.memory_space<hbm>>
            tpu.wait_dma2 semaphore(%run_scoped3A : memref<!tpu.dma_semaphore, #tpu.memory_space<semaphore_mem>>) src(%arg7 : memref<64x128xf32, #tpu.memory_space<vmem>>) dst(%dma_wait3A_516 : memref<64x128xf32, #tpu.memory_space<hbm>>)
            tpu.yield
          }) : () -> ()
        } else {
        }
      } else {
      }
      %mul3A_424 = arith.constant 14 : i32
      %mul3A_425 = arith.muli %scan3A_309, %mul3A_424 : i32
      %add3A_426 = arith.constant 13 : i32
      %add3A_427 = arith.addi %mul3A_425, %add3A_426 : i32
      %lt3A_428 = arith.constant 512 : i32
      %lt3A_429 = arith.cmpi slt, %add3A_427, %lt3A_428 : i32
      %convert_element_type3A_430 = arith.extui %lt3A_429 : i1 to i32
      %cond3A_431 = arith.constant 0 : i32
      %cond3A_432 = arith.cmpi ne, %convert_element_type3A_430, %cond3A_431 : i32
      scf.if %cond3A_432 {
        %dma_wait3A = arith.constant 13 : i32
        %dma_wait3A_433 = arith.constant 0 : i32
        %dma_wait3A_434 = arith.constant 0 : i32
        %dma_wait3A_435 = tpu.memref_slice %arg6[%dma_wait3A, %dma_wait3A_433, %dma_wait3A_434] : memref<14x64x128xf32, #tpu.memory_space<vmem>> -> memref<1x64x128xf32, #tpu.memory_space<vmem>>
        %dma_wait3A_436 = tpu.memref_squeeze %dma_wait3A_435 : memref<1x64x128xf32, #tpu.memory_space<vmem>> -> memref<64x128xf32, #tpu.memory_space<vmem>>
        %dma_wait3A_437 = arith.constant 0 : i32
        %dma_wait3A_438 = arith.constant 0 : i32
        %dma_wait3A_439 = tpu.memref_slice %arg3[%dma_wait3A_437, %dma_wait3A_438] : memref<64x1000000xf32, #tpu.memory_space<hbm>> -> memref<64x128xf32, #tpu.memory_space<hbm>>
        %dma_wait3A_440 = arith.constant 0 : i32
        %dma_wait3A_441 = arith.constant 0 : i32
        %dma_wait3A_442 = tpu.memref_slice %arg6[%dma_wait3A, %dma_wait3A_440, %dma_wait3A_441] : memref<14x64x128xf32, #tpu.memory_space<vmem>> -> memref<1x64x128xf32, #tpu.memory_space<vmem>>
        %dma_wait3A_443 = tpu.memref_squeeze %dma_wait3A_442 : memref<1x64x128xf32, #tpu.memory_space<vmem>> -> memref<64x128xf32, #tpu.memory_space<vmem>>
        %dma_wait3A_444 = arith.constant 0 : i32
        %dma_wait3A_445 = arith.constant 0 : i32
        %dma_wait3A_446 = tpu.memref_slice %arg3[%dma_wait3A_444, %dma_wait3A_445] : memref<64x1000000xf32, #tpu.memory_space<hbm>> -> memref<64x128xf32, #tpu.memory_space<hbm>>
        tpu.wait_dma2 semaphore(%arg21 : memref<!tpu.dma_semaphore, #tpu.memory_space<semaphore_mem>>) src(%dma_wait3A_446 : memref<64x128xf32, #tpu.memory_space<hbm>>) dst(%dma_wait3A_443 : memref<64x128xf32, #tpu.memory_space<vmem>>)
        %get3A_447 = arith.index_cast %add3A_427 : i32 to index
        %get3A_448 = tpu.vector_load %arg5[%get3A_447] {strides = array<i32>} : memref<528xi32, #tpu.memory_space<vmem>>, vector<16xi32>,
        %slice3A_449 = vector.extract_strided_slice %get3A_448 {offsets = [0], sizes = [1], strides = [1]} : vector<16xi32> to vector<1xi32>
        %squeeze3A_450 = vector.extract %slice3A_449[0] : i32 from vector<1xi32>
        %and3A = arith.constant 127 : i32
        %and3A_451 = arith.andi %squeeze3A_450, %and3A : i32
        %broadcast_in_dim3A = vector.broadcast %and3A_451 : i32 to vector<16xi32>
        %and3A_452 = arith.constant 127 : i32
        %and3A_453 = arith.andi %add3A_427, %and3A_452 : i32
        %broadcast_in_dim3A_454 = vector.broadcast %and3A_453 : i32 to vector<16xi32>
        %broadcast_in_dim3A_455 = arith.constant 0 : i32
        %broadcast_in_dim3A_456 = vector.broadcast %broadcast_in_dim3A_455 : i32 to vector<16xi32>
        %add3A_457 = arith.addi %broadcast_in_dim3A_456, %iota3A : vector<16xi32>
        %gather3A = arith.constant 13 : i32
        %gather3A_458 = arith.constant 0 : i32
        %gather3A_459 = arith.constant 0 : i32
        %gather3A_460 = tpu.memref_slice %arg6[%gather3A, %gather3A_458, %gather3A_459] : memref<14x64x128xf32, #tpu.memory_space<vmem>> -> memref<1x64x128xf32, #tpu.memory_space<vmem>>
        %gather3A_461 = tpu.memref_squeeze %gather3A_460 : memref<1x64x128xf32, #tpu.memory_space<vmem>> -> memref<64x128xf32, #tpu.memory_space<vmem>>
        %gather3A_462 = tpu.vector_load_idx %gather3A_461[%add3A_457, %broadcast_in_dim3A] : memref<64x128xf32, #tpu.memory_space<vmem>>[vector<16xi32>, vector<16xi32>], vector<16xf32>,
        tpu.vector_store_idx %arg7[%add3A_457, %broadcast_in_dim3A_454], %gather3A_462 : memref<64x128xf32, #tpu.memory_space<vmem>>[vector<16xi32>, vector<16xi32>], vector<16xf32>,
        %broadcast_in_dim3A_463 = arith.constant 16 : i32
        %broadcast_in_dim3A_464 = vector.broadcast %broadcast_in_dim3A_463 : i32 to vector<16xi32>
        %add3A_465 = arith.addi %broadcast_in_dim3A_464, %iota3A : vector<16xi32>
        %gather3A_466 = arith.constant 13 : i32
        %gather3A_467 = arith.constant 0 : i32
        %gather3A_468 = arith.constant 0 : i32
        %gather3A_469 = tpu.memref_slice %arg6[%gather3A_466, %gather3A_467, %gather3A_468] : memref<14x64x128xf32, #tpu.memory_space<vmem>> -> memref<1x64x128xf32, #tpu.memory_space<vmem>>
        %gather3A_470 = tpu.memref_squeeze %gather3A_469 : memref<1x64x128xf32, #tpu.memory_space<vmem>> -> memref<64x128xf32, #tpu.memory_space<vmem>>
        %gather3A_471 = tpu.vector_load_idx %gather3A_470[%add3A_465, %broadcast_in_dim3A] : memref<64x128xf32, #tpu.memory_space<vmem>>[vector<16xi32>, vector<16xi32>], vector<16xf32>,
        tpu.vector_store_idx %arg7[%add3A_465, %broadcast_in_dim3A_454], %gather3A_471 : memref<64x128xf32, #tpu.memory_space<vmem>>[vector<16xi32>, vector<16xi32>], vector<16xf32>,
        %broadcast_in_dim3A_472 = arith.constant 32 : i32
        %broadcast_in_dim3A_473 = vector.broadcast %broadcast_in_dim3A_472 : i32 to vector<16xi32>
        %add3A_474 = arith.addi %broadcast_in_dim3A_473, %iota3A : vector<16xi32>
        %gather3A_475 = arith.constant 13 : i32
        %gather3A_476 = arith.constant 0 : i32
        %gather3A_477 = arith.constant 0 : i32
        %gather3A_478 = tpu.memref_slice %arg6[%gather3A_475, %gather3A_476, %gather3A_477] : memref<14x64x128xf32, #tpu.memory_space<vmem>> -> memref<1x64x128xf32, #tpu.memory_space<vmem>>
        %gather3A_479 = tpu.memref_squeeze %gather3A_478 : memref<1x64x128xf32, #tpu.memory_space<vmem>> -> memref<64x128xf32, #tpu.memory_space<vmem>>
        %gather3A_480 = tpu.vector_load_idx %gather3A_479[%add3A_474, %broadcast_in_dim3A] : memref<64x128xf32, #tpu.memory_space<vmem>>[vector<16xi32>, vector<16xi32>], vector<16xf32>,
        tpu.vector_store_idx %arg7[%add3A_474, %broadcast_in_dim3A_454], %gather3A_480 : memref<64x128xf32, #tpu.memory_space<vmem>>[vector<16xi32>, vector<16xi32>], vector<16xf32>,
        %broadcast_in_dim3A_481 = arith.constant 48 : i32
        %broadcast_in_dim3A_482 = vector.broadcast %broadcast_in_dim3A_481 : i32 to vector<16xi32>
        %add3A_483 = arith.addi %broadcast_in_dim3A_482, %iota3A : vector<16xi32>
        %gather3A_484 = arith.constant 13 : i32
        %gather3A_485 = arith.constant 0 : i32
        %gather3A_486 = arith.constant 0 : i32
        %gather3A_487 = tpu.memref_slice %arg6[%gather3A_484, %gather3A_485, %gather3A_486] : memref<14x64x128xf32, #tpu.memory_space<vmem>> -> memref<1x64x128xf32, #tpu.memory_space<vmem>>
        %gather3A_488 = tpu.memref_squeeze %gather3A_487 : memref<1x64x128xf32, #tpu.memory_space<vmem>> -> memref<64x128xf32, #tpu.memory_space<vmem>>
        %gather3A_489 = tpu.vector_load_idx %gather3A_488[%add3A_483, %broadcast_in_dim3A] : memref<64x128xf32, #tpu.memory_space<vmem>>[vector<16xi32>, vector<16xi32>], vector<16xf32>,
        tpu.vector_store_idx %arg7[%add3A_483, %broadcast_in_dim3A_454], %gather3A_489 : memref<64x128xf32, #tpu.memory_space<vmem>>[vector<16xi32>, vector<16xi32>], vector<16xf32>,
        %add3A_490 = arith.constant 14 : i32
        %add3A_491 = arith.addi %add3A_427, %add3A_490 : i32
        %lt3A_492 = arith.constant 512 : i32
        %lt3A_493 = arith.cmpi slt, %add3A_491, %lt3A_492 : i32
        %convert_element_type3A_494 = arith.extui %lt3A_493 : i1 to i32
        %cond3A_495 = arith.constant 0 : i32
        %cond3A_496 = arith.cmpi ne, %convert_element_type3A_494, %cond3A_495 : i32
        scf.if %cond3A_496 {
          %add3A_503 = arith.constant 14 : i32
          %add3A_504 = arith.addi %add3A_427, %add3A_503 : i32
          %get3A_505 = arith.index_cast %add3A_504 : i32 to index
          %get3A_506 = tpu.vector_load %arg5[%get3A_505] {strides = array<i32>} : memref<528xi32, #tpu.memory_space<vmem>>, vector<16xi32>,
          %slice3A_507 = vector.extract_strided_slice %get3A_506 {offsets = [0], sizes = [1], strides = [1]} : vector<16xi32> to vector<1xi32>
          %squeeze3A_508 = vector.extract %slice3A_507[0] : i32 from vector<1xi32>
          %shift_right_arithmetic3A_509 = arith.constant 7 : i32
          %shift_right_arithmetic3A_510 = arith.shrsi %squeeze3A_508, %shift_right_arithmetic3A_509 : i32
          %mul3A_511 = arith.constant 128 : i32
          %mul3A_512 = arith.muli %shift_right_arithmetic3A_510, %mul3A_511 : i32
          %multiple_of3A_513 = tpu.assume_multiple %mul3A_512, 128 : i32
          %dma_start3A_514 = arith.constant 13 : i32
          %dma_start3A_515 = arith.constant 0 : i32
          %dma_start3A_516 = arith.constant 0 : i32
          %dma_start3A_517 = tpu.memref_slice %arg6[%dma_start3A_514, %dma_start3A_515, %dma_start3A_516] : memref<14x64x128xf32, #tpu.memory_space<vmem>> -> memref<1x64x128xf32, #tpu.memory_space<vmem>>
          %dma_start3A_518 = tpu.memref_squeeze %dma_start3A_517 : memref<1x64x128xf32, #tpu.memory_space<vmem>> -> memref<64x128xf32, #tpu.memory_space<vmem>>
          %dma_start3A_519 = arith.constant 0 : i32
          %dma_start3A_520 = tpu.memref_slice %arg3[%dma_start3A_519, %multiple_of3A_513] : memref<64x1000000xf32, #tpu.memory_space<hbm>> -> memref<64x128xf32, #tpu.memory_space<hbm>>
          %dma_start3A_521 = arith.constant 0 : i32
          %dma_start3A_522 = arith.constant 0 : i32
          %dma_start3A_523 = tpu.memref_slice %arg6[%dma_start3A_514, %dma_start3A_521, %dma_start3A_522] : memref<14x64x128xf32, #tpu.memory_space<vmem>> -> memref<1x64x128xf32, #tpu.memory_space<vmem>>
          %dma_start3A_524 = tpu.memref_squeeze %dma_start3A_523 : memref<1x64x128xf32, #tpu.memory_space<vmem>> -> memref<64x128xf32, #tpu.memory_space<vmem>>
          %dma_start3A_525 = arith.constant 0 : i32
          %dma_start3A_526 = tpu.memref_slice %arg3[%dma_start3A_525, %multiple_of3A_513] : memref<64x1000000xf32, #tpu.memory_space<hbm>> -> memref<64x128xf32, #tpu.memory_space<hbm>>
          tpu.enqueue_dma source(%dma_start3A_526 : memref<64x128xf32, #tpu.memory_space<hbm>>) target(%dma_start3A_524 : memref<64x128xf32, #tpu.memory_space<vmem>>) target_semaphore(%arg21 : memref<!tpu.dma_semaphore, #tpu.memory_space<semaphore_mem>>)
        } else {
        }
        %and3A_497 = arith.constant 127 : i32
        %and3A_498 = arith.andi %add3A_427, %and3A_497 : i32
        %eq3A = arith.constant 127 : i32
        %eq3A_499 = arith.cmpi eq, %and3A_498, %eq3A : i32
        %convert_element_type3A_500 = arith.extui %eq3A_499 : i1 to i32
        %cond3A_501 = arith.constant 0 : i32
        %cond3A_502 = arith.cmpi ne, %convert_element_type3A_500, %cond3A_501 : i32
        scf.if %cond3A_502 {
          %shift_right_arithmetic3A_503 = arith.constant 7 : i32
          %shift_right_arithmetic3A_504 = arith.shrsi %add3A_427, %shift_right_arithmetic3A_503 : i32
          %mul3A_505 = arith.constant 128 : i32
          %mul3A_506 = arith.muli %shift_right_arithmetic3A_504, %mul3A_505 : i32
          %add3A_507 = arith.addi %mul3A_2, %mul3A_506 : i32
          %multiple_of3A_508 = tpu.assume_multiple %add3A_507, 128 : i32
          "tpu.region"() ({
            %run_scoped3A = tpu.sem_alloc : memref<!tpu.dma_semaphore, #tpu.memory_space<semaphore_mem>>
            %dma_start3A_509 = arith.constant 0 : i32
            %dma_start3A_510 = tpu.memref_slice %arg4[%dma_start3A_509, %multiple_of3A_508] : memref<64x16384xf32, #tpu.memory_space<hbm>> -> memref<64x128xf32, #tpu.memory_space<hbm>>
            %dma_start3A_511 = arith.constant 0 : i32
            %dma_start3A_512 = tpu.memref_slice %arg4[%dma_start3A_511, %multiple_of3A_508] : memref<64x16384xf32, #tpu.memory_space<hbm>> -> memref<64x128xf32, #tpu.memory_space<hbm>>
            tpu.enqueue_dma source(%arg7 : memref<64x128xf32, #tpu.memory_space<vmem>>) target(%dma_start3A_512 : memref<64x128xf32, #tpu.memory_space<hbm>>) target_semaphore(%run_scoped3A : memref<!tpu.dma_semaphore, #tpu.memory_space<semaphore_mem>>)
            %dma_wait3A_513 = arith.constant 0 : i32
            %dma_wait3A_514 = tpu.memref_slice %arg4[%dma_wait3A_513, %multiple_of3A_508] : memref<64x16384xf32, #tpu.memory_space<hbm>> -> memref<64x128xf32, #tpu.memory_space<hbm>>
            %dma_wait3A_515 = arith.constant 0 : i32
            %dma_wait3A_516 = tpu.memref_slice %arg4[%dma_wait3A_515, %multiple_of3A_508] : memref<64x16384xf32, #tpu.memory_space<hbm>> -> memref<64x128xf32, #tpu.memory_space<hbm>>
            tpu.wait_dma2 semaphore(%run_scoped3A : memref<!tpu.dma_semaphore, #tpu.memory_space<semaphore_mem>>) src(%arg7 : memref<64x128xf32, #tpu.memory_space<vmem>>) dst(%dma_wait3A_516 : memref<64x128xf32, #tpu.memory_space<hbm>>)
            tpu.yield
          }) : () -> ()
        } else {
        }
      } else {
      }
    }
    %scan3A_308 = arith.constant 37 : i32
    return
  }
}

</mosaic_0001>

<sc_bundles>
// kernel: wrapper.3.cloned.1.call-start
scs
__scs_entry_jumppad:
0x0: {  	(pc) =	sbr.rel $0x88, $3  }
0x1: {  	(tag) =	ssettag $0x0;
	lr =	simm.s32 $0x1  }
0x2: {  	[smem:$0x3F9F] =	sst lr;
	_ =	strace $0xD0000000  }
0x3: {  	_ = 	snop  }
0x4: {  	_ = 	snop  }
0x5: {  	_ = 	snop  }
0x6: {  	_ = 	snop  }
0x7: {  	_ = 	snop  }
__scs_overlays_trampoline_lowered:
0x8: {  	[smem:$0x3FAE] =	sst s0  }
0x9: {  	[smem:$0x3FAF] =	sst s1  }
0xa: {  	[smem:$0x3FB0] =	sst s2  }
0xb: {  	[smem:$0x3FB1] =	sst s3  }
0xc: {  	[smem:$0x3FB2] =	sst s4  }
0xd: {  	[smem:$0x3FB3] =	sst s5  }
0xe: {  	[smem:$0x3FB4] =	sst s6  }
0xf: {  	[smem:$0x3FB5] =	sst s7  }
0x10: {  	[smem:$0x3FB6] =	sst s8  }
0x11: {  	[smem:$0x3FB7] =	sst s9;
	s0 =	simm.s32 @!p0 $0x0  }
0x12: {  	s1 =	sld [smem:$0x3F9D];
	s0 =	simm.s32 @p0 $0x1  }
0x13: {  	[smem:$0x3FB8] =	sst s0;
	s0 =	simm.s32 @!p1 $0x0  }
0x14: {  	s2 =	sld [smem:$0x3F9C];
	s0 =	simm.s32 @p1 $0x1  }
0x15: {  	[smem:$0x3FB9] =	sst s0;
	s0 =	simm.s32 @!p2 $0x0  }
0x16: {  	s3 =	sld [smem:$0x3FDB];
	s0 =	simm.s32 @p2 $0x1  }
0x17: {  	s4 =	simm.s32 $0x1BF5;
	[smem:$0x3FBB] =	sst s0  }
0x18: {  	s0 =	sld [smem:$0x3F9E];
	_ =	swait.ge [sflag:s4], $0x0  }
0x19: {  	s7 =	sld [smem:$0x3F9F]  }
0x1a: {  	s8 =	sadd.s32 $0xFFFFE003, lr  }
0x1b: {  	s9 =	sadd.s32 $0xFFFFFEF7, lr;
	s5 =	simm.s32 $0xFFFFFFFF;
	p2 =	slt.u32 s8, $0xFFFFF086  }
0x1c: {  	p1 =	slt.u32 s9, $0xF7A;
	s5 =	simm.s32 @!p2 $0x0  }
0x1d: {  	s5 =	simm.s32 @p1 $0x1;
	p0 =	seq.s32 s7, s2  }
0x1e: {  	s7 =	smul.u32 @!p0 $0xF7A, s2;
	p2 =	seq.s32 @!p0 s5, $0x0  }
0x1f: {  	s9 =	smul.u32 $0xF7A, s1;
	s8 =	simm.s32 @!p0 $0x1BF5;
	p2 =	por !p2, p0  }
0x20: {  	[sflag:s8] =	ssyncset.s32 @!p0 $0xFFFFF086;
	s6 =	sadd.s32 @!p0 s3, s7;
	s7 =	simm.s32 @!p0 $0x108  }
0x21: {  	s3 =	sadd.s32 s3, s9;
	s6 =	sadd.s32 @!p0 $0x88, s6;
	s7 =	simm.s32 @p2 $0x1082  }
0x22: {  	[simem:s7], [sflag:s8] =	dma.local @!p0 [hbm:s6], $0xF7A  }
0x23: {  	s9 =	sor.u32 $0xD0000000, s2;
	s6 =	simm.s32 $0x108;
	_ =	swait.ge @!p0 [sflag:s8], $0x0  }
0x24: {  	s3 =	sadd.s32 $0x88, s3;
	s6 =	simm.s32 @!p1 $0x1082;
	[sflag:s4] =	ssyncset.s32 $0xFFFFF086  }
0x25: {  	[simem:s6], [sflag:s4] =	dma.local [hbm:s3], $0xF7A  }
0x26: {  	[smem:$0x3F9F] =	sst s1;
	(tag) =	ssettag s2;
	_ =	strace s9  }
0x27: {  	s1 =	sld [smem:$0x3FAF]  }
0x28: {  	s2 =	sld [smem:$0x3FB0]  }
0x29: {  	s4 =	sld [smem:$0x3FB2]  }
0x2a: {  	p0 =	seq.s32 s5, $0x0;
	s5 =	sld [smem:$0x3FB3]  }
0x2b: {  	s6 =	sld [smem:$0x3FB4]  }
0x2c: {  	s7 =	sld [smem:$0x3FB5]  }
0x2d: {  	s3 =	simm.s32 $0x108;
	s8 =	sld [smem:$0x3FB6]  }
0x2e: {  	s3 =	simm.s32 @!p0 $0x1082;
	s9 =	sld [smem:$0x3FB7]  }
0x2f: {  	lr =	sadd.s32 s0, s3;
	s0 =	sld [smem:$0x3FAE]  }
0x30: {  	s3 =	sld [smem:$0x3FB1]  }
0x31: {  	[smem:$0x3FBA] =	sst s10  }
0x32: {  	s10 =	sld [smem:$0x3FB8];
	_ =	sdelay $0x3  }
0x33: {  	p0 =	seq.s32 s10, $0x1;
	s10 =	sld [smem:$0x3FBA];
	_ =	sdelay $0x3  }
0x34: {  	[smem:$0x3FBA] =	sst s10  }
0x35: {  	s10 =	sld [smem:$0x3FB9];
	_ =	sdelay $0x3  }
0x36: {  	p1 =	seq.s32 s10, $0x1;
	s10 =	sld [smem:$0x3FBA];
	_ =	sdelay $0x3  }
0x37: {  	[smem:$0x3FBA] =	sst s10  }
0x38: {  	s10 =	sld [smem:$0x3FBB]  }
0x39: {  	_ = 	snop;
	(pc) =	sbr.ind lr, $3  }
0x3a: {  	_ = 	snop  }
0x3b: {  	_ = 	snop  }
0x3c: {  	p2 =	seq.s32 s10, $0x1;
	s10 =	sld [smem:$0x3FBA]  }
0x3d: {  	_ =	shalt  }
0x3e: {  	_ =	shalt  }
0x3f: {  	_ =	shalt  }
0x40: {  	_ =	shalt  }
0x41: {  	_ =	shalt  }
0x42: {  	_ =	shalt  }
0x43: {  	_ =	shalt  }
0x44: {  	_ =	shalt  }
0x45: {  	_ =	shalt  }
0x46: {  	_ =	shalt  }
0x47: {  	_ =	shalt  }
0x48: {  	_ =	shalt  }
0x49: {  	_ =	shalt  }
0x4a: {  	_ =	shalt  }
0x4b: {  	_ =	shalt  }
0x4c: {  	_ =	shalt  }
0x4d: {  	_ =	shalt  }
0x4e: {  	_ =	shalt  }
0x4f: {  	_ =	shalt  }
0x50: {  	_ =	shalt  }
0x51: {  	_ =	shalt  }
0x52: {  	_ =	shalt  }
0x53: {  	_ =	shalt  }
0x54: {  	_ =	shalt  }
0x55: {  	_ =	shalt  }
0x56: {  	_ =	shalt  }
0x57: {  	_ =	shalt  }
0x58: {  	_ =	shalt  }
0x59: {  	_ =	shalt  }
0x5a: {  	_ =	shalt  }
0x5b: {  	_ =	shalt  }
0x5c: {  	_ =	shalt  }
0x5d: {  	_ =	shalt  }
0x5e: {  	_ =	shalt  }
0x5f: {  	_ =	shalt  }
0x60: {  	_ =	shalt  }
0x61: {  	_ =	shalt  }
0x62: {  	_ =	shalt  }
0x63: {  	_ =	shalt  }
0x64: {  	_ =	shalt  }
0x65: {  	_ =	shalt  }
0x66: {  	_ =	shalt  }
0x67: {  	_ =	shalt  }
0x68: {  	_ =	shalt  }
0x69: {  	_ =	shalt  }
0x6a: {  	_ =	shalt  }
0x6b: {  	_ =	shalt  }
0x6c: {  	_ =	shalt  }
0x6d: {  	_ =	shalt  }
0x6e: {  	_ =	shalt  }
0x6f: {  	_ =	shalt  }
0x70: {  	_ =	shalt  }
0x71: {  	_ =	shalt  }
0x72: {  	_ =	shalt  }
0x73: {  	_ =	shalt  }
0x74: {  	_ =	shalt  }
0x75: {  	_ =	shalt  }
0x76: {  	_ =	shalt  }
0x77: {  	_ =	shalt  }
0x78: {  	_ =	shalt  }
0x79: {  	_ =	shalt  }
0x7a: {  	_ =	shalt  }
0x7b: {  	_ =	shalt  }
0x7c: {  	_ =	shalt  }
0x7d: {  	_ =	shalt  }
0x7e: {  	_ =	shalt  }
0x7f: {  	_ =	shalt  }
0x80: {  	_ =	shalt  }
0x81: {  	_ =	shalt  }
0x82: {  	_ =	shalt  }
0x83: {  	_ =	shalt  }
0x84: {  	_ =	shalt  }
0x85: {  	_ =	shalt  }
0x86: {  	_ =	shalt  }
0x87: {  	_ =	shalt  }
.Lfunc_end0:
.L_simem_size_0:
called_computation_lowered:
.L_overlay_start_0:
0x88: {  	s2 =	sld [smem:$0x3FD9]  }
0x89: {  	s3 =	sld [smem:$0x3FFE];
	_ =	sdelay $0x1  }
0x8a: {  	s1 =	srdreg.scid  }
0x8b: {  	s0 =	sand.u32 $0x1, s1  }
0x8c: {  	s18 =	sshll.u32 s0, $0xA;
	s2 =	sadd.s32 s3, s2  }
0x8d: {  	s2 =	sadd.s32 s2, s18  }
0x8e: {  	[smem:$0x3FC6] =	sst s2  }
0x8f: {  	_ = 	snop  }
0x90: {  	s2 =	sld [smem:$0x3FC9]  }
0x91: {  	s19 =	sld [smem:$0x3FC8]  }
0x92: {  	s4 =	sld [smem:$0x3FD0];
	(tm) =	ssettm $0x1  }
0x93: {  	s5 =	sld [smem:$0x3FFB];
	_ =	sdelay $0x3  }
0x94: {  	_ =	strace s5  }
0x95: {  	s5 =	sld [smem:$0x3FFC];
	_ =	sdelay $0x3  }
0x96: {  	_ =	strace s5  }
0x97: {  	s5 =	sld [smem:$0x3FFD];
	_ =	sdelay $0x3  }
0x98: {  	_ =	strace s5  }
0x99: {  	_ =	strace $0x8FFFFFFF  }
0x9a: {  	s20 =	sld [smem:$0x3FDB];
	_ =	sdelay $0x1  }
0x9b: {  	s6 =	simm.s32 $_scs_section_size  }
0x9c: {  	s7 =	simm.s32 $_size__tile_overlayer_lowered;
	s8 =	simm.s32 $_tile_overlayer_lowered  }
0x9d: {  	s23 =	simm.s32 $0x1BFF;
	s22 =	sshll.u32 s8, $0x1;
	s5 =	sadd.s32 s6, s20  }
0x9e: {  	s9 =	simm.s32 $0x0;
	s21 =	sshll.u32 s7, $0x1;
	s7 =	sadd.s32 s22, s5  }
0x9f: {  	[timem:s9], [sflag:s23] =	dma.local [hbm:s7], s21  }
0xa0: {  	_ =	swait.ge [sflag:s23], s21  }
0xa1: {  	s6 =	ssub.s32 $0x0, s21;
	[sflag:s23] =	ssyncset.done $0x0  }
0xa2: {  	[sflag:s23] =	ssyncadd.s32 s6;
	_ =	sdelay $0x1  }
0xa3: {  	s24 =	simm.s32 $0x1B8B  }
0xa4: {  	_ =	swait.ge [sflag:s24], $0x1  }
0xa5: {  	[sflag:s24] =	ssyncset.done $0x0  }
0xa6: {  	s25 =	simm.s32 $0x1B8E;
	[sflag:s24] =	ssyncadd.s32 $0xFFFFFFFF  }
0xa7: {  	s26 =	simm.s32 $execute0_lowered;
	[smem:$0x3FD2] =	sst s25  }
0xa8: {  	s6 =	sshll.u32 s26, $0x1;
	_ =	strace $0x80000046;
	[dreg:$0x1] =	wrdreg $0xFFFFFFFF  }
0xa9: {  	s28 =	simm.s32 $_size_execute0_lowered;
	s5 =	sadd.s32 s5, s6;
	[dreg:$0x0] =	wrdreg $0x0  }
0xaa: {  	s6 =	sshll.u32 s28, $0x1;
	[dreg:$0x2] =	wrdreg s5  }
0xab: {  	[dreg:$0x3] =	wrdreg s6  }
0xac: {  	[dreg:$0x4] =	wrdreg $0xC0  }
0xad: {  	_ =	task [dreg:s9], $0x5FFFF  }
0xae: {  	[dreg:$0x1] =	wrdreg $0xFFFFFFFF  }
0xaf: {  	[dreg:$0x0] =	wrdreg $0x60  }
0xb0: {  	[dreg:$0x2] =	wrdreg s2  }
0xb1: {  	[dreg:$0x3] =	wrdreg s19  }
0xb2: {  	[dreg:$0x4] =	wrdreg s4  }
0xb3: {  	[dreg:$0x5] =	wrdreg $0x9  }
0xb4: {  	_ =	task.clear_ibuf [dreg:s9], $0x6FFFF;
	_ =	strace $0x90000046  }
0xb5: {  	s29 =	simm.s32 $0x9;
	_ =	strace $0x80000048  }
0xb6: {  	_ =	swait.ge [sflag:s29], $0x1  }
0xb7: {  	[sflag:s29] =	ssyncadd.s32 $0xFFFFFFFF  }
0xb8: {  	_ =	strace $0x90000048  }
0xb9: {  	_ =	sfence  }
0xba: {  	s30 =	sld [smem:$0x0];
	_ =	sdelay $0x2  }
0xbb: {  	s31 =	sshll.u32 s1, $0xD;
	s1 =	sshrl.u32 s1, $0x2  }
0xbc: {  	s3 =	sand.u32 $0x4000, s31;
	s1 =	sadd.s32 s1, s30  }
0xbd: {  	s0 =	sor.u32 s3, s0;
	s1 =	sshll.u32 s1, $0x11  }
0xbe: {  	s0 =	sor.u32 s1, s0  }
0xbf: {  	s0 =	sadd.s32 $0x8F2B, s0  }
0xc0: {  	[sflag:s0] =	ssyncadd.remote.s32 $0x1  }
0xc1: {  	_ =	sfence.sel $0xFFFF  }
0xc2: {  	[dreg:$0x0] =	wrdreg $0xFFFFFFFF;
	(pc) =	sbr.abs _section_cstart, $3  }
0xc3: {  	[dreg:$0x1] =	wrdreg $0xFFFFFFFF  }
0xc4: {  	_ =	task.clear_ibuf [dreg:s9], $0x2FFFF;
	_ =	strace $0x9FFFFFFF  }
0xc5: {  	(tm) =	ssettm $0x7FFFFFFF  }
tec
execute0_lowered:
.L_overlay_start_1:
0x0: {  	(tag) =	ssettag $0x1  }
0x1: {  	s0 =	rddreg [dreg:$0x0]  }
0x2: {  	s1 =	rddreg [dreg:$0x1]  }
0x3: {  	s2 =	rddreg [dreg:$0x2];
	s3 =	srdreg.scid  }
0x4: {  	s6 =	simm.s32 $0x0;
	s5 =	stileid.u32;
	s9 =	simm.s32 $0x7A1400  }
0x5: {  	s10 =	simm.s32 $0x280;
	s11 =	simm.s32 $0x2280;
	s12 =	simm.s32 $0x4280  }
0x6: {  	s13 =	simm.s32 $0x6280;
	s14 =	simm.s32 $0x8280;
	s15 =	simm.s32 $0xA280  }
0x7: {  	s16 =	simm.s32 $0xC280;
	s17 =	simm.s32 $0xE280;
	s28 =	simm.s32 $0x3  }
0x8: {  	s29 =	simm.s32 $0x4;
	s30 =	simm.s32 $0x5;
	s3 =	sand.u32 $0x1, s3  }
0x9: {  	s31 =	simm.s32 $0x6;
	s5 =	sshll.u32 s5, $0xA;
	s4 =	ssub.s32 $0x2, s3  }
0xa: {  	[smem:$0x7FF] =	sst s6;
	s3 =	sshll.u32 s3, $0x9;
	s24 =	sshrl.u32 s4, $0x1  }
0xb: {  	_ =	strace $0x80000047;
	s3 =	sor.u32 s3, s5;
	s6 =	ssub.s32 s4, s24  }
0xc: {  	v0 =	vlaneseq.u32;
	s25 =	sshrl.u32 s3, $0x3;
	s5 =	sadd.s32 s2, s3;
	s24 =	simm.s32 $0x1  }
0xd: {  	v0 =	vmul.u32 $0x80, v0;
	s2 =	simm.s32 $0x8;
	s3 =	simm.s32 $0x0;
	s0 =	sadd.s32 s0, s25  }
0xe: {  	s26 =	smax.u32 s6, $0x1;
	s25 =	simm.s32 $0x1C280;
	[dreg:$0x4] =	wrdreg s0  }
0xf: {  	v1 =	vor.u32 $0x800, v0;
	v2 =	vor.u32 $0x1000, v0;
	v3 =	vor.u32 $0x1800, v0;
	[dreg:$0x5] =	wrdreg s26;
	s26 =	simm.s32 $0x2;
	s0 =	simm.s32 $0x7  }
.LBB2_1:
0x10: {  	s4 =	simm.s32 $0x0;
	s6 =	rddreg [dreg:$0x4];
	s20 =	simm.s32 $0xF  }
0x11: {  	[tilespmem:s4], [sflag:$0xF] =	stream.linear.gather [hbm4b:s6+s4], $0x200, $0x38;
	[tilespmem:$0x1E280] =	vst v63  }
0x12: {  	_ =	swait.ge [sflag:s20], $0x200  }
0x13: {  	[sflag:s20] =	ssyncset.done $0x0  }
0x14: {  	[sflag:s20] =	ssyncadd.s32 $0xFFFFFE00  }
0x15: {  	v4 =	vld [tilespmem:$0x0];
	_ =	sdelay $0x4  }
0x16: {  	(v2sf) =	vpush v4, $0x0;
	_ =	sdelay $0xe  }
0x17: {  	s18 =	spop (v2sf)  }
0x18: {  	s18 =	sand.u32 $0xFFFFF80, s18  }
0x19: {  	s4 =	simm.s32 $0x400;
	s18 =	sadd.s32 s1, s18  }
0x1a: {  	[tilespmem:s10], [sflag:$0x1] =	stream.strided.gather [hbm4b:s18+s4], $0x2000, s9, s4, $0x38;
	[tilespmem:$0x1E280] =	vst v63  }
0x1b: {  	v4 =	vld [tilespmem:$0x1];
	_ =	sdelay $0x4  }
0x1c: {  	(v2sf) =	vpush v4, $0x0;
	_ =	sdelay $0xe  }
0x1d: {  	s21 =	spop (v2sf)  }
0x1e: {  	s18 =	sand.u32 $0xFFFFF80, s21  }
0x1f: {  	s18 =	sadd.s32 s1, s18  }
0x20: {  	[tilespmem:s11], [sflag:$0x2] =	stream.strided.gather [hbm4b:s18+s4], $0x2000, s9, s4, $0x38;
	[tilespmem:$0x1E280] =	vst v63  }
0x21: {  	v4 =	vld [tilespmem:$0x2];
	_ =	sdelay $0x4  }
0x22: {  	(v2sf) =	vpush v4, $0x0;
	_ =	sdelay $0xe  }
0x23: {  	s22 =	spop (v2sf)  }
0x24: {  	s18 =	sand.u32 $0xFFFFF80, s22  }
0x25: {  	s18 =	sadd.s32 s1, s18  }
0x26: {  	[tilespmem:s12], [sflag:$0x3] =	stream.strided.gather [hbm4b:s18+s4], $0x2000, s9, s4, $0x38;
	[tilespmem:$0x1E280] =	vst v63  }
0x27: {  	v4 =	vld [tilespmem:$0x3];
	_ =	sdelay $0x4  }
0x28: {  	(v2sf) =	vpush v4, $0x0;
	_ =	sdelay $0xe  }
0x29: {  	s23 =	spop (v2sf)  }
0x2a: {  	s18 =	sand.u32 $0xFFFFF80, s23  }
0x2b: {  	s18 =	sadd.s32 s1, s18  }
0x2c: {  	[tilespmem:s13], [sflag:$0x4] =	stream.strided.gather [hbm4b:s18+s4], $0x2000, s9, s4, $0x38;
	[tilespmem:$0x1E280] =	vst v63  }
0x2d: {  	v4 =	vld [tilespmem:$0x4];
	_ =	sdelay $0x4  }
0x2e: {  	(v2sf) =	vpush v4, $0x0;
	_ =	sdelay $0xe  }
0x2f: {  	s6 =	spop (v2sf)  }
0x30: {  	s18 =	sand.u32 $0xFFFFF80, s6  }
0x31: {  	s18 =	sadd.s32 s1, s18  }
0x32: {  	[tilespmem:s14], [sflag:$0x5] =	stream.strided.gather [hbm4b:s18+s4], $0x2000, s9, s4, $0x38;
	[tilespmem:$0x1E280] =	vst v63  }
0x33: {  	v4 =	vld [tilespmem:$0x5];
	_ =	sdelay $0x4  }
0x34: {  	(v2sf) =	vpush v4, $0x0;
	_ =	sdelay $0xe  }
0x35: {  	s7 =	spop (v2sf)  }
0x36: {  	s18 =	sand.u32 $0xFFFFF80, s7  }
0x37: {  	s18 =	sadd.s32 s1, s18  }
0x38: {  	[tilespmem:s15], [sflag:$0x6] =	stream.strided.gather [hbm4b:s18+s4], $0x2000, s9, s4, $0x38;
	[tilespmem:$0x1E280] =	vst v63  }
0x39: {  	v4 =	vld [tilespmem:$0x6];
	_ =	sdelay $0x4  }
0x3a: {  	(v2sf) =	vpush v4, $0x0;
	_ =	sdelay $0xe  }
0x3b: {  	s8 =	spop (v2sf)  }
0x3c: {  	s18 =	sand.u32 $0xFFFFF80, s8  }
0x3d: {  	s18 =	sadd.s32 s1, s18  }
0x3e: {  	[tilespmem:s16], [sflag:$0x7] =	stream.strided.gather [hbm4b:s18+s4], $0x2000, s9, s4, $0x38;
	[tilespmem:$0x1E280] =	vst v63  }
0x3f: {  	v4 =	vld [tilespmem:$0x7];
	_ =	sdelay $0x4  }
0x40: {  	(v2sf) =	vpush v4, $0x0;
	_ =	sdelay $0xe  }
0x41: {  	s19 =	spop (v2sf)  }
0x42: {  	s18 =	sand.u32 $0xFFFFF80, s19  }
0x43: {  	s18 =	sadd.s32 s1, s18  }
0x44: {  	[tilespmem:s17], [sflag:$0x8] =	stream.strided.gather [hbm4b:s18+s4], $0x2000, s9, s4, $0x38;
	[tilespmem:$0x1E280] =	vst v63  }
0x45: {  	v4 =	vld [tilespmem:$0x8];
	_ =	sdelay $0x4  }
0x46: {  	(v2sf) =	vpush v4, $0x0;
	_ =	sdelay $0xe  }
0x47: {  	s20 =	spop (v2sf)  }
0x48: {  	s18 =	sand.u32 $0xFFFFF80, s20  }
0x49: {  	s21 =	simm.s32 $0x10280;
	s18 =	sadd.s32 s1, s18  }
0x4a: {  	[tilespmem:s21], [sflag:$0x9] =	stream.strided.gather [hbm4b:s18+s4], $0x2000, s9, s4, $0x38;
	[tilespmem:$0x1E280] =	vst v63  }
0x4b: {  	v4 =	vld [tilespmem:$0x9];
	_ =	sdelay $0x4  }
0x4c: {  	(v2sf) =	vpush v4, $0x0;
	_ =	sdelay $0xe  }
0x4d: {  	s22 =	spop (v2sf)  }
0x4e: {  	s18 =	sand.u32 $0xFFFFF80, s22  }
0x4f: {  	s23 =	simm.s32 $0x12280;
	s18 =	sadd.s32 s1, s18  }
0x50: {  	[tilespmem:s23], [sflag:$0xA] =	stream.strided.gather [hbm4b:s18+s4], $0x2000, s9, s4, $0x38;
	[tilespmem:$0x1E280] =	vst v63  }
0x51: {  	v4 =	vld [tilespmem:$0xA];
	_ =	sdelay $0x4  }
0x52: {  	(v2sf) =	vpush v4, $0x0;
	_ =	sdelay $0xe  }
0x53: {  	s6 =	spop (v2sf)  }
0x54: {  	s18 =	sand.u32 $0xFFFFF80, s6  }
0x55: {  	s7 =	simm.s32 $0x14280;
	s18 =	sadd.s32 s1, s18  }
0x56: {  	[tilespmem:s7], [sflag:$0xB] =	stream.strided.gather [hbm4b:s18+s4], $0x2000, s9, s4, $0x38;
	[tilespmem:$0x1E280] =	vst v63  }
0x57: {  	v4 =	vld [tilespmem:$0xB];
	_ =	sdelay $0x4  }
0x58: {  	(v2sf) =	vpush v4, $0x0;
	_ =	sdelay $0xe  }
0x59: {  	s8 =	spop (v2sf)  }
0x5a: {  	s18 =	sand.u32 $0xFFFFF80, s8  }
0x5b: {  	s19 =	simm.s32 $0x16280;
	s18 =	sadd.s32 s1, s18  }
0x5c: {  	[tilespmem:s19], [sflag:$0xC] =	stream.strided.gather [hbm4b:s18+s4], $0x2000, s9, s4, $0x38;
	[tilespmem:$0x1E280] =	vst v63  }
0x5d: {  	v4 =	vld [tilespmem:$0xC];
	_ =	sdelay $0x4  }
0x5e: {  	(v2sf) =	vpush v4, $0x0;
	_ =	sdelay $0xe  }
0x5f: {  	s20 =	spop (v2sf)  }
0x60: {  	s18 =	sand.u32 $0xFFFFF80, s20  }
0x61: {  	s21 =	simm.s32 $0x18280;
	s18 =	sadd.s32 s1, s18  }
0x62: {  	[tilespmem:s21], [sflag:$0xD] =	stream.strided.gather [hbm4b:s18+s4], $0x2000, s9, s4, $0x38;
	[tilespmem:$0x1E280] =	vst v63  }
0x63: {  	v4 =	vld [tilespmem:$0xD];
	_ =	sdelay $0x4  }
0x64: {  	(v2sf) =	vpush v4, $0x0;
	_ =	sdelay $0xe  }
0x65: {  	s22 =	spop (v2sf)  }
0x66: {  	s18 =	sand.u32 $0xFFFFF80, s22  }
0x67: {  	s23 =	simm.s32 $0x1A280;
	s18 =	sadd.s32 s1, s18  }
0x68: {  	[tilespmem:s23], [sflag:$0xE] =	stream.strided.gather [hbm4b:s18+s4], $0x2000, s9, s4, $0x38;
	[tilespmem:$0x1E280] =	vst v63  }
0x69: {  	s19 =	simm.s32 $0xE;
	s20 =	simm.s32 $0x0;
	s18 =	simm.s32 $0xD  }
.LBB2_2:
0x6a: {  	_ =	swait.ge [sflag:s24], $0x2000  }
0x6b: {  	[sflag:s24] =	ssyncset.done $0x0  }
0x6c: {  	[sflag:s24] =	ssyncadd.s32 $0xFFFFE000  }
0x6d: {  	v4 =	vld [tilespmem:s19+$0xFFFFFFF2];
	_ =	sdelay $0x4  }
0x6e: {  	(v2sf) =	vpush v4, $0x0;
	_ =	sdelay $0xe  }
0x6f: {  	s21 =	spop (v2sf)  }
0x70: {  	s21 =	sand.u32 $0x7F, s21  }
0x71: {  	v4 =	vor.u32 s21, v0;
	_ =	sdelay $0x2  }
0x72: {  	s23 =	sadd.s32 $0xFFFFFFF3, s18  }
0x73: {  	s4 =	sand.u32 $0x7E, s23  }
0x74: {  	v5 =	vor.u32 s4, v0;
	v4 =	vld.idx.msk [tilespmem:v4+s10+$0x0], $0xffff  }
0x75: {  	v6 =	vor.u32 s21, v1;
	_ =	sdelay $0x3  }
0x76: {  	[tilespmem:v5+s25+$0x0] =	vst.idx.msk $0xffff, v4  }
0x77: {  	v5 =	vor.u32 s4, v1;
	v4 =	vld.idx.msk [tilespmem:v6+s10+$0x0], $0xffff  }
0x78: {  	v41 =	vor.u32 s21, v2;
	_ =	sdelay $0x3  }
0x79: {  	[tilespmem:v5+s25+$0x0] =	vst.idx.msk $0xffff, v4  }
0x7a: {  	v5 =	vor.u32 s4, v2;
	v4 =	vld.idx.msk [tilespmem:v41+s10+$0x0], $0xffff  }
0x7b: {  	v42 =	vor.u32 s21, v3;
	_ =	sdelay $0x3  }
0x7c: {  	[tilespmem:v5+s25+$0x0] =	vst.idx.msk $0xffff, v4  }
0x7d: {  	v5 =	vor.u32 s4, v3;
	v4 =	vld.idx.msk [tilespmem:v42+s10+$0x0], $0xffff;
	_ =	sdelay $0x4  }
0x7e: {  	p0 =	seq.s32 s18, $0x205;
	[tilespmem:v5+s25+$0x0] =	vst.idx.msk $0xffff, v4  }
0x7f: {  	v4 =	vld @!p0 [tilespmem:s19+$0x0];
	_ =	sdelay $0x4  }
0x80: {  	(v2sf) =	vpush @!p0 v4, $0x0;
	_ =	sdelay $0xe  }
0x81: {  	s21 =	spop @!p0 (v2sf)  }
0x82: {  	s22 =	simm.s32 @!p0 $0x7A1400;
	s21 =	sand.u32 @!p0 $0xFFFFF80, s21  }
0x83: {  	s7 =	simm.s32 @!p0 $0x280;
	s6 =	sadd.s32 @!p0 s1, s21;
	s21 =	simm.s32 @!p0 $0x400  }
0x84: {  	[tilespmem:s7], [sflag:$0x1] =	stream.strided.gather @!p0 [hbm4b:s6+s21], $0x2000, s22, s21, $0x38;
	[tilespmem:$0x1E280] =	vst v63  }
0x85: {  	_ =	swait.ge [sflag:s26], $0x2000  }
0x86: {  	[sflag:s26] =	ssyncset.done $0x0  }
0x87: {  	[sflag:s26] =	ssyncadd.s32 $0xFFFFE000  }
0x88: {  	v4 =	vld [tilespmem:s19+$0xFFFFFFF3];
	_ =	sdelay $0x4  }
0x89: {  	(v2sf) =	vpush v4, $0x0;
	_ =	sdelay $0xe  }
0x8a: {  	s7 =	spop (v2sf)  }
0x8b: {  	s6 =	sand.u32 $0x7F, s7  }
0x8c: {  	v4 =	vor.u32 s6, v0;
	_ =	sdelay $0x3  }
0x8d: {  	s8 =	sor.u32 $0x1, s4  }
0x8e: {  	v5 =	vor.u32 s8, v0;
	v4 =	vld.idx.msk [tilespmem:v4+s11+$0x0], $0xffff  }
0x8f: {  	v43 =	vor.u32 s6, v1;
	_ =	sdelay $0x3  }
0x90: {  	[tilespmem:v5+s25+$0x0] =	vst.idx.msk $0xffff, v4  }
0x91: {  	v5 =	vor.u32 s8, v1;
	v4 =	vld.idx.msk [tilespmem:v43+s11+$0x0], $0xffff  }
0x92: {  	v44 =	vor.u32 s6, v2;
	_ =	sdelay $0x3  }
0x93: {  	[tilespmem:v5+s25+$0x0] =	vst.idx.msk $0xffff, v4  }
0x94: {  	v5 =	vor.u32 s8, v2;
	v4 =	vld.idx.msk [tilespmem:v44+s11+$0x0], $0xffff  }
0x95: {  	v45 =	vor.u32 s6, v3;
	_ =	sdelay $0x3  }
0x96: {  	[tilespmem:v5+s25+$0x0] =	vst.idx.msk $0xffff, v4  }
0x97: {  	v5 =	vor.u32 s8, v3;
	v4 =	vld.idx.msk [tilespmem:v45+s11+$0x0], $0xffff;
	_ =	sdelay $0x4  }
0x98: {  	[tilespmem:v5+s25+$0x0] =	vst.idx.msk $0xffff, v4  }
0x99: {  	v4 =	vld @!p0 [tilespmem:s19+$0x1];
	_ =	sdelay $0x4  }
0x9a: {  	(v2sf) =	vpush @!p0 v4, $0x0;
	_ =	sdelay $0xe  }
0x9b: {  	p1 =	sne.s32 s4, $0x7E;
	s6 =	spop @!p0 (v2sf)  }
0x9c: {  	s4 =	sand.u32 @!p1 $0x380, s23;
	s6 =	sand.u32 @!p0 $0xFFFFF80, s6  }
0x9d: {  	s23 =	simm.s32 @!p1 $0x1C280;
	s7 =	simm.s32 @!p0 $0x2280;
	s6 =	sadd.s32 @!p0 s1, s6  }
0x9e: {  	[tilespmem:s7], [sflag:$0x2] =	stream.strided.gather @!p0 [hbm4b:s6+s21], $0x2000, s22, s21, $0x38;
	[tilespmem:$0x1E280] =	vst v63  }
0x9f: {  	s4 =	sadd.s32 @!p1 s4, s5;
	s6 =	simm.s32 @!p1 $0x400;
	s7 =	simm.s32 @!p1 $0x20000  }
0xa0: {  	[hbm4b:s4+s6] =	stream.strided.scatter @!p1 [tilespmem:s23], [sflag:$0x10], $0x2000, s7, s6, $0x38;
	[tilespmem:$0x1E280] =	vst v63  }
0xa1: {  	s4 =	simm.s32 @!p1 $0x10  }
0xa2: {  	_ =	swait.ge @!p1 [sflag:s4], $0x2000  }
0xa3: {  	[sflag:s4] =	ssyncset.done @!p1 $0x0  }
0xa4: {  	[sflag:s4] =	ssyncadd.s32 @!p1 $0xFFFFE000  }
0xa5: {  	_ =	swait.ge [sflag:s28], $0x2000  }
0xa6: {  	[sflag:s28] =	ssyncset.done $0x0  }
0xa7: {  	[sflag:s28] =	ssyncadd.s32 $0xFFFFE000  }
0xa8: {  	v4 =	vld [tilespmem:s19+$0xFFFFFFF4];
	_ =	sdelay $0x4  }
0xa9: {  	(v2sf) =	vpush v4, $0x0;
	_ =	sdelay $0xe  }
0xaa: {  	s8 =	spop (v2sf)  }
0xab: {  	s4 =	sand.u32 $0x7F, s8  }
0xac: {  	v4 =	vor.u32 s4, v0;
	_ =	sdelay $0x2  }
0xad: {  	s23 =	sadd.s32 $0xFFFFFFF5, s18  }
0xae: {  	s6 =	sand.u32 $0x7E, s23  }
0xaf: {  	v5 =	vor.u32 s6, v0;
	v4 =	vld.idx.msk [tilespmem:v4+s12+$0x0], $0xffff  }
0xb0: {  	v46 =	vor.u32 s4, v1;
	_ =	sdelay $0x3  }
0xb1: {  	[tilespmem:v5+s25+$0x0] =	vst.idx.msk $0xffff, v4  }
0xb2: {  	v5 =	vor.u32 s6, v1;
	v4 =	vld.idx.msk [tilespmem:v46+s12+$0x0], $0xffff  }
0xb3: {  	v47 =	vor.u32 s4, v2;
	_ =	sdelay $0x3  }
0xb4: {  	[tilespmem:v5+s25+$0x0] =	vst.idx.msk $0xffff, v4  }
0xb5: {  	v5 =	vor.u32 s6, v2;
	v4 =	vld.idx.msk [tilespmem:v47+s12+$0x0], $0xffff  }
0xb6: {  	v48 =	vor.u32 s4, v3;
	_ =	sdelay $0x3  }
0xb7: {  	[tilespmem:v5+s25+$0x0] =	vst.idx.msk $0xffff, v4  }
0xb8: {  	v5 =	vor.u32 s6, v3;
	v4 =	vld.idx.msk [tilespmem:v48+s12+$0x0], $0xffff;
	_ =	sdelay $0x4  }
0xb9: {  	[tilespmem:v5+s25+$0x0] =	vst.idx.msk $0xffff, v4  }
0xba: {  	v4 =	vld @!p0 [tilespmem:s19+$0x2];
	_ =	sdelay $0x4  }
0xbb: {  	(v2sf) =	vpush @!p0 v4, $0x0;
	_ =	sdelay $0xe  }
0xbc: {  	s4 =	spop @!p0 (v2sf)  }
0xbd: {  	s4 =	sand.u32 @!p0 $0xFFFFF80, s4  }
0xbe: {  	s6 =	simm.s32 @!p0 $0x4280;
	s4 =	sadd.s32 @!p0 s1, s4  }
0xbf: {  	[tilespmem:s6], [sflag:$0x3] =	stream.strided.gather @!p0 [hbm4b:s4+s21], $0x2000, s22, s21, $0x38;
	[tilespmem:$0x1E280] =	vst v63  }
0xc0: {  	_ =	swait.ge [sflag:s29], $0x2000  }
0xc1: {  	[sflag:s29] =	ssyncset.done $0x0  }
0xc2: {  	[sflag:s29] =	ssyncadd.s32 $0xFFFFE000  }
0xc3: {  	v4 =	vld [tilespmem:s19+$0xFFFFFFF5];
	_ =	sdelay $0x4  }
0xc4: {  	(v2sf) =	vpush v4, $0x0;
	_ =	sdelay $0xe  }
0xc5: {  	s7 =	spop (v2sf)  }
0xc6: {  	s4 =	sand.u32 $0x7F, s7  }
0xc7: {  	v4 =	vor.u32 s4, v0;
	_ =	sdelay $0x2  }
0xc8: {  	s6 =	sadd.s32 $0xFFFFFFF6, s18  }
0xc9: {  	s8 =	sand.u32 $0x7F, s6  }
0xca: {  	v5 =	vor.u32 s8, v0;
	v4 =	vld.idx.msk [tilespmem:v4+s13+$0x0], $0xffff  }
0xcb: {  	v49 =	vor.u32 s4, v1;
	_ =	sdelay $0x3  }
0xcc: {  	[tilespmem:v5+s25+$0x0] =	vst.idx.msk $0xffff, v4  }
0xcd: {  	v5 =	vor.u32 s8, v1;
	v4 =	vld.idx.msk [tilespmem:v49+s13+$0x0], $0xffff  }
0xce: {  	v50 =	vor.u32 s4, v2;
	_ =	sdelay $0x3  }
0xcf: {  	[tilespmem:v5+s25+$0x0] =	vst.idx.msk $0xffff, v4  }
0xd0: {  	v5 =	vor.u32 s8, v2;
	v4 =	vld.idx.msk [tilespmem:v50+s13+$0x0], $0xffff  }
0xd1: {  	v51 =	vor.u32 s4, v3;
	_ =	sdelay $0x3  }
0xd2: {  	[tilespmem:v5+s25+$0x0] =	vst.idx.msk $0xffff, v4  }
0xd3: {  	v5 =	vor.u32 s8, v3;
	v4 =	vld.idx.msk [tilespmem:v51+s13+$0x0], $0xffff;
	_ =	sdelay $0x4  }
0xd4: {  	[tilespmem:v5+s25+$0x0] =	vst.idx.msk $0xffff, v4  }
0xd5: {  	v4 =	vld @!p0 [tilespmem:s19+$0x3];
	_ =	sdelay $0x4  }
0xd6: {  	(v2sf) =	vpush @!p0 v4, $0x0;
	_ =	sdelay $0xe  }
0xd7: {  	s4 =	spop @!p0 (v2sf)  }
0xd8: {  	s4 =	sand.u32 @!p0 $0xFFFFF80, s4  }
0xd9: {  	s23 =	simm.s32 @!p0 $0x6280;
	p1 =	sne.s32 s8, $0x7F;
	s4 =	sadd.s32 @!p0 s1, s4  }
0xda: {  	[tilespmem:s23], [sflag:$0x4] =	stream.strided.gather @!p0 [hbm4b:s4+s21], $0x2000, s22, s21, $0x38;
	[tilespmem:$0x1E280] =	vst v63  }
0xdb: {  	s7 =	simm.s32 @!p1 $0x20000;
	s4 =	sand.u32 @!p1 $0x780, s6  }
0xdc: {  	s6 =	simm.s32 @!p1 $0x400;
	s23 =	simm.s32 @!p1 $0x1C280;
	s4 =	sadd.s32 @!p1 s4, s5  }
0xdd: {  	[hbm4b:s4+s6] =	stream.strided.scatter @!p1 [tilespmem:s23], [sflag:$0x10], $0x2000, s7, s6, $0x38;
	[tilespmem:$0x1E280] =	vst v63  }
0xde: {  	s4 =	simm.s32 @!p1 $0x10  }
0xdf: {  	_ =	swait.ge @!p1 [sflag:s4], $0x2000  }
0xe0: {  	[sflag:s4] =	ssyncset.done @!p1 $0x0  }
0xe1: {  	[sflag:s4] =	ssyncadd.s32 @!p1 $0xFFFFE000  }
0xe2: {  	_ =	swait.ge [sflag:s30], $0x2000  }
0xe3: {  	[sflag:s30] =	ssyncset.done $0x0  }
0xe4: {  	[sflag:s30] =	ssyncadd.s32 $0xFFFFE000  }
0xe5: {  	v4 =	vld [tilespmem:s19+$0xFFFFFFF6];
	_ =	sdelay $0x4  }
0xe6: {  	(v2sf) =	vpush v4, $0x0;
	_ =	sdelay $0xe  }
0xe7: {  	s8 =	spop (v2sf)  }
0xe8: {  	s4 =	sand.u32 $0x7F, s8  }
0xe9: {  	v4 =	vor.u32 s4, v0;
	_ =	sdelay $0x2  }
0xea: {  	s23 =	sadd.s32 $0xFFFFFFF7, s18  }
0xeb: {  	s6 =	sand.u32 $0x7E, s23  }
0xec: {  	v5 =	vor.u32 s6, v0;
	v4 =	vld.idx.msk [tilespmem:v4+s14+$0x0], $0xffff  }
0xed: {  	v52 =	vor.u32 s4, v1;
	_ =	sdelay $0x3  }
0xee: {  	[tilespmem:v5+s25+$0x0] =	vst.idx.msk $0xffff, v4  }
0xef: {  	v5 =	vor.u32 s6, v1;
	v4 =	vld.idx.msk [tilespmem:v52+s14+$0x0], $0xffff  }
0xf0: {  	v53 =	vor.u32 s4, v2;
	_ =	sdelay $0x3  }
0xf1: {  	[tilespmem:v5+s25+$0x0] =	vst.idx.msk $0xffff, v4  }
0xf2: {  	v5 =	vor.u32 s6, v2;
	v4 =	vld.idx.msk [tilespmem:v53+s14+$0x0], $0xffff  }
0xf3: {  	v54 =	vor.u32 s4, v3;
	_ =	sdelay $0x3  }
0xf4: {  	[tilespmem:v5+s25+$0x0] =	vst.idx.msk $0xffff, v4  }
0xf5: {  	v5 =	vor.u32 s6, v3;
	v4 =	vld.idx.msk [tilespmem:v54+s14+$0x0], $0xffff;
	_ =	sdelay $0x4  }
0xf6: {  	[tilespmem:v5+s25+$0x0] =	vst.idx.msk $0xffff, v4  }
0xf7: {  	v4 =	vld @!p0 [tilespmem:s19+$0x4];
	_ =	sdelay $0x4  }
0xf8: {  	(v2sf) =	vpush @!p0 v4, $0x0;
	_ =	sdelay $0xe  }
0xf9: {  	s4 =	spop @!p0 (v2sf)  }
0xfa: {  	s4 =	sand.u32 @!p0 $0xFFFFF80, s4  }
0xfb: {  	s6 =	simm.s32 @!p0 $0x8280;
	s4 =	sadd.s32 @!p0 s1, s4  }
0xfc: {  	[tilespmem:s6], [sflag:$0x5] =	stream.strided.gather @!p0 [hbm4b:s4+s21], $0x2000, s22, s21, $0x38;
	[tilespmem:$0x1E280] =	vst v63  }
0xfd: {  	_ =	swait.ge [sflag:s31], $0x2000  }
0xfe: {  	[sflag:s31] =	ssyncset.done $0x0  }
0xff: {  	[sflag:s31] =	ssyncadd.s32 $0xFFFFE000  }
0x100: {  	v4 =	vld [tilespmem:s19+$0xFFFFFFF7];
	_ =	sdelay $0x4  }
0x101: {  	(v2sf) =	vpush v4, $0x0;
	_ =	sdelay $0xe  }
0x102: {  	s7 =	spop (v2sf)  }
0x103: {  	s4 =	sand.u32 $0x7F, s7  }
0x104: {  	v4 =	vor.u32 s4, v0;
	_ =	sdelay $0x2  }
0x105: {  	s6 =	sadd.s32 $0xFFFFFFF8, s18  }
0x106: {  	s8 =	sand.u32 $0x7F, s6  }
0x107: {  	v5 =	vor.u32 s8, v0;
	v4 =	vld.idx.msk [tilespmem:v4+s15+$0x0], $0xffff  }
0x108: {  	v55 =	vor.u32 s4, v1;
	_ =	sdelay $0x3  }
0x109: {  	[tilespmem:v5+s25+$0x0] =	vst.idx.msk $0xffff, v4  }
0x10a: {  	v5 =	vor.u32 s8, v1;
	v4 =	vld.idx.msk [tilespmem:v55+s15+$0x0], $0xffff  }
0x10b: {  	v56 =	vor.u32 s4, v2;
	_ =	sdelay $0x3  }
0x10c: {  	[tilespmem:v5+s25+$0x0] =	vst.idx.msk $0xffff, v4  }
0x10d: {  	v5 =	vor.u32 s8, v2;
	v4 =	vld.idx.msk [tilespmem:v56+s15+$0x0], $0xffff  }
0x10e: {  	v57 =	vor.u32 s4, v3;
	_ =	sdelay $0x3  }
0x10f: {  	[tilespmem:v5+s25+$0x0] =	vst.idx.msk $0xffff, v4  }
0x110: {  	v5 =	vor.u32 s8, v3;
	v4 =	vld.idx.msk [tilespmem:v57+s15+$0x0], $0xffff;
	_ =	sdelay $0x4  }
0x111: {  	[tilespmem:v5+s25+$0x0] =	vst.idx.msk $0xffff, v4  }
0x112: {  	v4 =	vld @!p0 [tilespmem:s19+$0x5];
	_ =	sdelay $0x4  }
0x113: {  	(v2sf) =	vpush @!p0 v4, $0x0;
	_ =	sdelay $0xe  }
0x114: {  	s4 =	spop @!p0 (v2sf)  }
0x115: {  	s4 =	sand.u32 @!p0 $0xFFFFF80, s4  }
0x116: {  	s23 =	simm.s32 @!p0 $0xA280;
	p1 =	sne.s32 s8, $0x7F;
	s4 =	sadd.s32 @!p0 s1, s4  }
0x117: {  	[tilespmem:s23], [sflag:$0x6] =	stream.strided.gather @!p0 [hbm4b:s4+s21], $0x2000, s22, s21, $0x38;
	[tilespmem:$0x1E280] =	vst v63  }
0x118: {  	s7 =	simm.s32 @!p1 $0x20000;
	s4 =	sand.u32 @!p1 $0x780, s6  }
0x119: {  	s6 =	simm.s32 @!p1 $0x400;
	s23 =	simm.s32 @!p1 $0x1C280;
	s4 =	sadd.s32 @!p1 s4, s5  }
0x11a: {  	[hbm4b:s4+s6] =	stream.strided.scatter @!p1 [tilespmem:s23], [sflag:$0x10], $0x2000, s7, s6, $0x38;
	[tilespmem:$0x1E280] =	vst v63  }
0x11b: {  	s4 =	simm.s32 @!p1 $0x10  }
0x11c: {  	_ =	swait.ge @!p1 [sflag:s4], $0x2000  }
0x11d: {  	[sflag:s4] =	ssyncset.done @!p1 $0x0  }
0x11e: {  	[sflag:s4] =	ssyncadd.s32 @!p1 $0xFFFFE000  }
0x11f: {  	_ =	swait.ge [sflag:s0], $0x2000  }
0x120: {  	[sflag:s0] =	ssyncset.done $0x0  }
0x121: {  	[sflag:s0] =	ssyncadd.s32 $0xFFFFE000  }
0x122: {  	v4 =	vld [tilespmem:s19+$0xFFFFFFF8];
	_ =	sdelay $0x4  }
0x123: {  	(v2sf) =	vpush v4, $0x0;
	_ =	sdelay $0xe  }
0x124: {  	s8 =	spop (v2sf)  }
0x125: {  	s4 =	sand.u32 $0x7F, s8  }
0x126: {  	v4 =	vor.u32 s4, v0;
	_ =	sdelay $0x2  }
0x127: {  	s23 =	sadd.s32 $0xFFFFFFF9, s18  }
0x128: {  	s6 =	sand.u32 $0x7E, s23  }
0x129: {  	v5 =	vor.u32 s6, v0;
	v4 =	vld.idx.msk [tilespmem:v4+s16+$0x0], $0xffff  }
0x12a: {  	v58 =	vor.u32 s4, v1;
	_ =	sdelay $0x3  }
0x12b: {  	[tilespmem:v5+s25+$0x0] =	vst.idx.msk $0xffff, v4  }
0x12c: {  	v5 =	vor.u32 s6, v1;
	v4 =	vld.idx.msk [tilespmem:v58+s16+$0x0], $0xffff  }
0x12d: {  	v59 =	vor.u32 s4, v2;
	_ =	sdelay $0x3  }
0x12e: {  	[tilespmem:v5+s25+$0x0] =	vst.idx.msk $0xffff, v4  }
0x12f: {  	v5 =	vor.u32 s6, v2;
	v4 =	vld.idx.msk [tilespmem:v59+s16+$0x0], $0xffff  }
0x130: {  	v60 =	vor.u32 s4, v3;
	_ =	sdelay $0x3  }
0x131: {  	[tilespmem:v5+s25+$0x0] =	vst.idx.msk $0xffff, v4  }
0x132: {  	v5 =	vor.u32 s6, v3;
	v4 =	vld.idx.msk [tilespmem:v60+s16+$0x0], $0xffff;
	_ =	sdelay $0x4  }
0x133: {  	[tilespmem:v5+s25+$0x0] =	vst.idx.msk $0xffff, v4  }
0x134: {  	v4 =	vld @!p0 [tilespmem:s19+$0x6];
	_ =	sdelay $0x4  }
0x135: {  	(v2sf) =	vpush @!p0 v4, $0x0;
	_ =	sdelay $0xe  }
0x136: {  	s4 =	spop @!p0 (v2sf)  }
0x137: {  	s4 =	sand.u32 @!p0 $0xFFFFF80, s4  }
0x138: {  	s6 =	simm.s32 @!p0 $0xC280;
	s4 =	sadd.s32 @!p0 s1, s4  }
0x139: {  	[tilespmem:s6], [sflag:$0x7] =	stream.strided.gather @!p0 [hbm4b:s4+s21], $0x2000, s22, s21, $0x38;
	[tilespmem:$0x1E280] =	vst v63  }
0x13a: {  	_ =	swait.ge [sflag:s2], $0x2000  }
0x13b: {  	[sflag:s2] =	ssyncset.done $0x0  }
0x13c: {  	[sflag:s2] =	ssyncadd.s32 $0xFFFFE000  }
0x13d: {  	v4 =	vld [tilespmem:s19+$0xFFFFFFF9];
	_ =	sdelay $0x4  }
0x13e: {  	(v2sf) =	vpush v4, $0x0;
	_ =	sdelay $0xe  }
0x13f: {  	s7 =	spop (v2sf)  }
0x140: {  	s4 =	sand.u32 $0x7F, s7  }
0x141: {  	v4 =	vor.u32 s4, v0;
	_ =	sdelay $0x2  }
0x142: {  	s6 =	sadd.s32 $0xFFFFFFFA, s18  }
0x143: {  	s8 =	sand.u32 $0x7F, s6  }
0x144: {  	v5 =	vor.u32 s8, v0;
	v4 =	vld.idx.msk [tilespmem:v4+s17+$0x0], $0xffff  }
0x145: {  	v61 =	vor.u32 s4, v1;
	_ =	sdelay $0x3  }
0x146: {  	[tilespmem:v5+s25+$0x0] =	vst.idx.msk $0xffff, v4  }
0x147: {  	v5 =	vor.u32 s8, v1;
	v4 =	vld.idx.msk [tilespmem:v61+s17+$0x0], $0xffff  }
0x148: {  	v62 =	vor.u32 s4, v2;
	_ =	sdelay $0x3  }
0x149: {  	[tilespmem:v5+s25+$0x0] =	vst.idx.msk $0xffff, v4  }
0x14a: {  	v5 =	vor.u32 s8, v2;
	v4 =	vld.idx.msk [tilespmem:v62+s17+$0x0], $0xffff  }
0x14b: {  	v63 =	vor.u32 s4, v3;
	_ =	sdelay $0x3  }
0x14c: {  	[tilespmem:v5+s25+$0x0] =	vst.idx.msk $0xffff, v4  }
0x14d: {  	v5 =	vor.u32 s8, v3;
	v4 =	vld.idx.msk [tilespmem:v63+s17+$0x0], $0xffff;
	_ =	sdelay $0x4  }
0x14e: {  	[tilespmem:v5+s25+$0x0] =	vst.idx.msk $0xffff, v4  }
0x14f: {  	v4 =	vld @!p0 [tilespmem:s19+$0x7];
	_ =	sdelay $0x4  }
0x150: {  	(v2sf) =	vpush @!p0 v4, $0x0;
	_ =	sdelay $0xe  }
0x151: {  	s4 =	spop @!p0 (v2sf)  }
0x152: {  	s4 =	sand.u32 @!p0 $0xFFFFF80, s4  }
0x153: {  	s23 =	simm.s32 @!p0 $0xE280;
	p1 =	sne.s32 s8, $0x7F;
	s4 =	sadd.s32 @!p0 s1, s4  }
0x154: {  	[tilespmem:s23], [sflag:$0x8] =	stream.strided.gather @!p0 [hbm4b:s4+s21], $0x2000, s22, s21, $0x38;
	[tilespmem:$0x1E280] =	vst v63  }
0x155: {  	s7 =	simm.s32 @!p1 $0x20000;
	s4 =	sand.u32 @!p1 $0x780, s6  }
0x156: {  	s6 =	simm.s32 @!p1 $0x400;
	s21 =	simm.s32 @!p1 $0x1C280;
	s4 =	sadd.s32 @!p1 s4, s5  }
0x157: {  	[hbm4b:s4+s6] =	stream.strided.scatter @!p1 [tilespmem:s21], [sflag:$0x10], $0x2000, s7, s6, $0x38;
	[tilespmem:$0x1E280] =	vst v63  }
0x158: {  	s4 =	simm.s32 @!p1 $0x10  }
0x159: {  	_ =	swait.ge @!p1 [sflag:s4], $0x2000  }
0x15a: {  	[sflag:s4] =	ssyncset.done @!p1 $0x0  }
0x15b: {  	[sflag:s4] =	ssyncadd.s32 @!p1 $0xFFFFE000;
	s4 =	simm.s32 @!p0 $0x9  }
0x15c: {  	_ =	swait.ge @!p0 [sflag:s4], $0x2000  }
0x15d: {  	[sflag:s4] =	ssyncset.done @!p0 $0x0  }
0x15e: {  	[sflag:s4] =	ssyncadd.s32 @!p0 $0xFFFFE000  }
0x15f: {  	v4 =	vld @!p0 [tilespmem:s19+$0xFFFFFFFA];
	_ =	sdelay $0x4  }
0x160: {  	(v2sf) =	vpush @!p0 v4, $0x0;
	_ =	sdelay $0xd  }
0x161: {  	v4 =	vlaneseq.u32 @!p0  }
0x162: {  	v4 =	vmul.u32 @!p0 $0x80, v4;
	s4 =	spop @!p0 (v2sf)  }
0x163: {  	s4 =	sand.u32 @!p0 $0x7F, s4  }
0x164: {  	v5 =	vor.u32 @!p0 s4, v4;
	_ =	sdelay $0x2  }
0x165: {  	s6 =	sadd.s32 @!p0 $0xFFFFFFFB, s18  }
0x166: {  	s7 =	simm.s32 @!p0 $0x10280;
	s6 =	sand.u32 @!p0 $0x7E, s6  }
0x167: {  	v7 =	vor.u32 @!p0 s6, v4;
	v6 =	vld.idx.msk @!p0 [tilespmem:v5+s7+$0x0], $0xffff;
	v5 =	vor.u32 @!p0 $0x800, v4  }
0x168: {  	v8 =	vor.u32 @!p0 s4, v5;
	_ =	sdelay $0x2  }
0x169: {  	s21 =	simm.s32 @!p0 $0x1C280  }
0x16a: {  	[tilespmem:v7+s21+$0x0] =	vst.idx.msk @!p0 $0xffff, v6  }
0x16b: {  	v6 =	vor.u32 @!p0 $0x1000, v4;
	v7 =	vld.idx.msk @!p0 [tilespmem:v8+s7+$0x0], $0xffff;
	v8 =	vor.u32 @!p0 s6, v5  }
0x16c: {  	v9 =	vor.u32 @!p0 s4, v6;
	_ =	sdelay $0x3  }
0x16d: {  	[tilespmem:v8+s21+$0x0] =	vst.idx.msk @!p0 $0xffff, v7  }
0x16e: {  	v7 =	vor.u32 @!p0 $0x1800, v4;
	v8 =	vld.idx.msk @!p0 [tilespmem:v9+s7+$0x0], $0xffff;
	v9 =	vor.u32 @!p0 s6, v6  }
0x16f: {  	v10 =	vor.u32 @!p0 s4, v7;
	_ =	sdelay $0x3  }
0x170: {  	[tilespmem:v9+s21+$0x0] =	vst.idx.msk @!p0 $0xffff, v8  }
0x171: {  	v9 =	vor.u32 @!p0 s6, v7;
	v8 =	vld.idx.msk @!p0 [tilespmem:v10+s7+$0x0], $0xffff;
	_ =	sdelay $0x3  }
0x172: {  	p1 =	sgt.u32 @!p0 s20, $0x22  }
0x173: {  	p1 =	por p1, p0;
	[tilespmem:v9+s21+$0x0] =	vst.idx.msk @!p0 $0xffff, v8  }
0x174: {  	v8 =	vld @!p1 [tilespmem:s19+$0x8];
	_ =	sdelay $0x4  }
0x175: {  	(v2sf) =	vpush @!p1 v8, $0x0;
	_ =	sdelay $0xe  }
0x176: {  	s4 =	spop @!p1 (v2sf)  }
0x177: {  	s22 =	simm.s32 @!p1 $0x400;
	s4 =	sand.u32 @!p1 $0xFFFFF80, s4  }
0x178: {  	s23 =	simm.s32 @!p1 $0x7A1400;
	s6 =	simm.s32 @!p1 $0x10280;
	s4 =	sadd.s32 @!p1 s1, s4  }
0x179: {  	[tilespmem:s6], [sflag:$0x9] =	stream.strided.gather @!p1 [hbm4b:s4+s22], $0x2000, s23, s22, $0x38;
	[tilespmem:$0x1E280] =	vst v63  }
0x17a: {  	s4 =	simm.s32 @!p0 $0xA  }
0x17b: {  	_ =	swait.ge @!p0 [sflag:s4], $0x2000  }
0x17c: {  	[sflag:s4] =	ssyncset.done @!p0 $0x0  }
0x17d: {  	[sflag:s4] =	ssyncadd.s32 @!p0 $0xFFFFE000  }
0x17e: {  	v8 =	vld @!p0 [tilespmem:s19+$0xFFFFFFFB];
	_ =	sdelay $0x4  }
0x17f: {  	(v2sf) =	vpush @!p0 v8, $0x0;
	_ =	sdelay $0xe  }
0x180: {  	s4 =	spop @!p0 (v2sf)  }
0x181: {  	s4 =	sand.u32 @!p0 $0x7F, s4  }
0x182: {  	v8 =	vor.u32 @!p0 s4, v4;
	_ =	sdelay $0x2  }
0x183: {  	s6 =	sadd.s32 @!p0 $0xFFFFFFFC, s18  }
0x184: {  	s8 =	simm.s32 @!p0 $0x12280;
	s7 =	sand.u32 @!p0 $0x7F, s6  }
0x185: {  	v9 =	vor.u32 @!p0 s7, v4;
	v8 =	vld.idx.msk @!p0 [tilespmem:v8+s8+$0x0], $0xffff  }
0x186: {  	v10 =	vor.u32 @!p0 s4, v5;
	_ =	sdelay $0x3  }
0x187: {  	[tilespmem:v9+s21+$0x0] =	vst.idx.msk @!p0 $0xffff, v8  }
0x188: {  	v9 =	vor.u32 @!p0 s7, v5;
	v8 =	vld.idx.msk @!p0 [tilespmem:v10+s8+$0x0], $0xffff  }
0x189: {  	v10 =	vor.u32 @!p0 s4, v6;
	_ =	sdelay $0x3  }
0x18a: {  	[tilespmem:v9+s21+$0x0] =	vst.idx.msk @!p0 $0xffff, v8  }
0x18b: {  	v9 =	vor.u32 @!p0 s7, v6;
	v8 =	vld.idx.msk @!p0 [tilespmem:v10+s8+$0x0], $0xffff  }
0x18c: {  	v10 =	vor.u32 @!p0 s4, v7;
	_ =	sdelay $0x3  }
0x18d: {  	[tilespmem:v9+s21+$0x0] =	vst.idx.msk @!p0 $0xffff, v8  }
0x18e: {  	v9 =	vor.u32 @!p0 s7, v7;
	v8 =	vld.idx.msk @!p0 [tilespmem:v10+s8+$0x0], $0xffff;
	_ =	sdelay $0x4  }
0x18f: {  	[tilespmem:v9+s21+$0x0] =	vst.idx.msk @!p0 $0xffff, v8  }
0x190: {  	v8 =	vld @!p1 [tilespmem:s19+$0x9];
	_ =	sdelay $0x4  }
0x191: {  	(v2sf) =	vpush @!p1 v8, $0x0;
	_ =	sdelay $0xe  }
0x192: {  	s4 =	spop @!p1 (v2sf)  }
0x193: {  	p2 =	sne.s32 @!p0 s7, $0x7F;
	s4 =	sand.u32 @!p1 $0xFFFFF80, s4  }
0x194: {  	p2 =	por p2, p0;
	s8 =	simm.s32 @!p1 $0x12280;
	s4 =	sadd.s32 @!p1 s1, s4  }
0x195: {  	[tilespmem:s8], [sflag:$0xA] =	stream.strided.gather @!p1 [hbm4b:s4+s22], $0x2000, s23, s22, $0x38;
	[tilespmem:$0x1E280] =	vst v63  }
0x196: {  	s7 =	simm.s32 @!p2 $0x20000;
	s4 =	sand.u32 @!p2 $0x780, s6  }
0x197: {  	s6 =	simm.s32 @!p2 $0x400;
	s8 =	simm.s32 @!p2 $0x1C280;
	s4 =	sadd.s32 @!p2 s4, s5  }
0x198: {  	[hbm4b:s4+s6] =	stream.strided.scatter @!p2 [tilespmem:s8], [sflag:$0x10], $0x2000, s7, s6, $0x38;
	[tilespmem:$0x1E280] =	vst v63  }
0x199: {  	s4 =	simm.s32 @!p2 $0x10  }
0x19a: {  	_ =	swait.ge @!p2 [sflag:s4], $0x2000  }
0x19b: {  	[sflag:s4] =	ssyncset.done @!p2 $0x0  }
0x19c: {  	[sflag:s4] =	ssyncadd.s32 @!p2 $0xFFFFE000;
	s4 =	simm.s32 @!p0 $0xB  }
0x19d: {  	_ =	swait.ge @!p0 [sflag:s4], $0x2000  }
0x19e: {  	[sflag:s4] =	ssyncset.done @!p0 $0x0  }
0x19f: {  	[sflag:s4] =	ssyncadd.s32 @!p0 $0xFFFFE000  }
0x1a0: {  	v8 =	vld @!p0 [tilespmem:s19+$0xFFFFFFFC];
	_ =	sdelay $0x4  }
0x1a1: {  	(v2sf) =	vpush @!p0 v8, $0x0;
	_ =	sdelay $0xe  }
0x1a2: {  	s4 =	spop @!p0 (v2sf)  }
0x1a3: {  	s4 =	sand.u32 @!p0 $0x7F, s4  }
0x1a4: {  	v8 =	vor.u32 @!p0 s4, v4;
	_ =	sdelay $0x2  }
0x1a5: {  	s6 =	sadd.s32 @!p0 $0xFFFFFFFD, s18  }
0x1a6: {  	s7 =	simm.s32 @!p0 $0x14280;
	s6 =	sand.u32 @!p0 $0x7E, s6  }
0x1a7: {  	v9 =	vor.u32 @!p0 s6, v4;
	v8 =	vld.idx.msk @!p0 [tilespmem:v8+s7+$0x0], $0xffff  }
0x1a8: {  	v10 =	vor.u32 @!p0 s4, v5;
	_ =	sdelay $0x3  }
0x1a9: {  	[tilespmem:v9+s21+$0x0] =	vst.idx.msk @!p0 $0xffff, v8  }
0x1aa: {  	v9 =	vor.u32 @!p0 s6, v5;
	v8 =	vld.idx.msk @!p0 [tilespmem:v10+s7+$0x0], $0xffff  }
0x1ab: {  	v10 =	vor.u32 @!p0 s4, v6;
	_ =	sdelay $0x3  }
0x1ac: {  	[tilespmem:v9+s21+$0x0] =	vst.idx.msk @!p0 $0xffff, v8  }
0x1ad: {  	v9 =	vor.u32 @!p0 s6, v6;
	v8 =	vld.idx.msk @!p0 [tilespmem:v10+s7+$0x0], $0xffff  }
0x1ae: {  	v10 =	vor.u32 @!p0 s4, v7;
	_ =	sdelay $0x3  }
0x1af: {  	[tilespmem:v9+s21+$0x0] =	vst.idx.msk @!p0 $0xffff, v8  }
0x1b0: {  	v9 =	vor.u32 @!p0 s6, v7;
	v8 =	vld.idx.msk @!p0 [tilespmem:v10+s7+$0x0], $0xffff;
	_ =	sdelay $0x4  }
0x1b1: {  	[tilespmem:v9+s21+$0x0] =	vst.idx.msk @!p0 $0xffff, v8  }
0x1b2: {  	v8 =	vld @!p1 [tilespmem:s19+$0xA];
	_ =	sdelay $0x4  }
0x1b3: {  	(v2sf) =	vpush @!p1 v8, $0x0;
	_ =	sdelay $0xe  }
0x1b4: {  	s4 =	spop @!p1 (v2sf)  }
0x1b5: {  	s4 =	sand.u32 @!p1 $0xFFFFF80, s4  }
0x1b6: {  	s6 =	simm.s32 @!p1 $0x14280;
	s4 =	sadd.s32 @!p1 s1, s4  }
0x1b7: {  	[tilespmem:s6], [sflag:$0xB] =	stream.strided.gather @!p1 [hbm4b:s4+s22], $0x2000, s23, s22, $0x38;
	[tilespmem:$0x1E280] =	vst v63  }
0x1b8: {  	s4 =	simm.s32 @!p0 $0xC  }
0x1b9: {  	_ =	swait.ge @!p0 [sflag:s4], $0x2000  }
0x1ba: {  	[sflag:s4] =	ssyncset.done @!p0 $0x0  }
0x1bb: {  	[sflag:s4] =	ssyncadd.s32 @!p0 $0xFFFFE000  }
0x1bc: {  	v8 =	vld @!p0 [tilespmem:s19+$0xFFFFFFFD];
	_ =	sdelay $0x4  }
0x1bd: {  	(v2sf) =	vpush @!p0 v8, $0x0;
	_ =	sdelay $0xe  }
0x1be: {  	s4 =	spop @!p0 (v2sf)  }
0x1bf: {  	s4 =	sand.u32 @!p0 $0x7F, s4  }
0x1c0: {  	v8 =	vor.u32 @!p0 s4, v4;
	_ =	sdelay $0x2  }
0x1c1: {  	s6 =	sadd.s32 @!p0 $0xFFFFFFFE, s18  }
0x1c2: {  	s8 =	simm.s32 @!p0 $0x16280;
	s7 =	sand.u32 @!p0 $0x7F, s6  }
0x1c3: {  	v9 =	vor.u32 @!p0 s7, v4;
	v8 =	vld.idx.msk @!p0 [tilespmem:v8+s8+$0x0], $0xffff  }
0x1c4: {  	v10 =	vor.u32 @!p0 s4, v5;
	_ =	sdelay $0x3  }
0x1c5: {  	[tilespmem:v9+s21+$0x0] =	vst.idx.msk @!p0 $0xffff, v8  }
0x1c6: {  	v9 =	vor.u32 @!p0 s7, v5;
	v8 =	vld.idx.msk @!p0 [tilespmem:v10+s8+$0x0], $0xffff  }
0x1c7: {  	v10 =	vor.u32 @!p0 s4, v6;
	_ =	sdelay $0x3  }
0x1c8: {  	[tilespmem:v9+s21+$0x0] =	vst.idx.msk @!p0 $0xffff, v8  }
0x1c9: {  	v9 =	vor.u32 @!p0 s7, v6;
	v8 =	vld.idx.msk @!p0 [tilespmem:v10+s8+$0x0], $0xffff  }
0x1ca: {  	v10 =	vor.u32 @!p0 s4, v7;
	_ =	sdelay $0x3  }
0x1cb: {  	[tilespmem:v9+s21+$0x0] =	vst.idx.msk @!p0 $0xffff, v8  }
0x1cc: {  	v9 =	vor.u32 @!p0 s7, v7;
	v8 =	vld.idx.msk @!p0 [tilespmem:v10+s8+$0x0], $0xffff;
	_ =	sdelay $0x4  }
0x1cd: {  	[tilespmem:v9+s21+$0x0] =	vst.idx.msk @!p0 $0xffff, v8  }
0x1ce: {  	v8 =	vld @!p1 [tilespmem:s19+$0xB];
	_ =	sdelay $0x4  }
0x1cf: {  	(v2sf) =	vpush @!p1 v8, $0x0;
	_ =	sdelay $0xe  }
0x1d0: {  	s4 =	spop @!p1 (v2sf)  }
0x1d1: {  	p2 =	sne.s32 @!p0 s7, $0x7F;
	s4 =	sand.u32 @!p1 $0xFFFFF80, s4  }
0x1d2: {  	p2 =	por p2, p0;
	s8 =	simm.s32 @!p1 $0x16280;
	s4 =	sadd.s32 @!p1 s1, s4  }
0x1d3: {  	[tilespmem:s8], [sflag:$0xC] =	stream.strided.gather @!p1 [hbm4b:s4+s22], $0x2000, s23, s22, $0x38;
	[tilespmem:$0x1E280] =	vst v63  }
0x1d4: {  	s7 =	simm.s32 @!p2 $0x20000;
	s4 =	sand.u32 @!p2 $0x780, s6  }
0x1d5: {  	s6 =	simm.s32 @!p2 $0x400;
	s8 =	simm.s32 @!p2 $0x1C280;
	s4 =	sadd.s32 @!p2 s4, s5  }
0x1d6: {  	[hbm4b:s4+s6] =	stream.strided.scatter @!p2 [tilespmem:s8], [sflag:$0x10], $0x2000, s7, s6, $0x38;
	[tilespmem:$0x1E280] =	vst v63  }
0x1d7: {  	s4 =	simm.s32 @!p2 $0x10  }
0x1d8: {  	_ =	swait.ge @!p2 [sflag:s4], $0x2000  }
0x1d9: {  	[sflag:s4] =	ssyncset.done @!p2 $0x0  }
0x1da: {  	[sflag:s4] =	ssyncadd.s32 @!p2 $0xFFFFE000;
	s4 =	simm.s32 @!p0 $0xD  }
0x1db: {  	_ =	swait.ge @!p0 [sflag:s4], $0x2000  }
0x1dc: {  	[sflag:s4] =	ssyncset.done @!p0 $0x0  }
0x1dd: {  	[sflag:s4] =	ssyncadd.s32 @!p0 $0xFFFFE000  }
0x1de: {  	v8 =	vld @!p0 [tilespmem:s19+$0xFFFFFFFE];
	_ =	sdelay $0x4  }
0x1df: {  	(v2sf) =	vpush @!p0 v8, $0x0;
	_ =	sdelay $0xe  }
0x1e0: {  	s4 =	spop @!p0 (v2sf)  }
0x1e1: {  	s4 =	sand.u32 @!p0 $0x7F, s4  }
0x1e2: {  	v8 =	vor.u32 @!p0 s4, v4;
	_ =	sdelay $0x2  }
0x1e3: {  	s6 =	sadd.s32 @!p0 $0xFFFFFFFF, s18  }
0x1e4: {  	s7 =	simm.s32 @!p0 $0x18280;
	s6 =	sand.u32 @!p0 $0x7E, s6  }
0x1e5: {  	v9 =	vor.u32 @!p0 s6, v4;
	v8 =	vld.idx.msk @!p0 [tilespmem:v8+s7+$0x0], $0xffff  }
0x1e6: {  	v10 =	vor.u32 @!p0 s4, v5;
	_ =	sdelay $0x3  }
0x1e7: {  	[tilespmem:v9+s21+$0x0] =	vst.idx.msk @!p0 $0xffff, v8  }
0x1e8: {  	v9 =	vor.u32 @!p0 s6, v5;
	v8 =	vld.idx.msk @!p0 [tilespmem:v10+s7+$0x0], $0xffff  }
0x1e9: {  	v10 =	vor.u32 @!p0 s4, v6;
	_ =	sdelay $0x3  }
0x1ea: {  	[tilespmem:v9+s21+$0x0] =	vst.idx.msk @!p0 $0xffff, v8  }
0x1eb: {  	v9 =	vor.u32 @!p0 s6, v6;
	v8 =	vld.idx.msk @!p0 [tilespmem:v10+s7+$0x0], $0xffff  }
0x1ec: {  	v10 =	vor.u32 @!p0 s4, v7;
	_ =	sdelay $0x3  }
0x1ed: {  	[tilespmem:v9+s21+$0x0] =	vst.idx.msk @!p0 $0xffff, v8  }
0x1ee: {  	v9 =	vor.u32 @!p0 s6, v7;
	v8 =	vld.idx.msk @!p0 [tilespmem:v10+s7+$0x0], $0xffff;
	_ =	sdelay $0x4  }
0x1ef: {  	[tilespmem:v9+s21+$0x0] =	vst.idx.msk @!p0 $0xffff, v8  }
0x1f0: {  	v8 =	vld @!p1 [tilespmem:s19+$0xC];
	_ =	sdelay $0x4  }
0x1f1: {  	(v2sf) =	vpush @!p1 v8, $0x0;
	_ =	sdelay $0xe  }
0x1f2: {  	s4 =	spop @!p1 (v2sf)  }
0x1f3: {  	s4 =	sand.u32 @!p1 $0xFFFFF80, s4  }
0x1f4: {  	s6 =	simm.s32 @!p1 $0x18280;
	s4 =	sadd.s32 @!p1 s1, s4  }
0x1f5: {  	[tilespmem:s6], [sflag:$0xD] =	stream.strided.gather @!p1 [hbm4b:s4+s22], $0x2000, s23, s22, $0x38;
	[tilespmem:$0x1E280] =	vst v63  }
0x1f6: {  	s4 =	simm.s32 @!p0 $0xE  }
0x1f7: {  	_ =	swait.ge @!p0 [sflag:s4], $0x2000  }
0x1f8: {  	[sflag:s4] =	ssyncset.done @!p0 $0x0  }
0x1f9: {  	[sflag:s4] =	ssyncadd.s32 @!p0 $0xFFFFE000  }
0x1fa: {  	v8 =	vld @!p0 [tilespmem:s19+$0xFFFFFFFF];
	_ =	sdelay $0x4  }
0x1fb: {  	(v2sf) =	vpush @!p0 v8, $0x0;
	_ =	sdelay $0xe  }
0x1fc: {  	s4 =	spop @!p0 (v2sf)  }
0x1fd: {  	s4 =	sand.u32 @!p0 $0x7F, s4  }
0x1fe: {  	v8 =	vor.u32 @!p0 s4, v4;
	_ =	sdelay $0x3  }
0x1ff: {  	s7 =	simm.s32 @!p0 $0x1A280;
	s6 =	sand.u32 @!p0 $0x7F, s18  }
0x200: {  	v4 =	vor.u32 @!p0 s6, v4;
	v8 =	vld.idx.msk @!p0 [tilespmem:v8+s7+$0x0], $0xffff  }
0x201: {  	v9 =	vor.u32 @!p0 s4, v5;
	_ =	sdelay $0x3  }
0x202: {  	[tilespmem:v4+s21+$0x0] =	vst.idx.msk @!p0 $0xffff, v8  }
0x203: {  	v5 =	vor.u32 @!p0 s6, v5;
	v4 =	vld.idx.msk @!p0 [tilespmem:v9+s7+$0x0], $0xffff  }
0x204: {  	v8 =	vor.u32 @!p0 s4, v6;
	_ =	sdelay $0x3  }
0x205: {  	[tilespmem:v5+s21+$0x0] =	vst.idx.msk @!p0 $0xffff, v4  }
0x206: {  	v5 =	vor.u32 @!p0 s6, v6;
	v4 =	vld.idx.msk @!p0 [tilespmem:v8+s7+$0x0], $0xffff  }
0x207: {  	v6 =	vor.u32 @!p0 s4, v7;
	_ =	sdelay $0x3  }
0x208: {  	[tilespmem:v5+s21+$0x0] =	vst.idx.msk @!p0 $0xffff, v4  }
0x209: {  	v5 =	vor.u32 @!p0 s6, v7;
	v4 =	vld.idx.msk @!p0 [tilespmem:v6+s7+$0x0], $0xffff;
	_ =	sdelay $0x4  }
0x20a: {  	[tilespmem:v5+s21+$0x0] =	vst.idx.msk @!p0 $0xffff, v4  }
0x20b: {  	v4 =	vld @!p1 [tilespmem:s19+$0xD];
	_ =	sdelay $0x4  }
0x20c: {  	(v2sf) =	vpush @!p1 v4, $0x0;
	_ =	sdelay $0xe  }
0x20d: {  	s4 =	spop @!p1 (v2sf)  }
0x20e: {  	s4 =	sand.u32 @!p1 $0xFFFFF80, s4  }
0x20f: {  	s7 =	simm.s32 @!p1 $0x1A280;
	s4 =	sadd.s32 @!p1 s1, s4  }
0x210: {  	[tilespmem:s7], [sflag:$0xE] =	stream.strided.gather @!p1 [hbm4b:s4+s22], $0x2000, s23, s22, $0x38;
	[tilespmem:$0x1E280] =	vst v63  }
0x211: {  	p1 =	sne.s32 @!p0 s6, $0x7F  }
0x212: {  	p1 =	por p1, p0  }
0x213: {  	s4 =	sand.u32 @!p1 $0x780, s18  }
0x214: {  	s6 =	simm.s32 @!p1 $0x400;
	s7 =	simm.s32 @!p1 $0x20000;
	s18 =	sadd.s32 @!p0 $0xE, s18  }
0x215: {  	s8 =	simm.s32 @!p1 $0x1C280;
	s4 =	sadd.s32 @!p1 s4, s5;
	p2 =	sne.s32 @!p0 s18, $0x213  }
0x216: {  	[hbm4b:s4+s6] =	stream.strided.scatter @!p1 [tilespmem:s8], [sflag:$0xF], $0x2000, s7, s6, $0x38;
	[tilespmem:$0x1E280] =	vst v63  }
0x217: {  	p2 =	por p0, !p2  }
.Ltmp0:
0x218: {  	_ = 	snop;
	(pc) =	sbr.rel @!p2 .LBB2_2-.Ltmp0, $4  }
0x219: {  	s4 =	simm.s32 @!p1 $0xF  }
0x21a: {  	_ =	swait.ge @!p1 [sflag:s4], $0x2000  }
0x21b: {  	[sflag:s4] =	ssyncset.done @!p1 $0x0  }
0x21c: {  	s20 =	sadd.s32 @!p0 $0x1, s20;
	s19 =	sadd.s32 @!p0 $0xE, s19;
	[sflag:s4] =	ssyncadd.s32 @!p1 $0xFFFFE000  }
0x21d: {  	s3 =	sadd.s32 $0x1, s3;
	s4 =	rddreg [dreg:$0x5]  }
0x21e: {  	p0 =	sne.s32 s3, s4  }
.Ltmp1:
0x21f: {  	_ = 	snop;
	(pc) =	sbr.rel @p0 .LBB2_1-.Ltmp1, $1  }
0x220: {  	_ =	sdelay $0x3  }
0x221: {  	_ =	sfence.sel $0x180000  }
0x222: {  	[bflag:$0x0] =	sbarrier.arrive $0xFFFF  }
0x223: {  	_ =	strace $0x90000047  }
0x224: {  	s0 =	stileid.u32;
	[bflag:$0x2] =	sbarrier.arrive $0xFFFF  }
0x225: {  	p0 =	sne.s32 s0, $0x0;
	s0 =	rddreg [dreg:$0x3]  }
0x226: {  	s0 =	sadd.s32 @!p0 $0x100000, s0  }
0x227: {  	[sflag:s0] =	ssyncadd.tile.s32 @!p0 $0x1;
	_ =	shalt  }
.Lfunc_end2:
_tile_overlayer_lowered:
.L_overlay_start_2:
0x228: {  	(tag) =	ssettag $0x2  }
0x229: {  	s0 =	rddreg [dreg:$0x0];
	s2 =	stileid.u32  }
0x22a: {  	s1 =	rddreg [dreg:$0x1];
	p0 =	sne.s32 s2, $0x0  }
0x22b: {  	s3 =	rddreg [dreg:$0x2];
	[bflag:$0x3] =	sbarrier.arrive $0xFFFF;
	s2 =	simm.s32 @!p0 $0x1C0F  }
0x22c: {  	[timem:s3], [sflag:s2] =	dma.local @!p0 [hbm:s0], s1  }
0x22d: {  	s0 =	simm.s32 @!p0 $0xF  }
0x22e: {  	_ =	swait.ge @!p0 [sflag:s0], s1  }
0x22f: {  	s1 =	ssub.s32 @!p0 $0x0, s1;
	[sflag:s0] =	ssyncset.done @!p0 $0x0  }
0x230: {  	[sflag:s0] =	ssyncadd.s32 @!p0 s1  }
0x231: {  	[bflag:$0x3] =	sbarrier.arrive $0xFFFF  }
0x232: {  	_ =	shalt  }

</sc_bundles>
